<compile_context>
chip_gen: v7x
topology: tpu7x:2x2x1
jax: 0.10.2.dev20260603
libtpu: 0.0.44.dev20260713+nightly
codegen_flags: <defaults>
</compile_context>

<pallas_src>
import functools

import jax
import jax.numpy as jnp
from jax import lax
from jax.experimental import pallas as pl
from jax.experimental.pallas import tpu as pltpu
from jax.experimental.pallas import tpu_sc as plsc

MAXLEN = 200
EMBED = 128
BATCH = 4096

_info = plsc.get_sparse_core_info()
NC, NS, L = _info.num_cores, _info.num_subcores, _info.num_lanes
NW = NC * NS
SEQ_PER_W = BATCH // NW
VPR = EMBED // L
IDX_CHUNKS = 2
IDX_MINOR = MAXLEN // IDX_CHUNKS
NSLOT = 3


def _body(x_hbm, tok_hbm, pos_hbm, out_hbm,
          idx_ring, buf, pos_v, g0, g1, g2, o0, o1, o2, i0, i1, i2):
    gsem = (g0, g1, g2)
    osem = (o0, o1, o2)
    isem = (i0, i1, i2)
    wid = lax.axis_index("s") * NC + lax.axis_index("c")
    out_base = wid * SEQ_PER_W * MAXLEN

    pltpu.sync_copy(pos_hbm, pos_v)

    def fetch_idx(s, slot):
        pltpu.async_copy(x_hbm.at[wid, s], idx_ring.at[slot], isem[slot])

    def wait_idx(slot):
        pltpu.make_async_copy(x_hbm.at[wid, 0], idx_ring.at[slot],
                              isem[slot]).wait()

    def start_gather(slot):
        for j in range(IDX_CHUNKS):
            pltpu.async_copy(tok_hbm.at[idx_ring.at[slot, j]],
                             buf.at[slot, pl.ds(j * IDX_MINOR, IDX_MINOR)],
                             gsem[slot])

    def wait_gather(slot):
        for j in range(IDX_CHUNKS):
            pltpu.make_async_copy(tok_hbm.at[idx_ring.at[0, j]],
                                  buf.at[slot, pl.ds(j * IDX_MINOR, IDX_MINOR)],
                                  gsem[slot]).wait()

    def add_pos(slot, lo, n):
        @plsc.parallel_loop(lo, lo + n, unroll=4)
        def add_row(r):
            for cc in range(VPR):
                sl = pl.ds(cc * L, L)
                plsc.addupdate(buf.at[slot, r, sl], pos_v[r, sl])

    def start_out_part(s, slot, lo, n):
        pltpu.async_copy(buf.at[slot, pl.ds(lo, n)],
                         out_hbm.at[pl.ds(out_base + s * MAXLEN + lo, n)],
                         osem[slot])

    def wait_out(slot):
        pltpu.make_async_copy(buf.at[slot],
                              out_hbm.at[pl.ds(0, MAXLEN)],
                              osem[slot]).wait()

    for s in range(NSLOT):
        fetch_idx(s, s)
    for s in range(NSLOT - 1):
        wait_idx(s)
        start_gather(s)

    def step(k, carry):
        for r in range(NSLOT):
            s = NSLOT * k + r

            @pl.when(s < SEQ_PER_W)
            def _compute():
                wait_gather(r)
                add_pos(r, 0, 96)
                start_out_part(s, r, 0, 96)
                add_pos(r, 96, 104)
                start_out_part(s, r, 96, 104)

            @pl.when(s + NSLOT < SEQ_PER_W)
            def _refill():
                fetch_idx(s + NSLOT, r)

            pslot = (r + NSLOT - 1) % NSLOT
            pf_ok = s + NSLOT - 1 < SEQ_PER_W
            if r == 0:
                @pl.when(pf_ok & (k > 0))
                def _drain0():
                    wait_out(pslot)
            else:
                @pl.when(pf_ok)
                def _drain():
                    wait_out(pslot)

            @pl.when(pf_ok)
            def _prefetch():
                wait_idx(pslot)
                start_gather(pslot)
        return carry

    lax.fori_loop(0, (SEQ_PER_W + NSLOT) // NSLOT, step, 0, unroll=False)

    for s in range(SEQ_PER_W - NSLOT, SEQ_PER_W):
        wait_out(s % NSLOT)


@functools.partial(jax.jit, static_argnames=())
def kernel(x, token_table, pos_table):
    x4 = x.astype(jnp.int32).reshape(NW, SEQ_PER_W, IDX_CHUNKS, IDX_MINOR)
    mesh = plsc.VectorSubcoreMesh(core_axis_name="c", subcore_axis_name="s")
    run = pl.kernel(
        _body,
        mesh=mesh,
        out_type=jax.ShapeDtypeStruct((BATCH * MAXLEN, EMBED), jnp.float32),
        scratch_types=[
            pltpu.VMEM((NSLOT, IDX_CHUNKS, IDX_MINOR), jnp.int32),
            pltpu.VMEM((NSLOT, MAXLEN, EMBED), jnp.float32),
            pltpu.VMEM((MAXLEN, EMBED), jnp.float32),
            pltpu.SemaphoreType.DMA,
            pltpu.SemaphoreType.DMA,
            pltpu.SemaphoreType.DMA,
            pltpu.SemaphoreType.DMA,
            pltpu.SemaphoreType.DMA,
            pltpu.SemaphoreType.DMA,
            pltpu.SemaphoreType.DMA,
            pltpu.SemaphoreType.DMA,
            pltpu.SemaphoreType.DMA,
        ],
    )
    out = run(x4, token_table, pos_table)
    return out.reshape(BATCH, MAXLEN, EMBED)

# --- scband reference (transcript-rebuilt; emitter-appended) ---
"""Pipeline reference for scband-token-and-position-embedding-75788992905724 (READ-ONLY COPY).

The authoritative reference and input builder live on the scoring server;
editing this copy changes nothing except your own understanding.
"""

import jax, jax.numpy as jnp
import numpy as np

MAXLEN = 200
VOCAB_SIZE = 100000
EMBED_DIM = 128
BATCH = 4096

def setup_inputs(seed: int = 0) -> dict:
    key = jax.random.key(seed)
    k1, k2, k3 = jax.random.split(key, 3)
    x = jax.random.randint(k1, (BATCH, MAXLEN), 0, VOCAB_SIZE, dtype=jnp.int64 if jax.config.jax_enable_x64 else jnp.int32)
    token_table = jax.random.normal(k2, (VOCAB_SIZE, EMBED_DIM), dtype=jnp.float32) * 0.05
    pos_table = jax.random.normal(k3, (MAXLEN, EMBED_DIM), dtype=jnp.float32) * 0.05
    return {"x": x, "token_table": token_table, "pos_table": pos_table}

def reference(x, token_table, pos_table):
    # Faithful translation of TokenAndPositionEmbedding.call
    maxlen = x.shape[-1]
    positions = jnp.arange(0, maxlen, 1)
    pos_emb = jnp.take(pos_table, positions, axis=0)      # [maxlen, embed_dim]
    tok_emb = jnp.take(token_table, x, axis=0)            # [B, maxlen, embed_dim]
    return tok_emb + pos_emb

if __name__ == "__main__":
    import jax
    _d = setup_inputs()
    print(jax.jit(kernel)(*tuple(_d.values())))

</pallas_src>

<mosaic_0001>
#map = affine_map<(d0, d1) -> (0, 0, 0, 0)>
#map1 = affine_map<(d0, d1) -> (0, 0)>
module attributes {stable_mosaic.version = 14 : i64} {
  func.func @_body(%arg0: i32, %arg1: i32, %arg2: memref<32x128x2x100xi32, #tpu.memory_space<hbm>>, %arg3: memref<100000x128xf32, #tpu.memory_space<hbm>>, %arg4: memref<200x128xf32, #tpu.memory_space<hbm>>, %arg5: memref<819200x128xf32, #tpu.memory_space<hbm>>, %arg6: memref<3x2x100xi32, #tpu.memory_space<vmem>>, %arg7: memref<3x200x128xf32, #tpu.memory_space<vmem>>, %arg8: memref<200x128xf32, #tpu.memory_space<vmem>>, %arg9: memref<!tpu.dma_semaphore, #tpu.memory_space<semaphore_mem>>, %arg10: memref<!tpu.dma_semaphore, #tpu.memory_space<semaphore_mem>>, %arg11: memref<!tpu.dma_semaphore, #tpu.memory_space<semaphore_mem>>, %arg12: memref<!tpu.dma_semaphore, #tpu.memory_space<semaphore_mem>>, %arg13: memref<!tpu.dma_semaphore, #tpu.memory_space<semaphore_mem>>, %arg14: memref<!tpu.dma_semaphore, #tpu.memory_space<semaphore_mem>>, %arg15: memref<!tpu.dma_semaphore, #tpu.memory_space<semaphore_mem>>, %arg16: memref<!tpu.dma_semaphore, #tpu.memory_space<semaphore_mem>>, %arg17: memref<!tpu.dma_semaphore, #tpu.memory_space<semaphore_mem>>) attributes {dimension_semantics = [#tpu.dimension_semantics<core_parallel>, #tpu.dimension_semantics<subcore_parallel>], iteration_bounds = array<i64: 2, 16>, scalar_prefetch = 0 : i64, scratch_operands = 12 : i64, tpu.core_type = #tpu.core_type<sc_vector_subcore>, window_params = [{transform_indices = #map}, {transform_indices = #map1}, {transform_indices = #map1}, {transform_indices = #map1}]} {
    %mul3A = arith.constant 2 : i32
    %mul3A_0 = arith.muli %arg1, %mul3A : i32
    %add3A = arith.addi %mul3A_0, %arg0 : i32
    %mul3A_1 = arith.constant 128 : i32
    %mul3A_2 = arith.muli %add3A, %mul3A_1 : i32
    %mul3A_3 = arith.constant 200 : i32
    %mul3A_4 = arith.muli %mul3A_2, %mul3A_3 : i32
    "tpu.region"() ({
      %run_scoped3A = tpu.sem_alloc : memref<!tpu.dma_semaphore, #tpu.memory_space<semaphore_mem>>
      tpu.enqueue_dma source(%arg4 : memref<200x128xf32, #tpu.memory_space<hbm>>) target(%arg8 : memref<200x128xf32, #tpu.memory_space<vmem>>) target_semaphore(%run_scoped3A : memref<!tpu.dma_semaphore, #tpu.memory_space<semaphore_mem>>)
      tpu.wait_dma2 semaphore(%run_scoped3A : memref<!tpu.dma_semaphore, #tpu.memory_space<semaphore_mem>>) src(%arg4 : memref<200x128xf32, #tpu.memory_space<hbm>>) dst(%arg8 : memref<200x128xf32, #tpu.memory_space<vmem>>)
      tpu.yield
    }) : () -> ()
    %dma_start3A = arith.constant 0 : i32
    %dma_start3A_5 = arith.constant 0 : i32
    %dma_start3A_6 = arith.constant 0 : i32
    %dma_start3A_7 = arith.constant 0 : i32
    %dma_start3A_8 = tpu.memref_slice %arg6[%dma_start3A_5, %dma_start3A_6, %dma_start3A_7] : memref<3x2x100xi32, #tpu.memory_space<vmem>> -> memref<1x2x100xi32, #tpu.memory_space<vmem>>
    %dma_start3A_9 = tpu.memref_squeeze %dma_start3A_8 : memref<1x2x100xi32, #tpu.memory_space<vmem>> -> memref<2x100xi32, #tpu.memory_space<vmem>>
    %dma_start3A_10 = arith.constant 0 : i32
    %dma_start3A_11 = arith.constant 0 : i32
    %dma_start3A_12 = tpu.memref_slice %arg2[%add3A, %dma_start3A, %dma_start3A_10, %dma_start3A_11] : memref<32x128x2x100xi32, #tpu.memory_space<hbm>> -> memref<1x1x2x100xi32, #tpu.memory_space<hbm>>
    %dma_start3A_13 = tpu.memref_squeeze %dma_start3A_12 : memref<1x1x2x100xi32, #tpu.memory_space<hbm>> -> memref<2x100xi32, #tpu.memory_space<hbm>>
    %dma_start3A_14 = arith.constant 0 : i32
    %dma_start3A_15 = arith.constant 0 : i32
    %dma_start3A_16 = tpu.memref_slice %arg6[%dma_start3A_5, %dma_start3A_14, %dma_start3A_15] : memref<3x2x100xi32, #tpu.memory_space<vmem>> -> memref<1x2x100xi32, #tpu.memory_space<vmem>>
    %dma_start3A_17 = tpu.memref_squeeze %dma_start3A_16 : memref<1x2x100xi32, #tpu.memory_space<vmem>> -> memref<2x100xi32, #tpu.memory_space<vmem>>
    %dma_start3A_18 = arith.constant 0 : i32
    %dma_start3A_19 = arith.constant 0 : i32
    %dma_start3A_20 = tpu.memref_slice %arg2[%add3A, %dma_start3A, %dma_start3A_18, %dma_start3A_19] : memref<32x128x2x100xi32, #tpu.memory_space<hbm>> -> memref<1x1x2x100xi32, #tpu.memory_space<hbm>>
    %dma_start3A_21 = tpu.memref_squeeze %dma_start3A_20 : memref<1x1x2x100xi32, #tpu.memory_space<hbm>> -> memref<2x100xi32, #tpu.memory_space<hbm>>
    tpu.enqueue_dma source(%dma_start3A_21 : memref<2x100xi32, #tpu.memory_space<hbm>>) target(%dma_start3A_17 : memref<2x100xi32, #tpu.memory_space<vmem>>) target_semaphore(%arg15 : memref<!tpu.dma_semaphore, #tpu.memory_space<semaphore_mem>>)
    %dma_start3A_22 = arith.constant 1 : i32
    %dma_start3A_23 = arith.constant 1 : i32
    %dma_start3A_24 = arith.constant 0 : i32
    %dma_start3A_25 = arith.constant 0 : i32
    %dma_start3A_26 = tpu.memref_slice %arg6[%dma_start3A_23, %dma_start3A_24, %dma_start3A_25] : memref<3x2x100xi32, #tpu.memory_space<vmem>> -> memref<1x2x100xi32, #tpu.memory_space<vmem>>
    %dma_start3A_27 = tpu.memref_squeeze %dma_start3A_26 : memref<1x2x100xi32, #tpu.memory_space<vmem>> -> memref<2x100xi32, #tpu.memory_space<vmem>>
    %dma_start3A_28 = arith.constant 0 : i32
    %dma_start3A_29 = arith.constant 0 : i32
    %dma_start3A_30 = tpu.memref_slice %arg2[%add3A, %dma_start3A_22, %dma_start3A_28, %dma_start3A_29] : memref<32x128x2x100xi32, #tpu.memory_space<hbm>> -> memref<1x1x2x100xi32, #tpu.memory_space<hbm>>
    %dma_start3A_31 = tpu.memref_squeeze %dma_start3A_30 : memref<1x1x2x100xi32, #tpu.memory_space<hbm>> -> memref<2x100xi32, #tpu.memory_space<hbm>>
    %dma_start3A_32 = arith.constant 0 : i32
    %dma_start3A_33 = arith.constant 0 : i32
    %dma_start3A_34 = tpu.memref_slice %arg6[%dma_start3A_23, %dma_start3A_32, %dma_start3A_33] : memref<3x2x100xi32, #tpu.memory_space<vmem>> -> memref<1x2x100xi32, #tpu.memory_space<vmem>>
    %dma_start3A_35 = tpu.memref_squeeze %dma_start3A_34 : memref<1x2x100xi32, #tpu.memory_space<vmem>> -> memref<2x100xi32, #tpu.memory_space<vmem>>
    %dma_start3A_36 = arith.constant 0 : i32
    %dma_start3A_37 = arith.constant 0 : i32
    %dma_start3A_38 = tpu.memref_slice %arg2[%add3A, %dma_start3A_22, %dma_start3A_36, %dma_start3A_37] : memref<32x128x2x100xi32, #tpu.memory_space<hbm>> -> memref<1x1x2x100xi32, #tpu.memory_space<hbm>>
    %dma_start3A_39 = tpu.memref_squeeze %dma_start3A_38 : memref<1x1x2x100xi32, #tpu.memory_space<hbm>> -> memref<2x100xi32, #tpu.memory_space<hbm>>
    tpu.enqueue_dma source(%dma_start3A_39 : memref<2x100xi32, #tpu.memory_space<hbm>>) target(%dma_start3A_35 : memref<2x100xi32, #tpu.memory_space<vmem>>) target_semaphore(%arg16 : memref<!tpu.dma_semaphore, #tpu.memory_space<semaphore_mem>>)
    %dma_start3A_40 = arith.constant 2 : i32
    %dma_start3A_41 = arith.constant 2 : i32
    %dma_start3A_42 = arith.constant 0 : i32
    %dma_start3A_43 = arith.constant 0 : i32
    %dma_start3A_44 = tpu.memref_slice %arg6[%dma_start3A_41, %dma_start3A_42, %dma_start3A_43] : memref<3x2x100xi32, #tpu.memory_space<vmem>> -> memref<1x2x100xi32, #tpu.memory_space<vmem>>
    %dma_start3A_45 = tpu.memref_squeeze %dma_start3A_44 : memref<1x2x100xi32, #tpu.memory_space<vmem>> -> memref<2x100xi32, #tpu.memory_space<vmem>>
    %dma_start3A_46 = arith.constant 0 : i32
    %dma_start3A_47 = arith.constant 0 : i32
    %dma_start3A_48 = tpu.memref_slice %arg2[%add3A, %dma_start3A_40, %dma_start3A_46, %dma_start3A_47] : memref<32x128x2x100xi32, #tpu.memory_space<hbm>> -> memref<1x1x2x100xi32, #tpu.memory_space<hbm>>
    %dma_start3A_49 = tpu.memref_squeeze %dma_start3A_48 : memref<1x1x2x100xi32, #tpu.memory_space<hbm>> -> memref<2x100xi32, #tpu.memory_space<hbm>>
    %dma_start3A_50 = arith.constant 0 : i32
    %dma_start3A_51 = arith.constant 0 : i32
    %dma_start3A_52 = tpu.memref_slice %arg6[%dma_start3A_41, %dma_start3A_50, %dma_start3A_51] : memref<3x2x100xi32, #tpu.memory_space<vmem>> -> memref<1x2x100xi32, #tpu.memory_space<vmem>>
    %dma_start3A_53 = tpu.memref_squeeze %dma_start3A_52 : memref<1x2x100xi32, #tpu.memory_space<vmem>> -> memref<2x100xi32, #tpu.memory_space<vmem>>
    %dma_start3A_54 = arith.constant 0 : i32
    %dma_start3A_55 = arith.constant 0 : i32
    %dma_start3A_56 = tpu.memref_slice %arg2[%add3A, %dma_start3A_40, %dma_start3A_54, %dma_start3A_55] : memref<32x128x2x100xi32, #tpu.memory_space<hbm>> -> memref<1x1x2x100xi32, #tpu.memory_space<hbm>>
    %dma_start3A_57 = tpu.memref_squeeze %dma_start3A_56 : memref<1x1x2x100xi32, #tpu.memory_space<hbm>> -> memref<2x100xi32, #tpu.memory_space<hbm>>
    tpu.enqueue_dma source(%dma_start3A_57 : memref<2x100xi32, #tpu.memory_space<hbm>>) target(%dma_start3A_53 : memref<2x100xi32, #tpu.memory_space<vmem>>) target_semaphore(%arg17 : memref<!tpu.dma_semaphore, #tpu.memory_space<semaphore_mem>>)
    %dma_wait3A = arith.constant 0 : i32
    %dma_wait3A_58 = arith.constant 0 : i32
    %dma_wait3A_59 = arith.constant 0 : i32
    %dma_wait3A_60 = arith.constant 0 : i32
    %dma_wait3A_61 = tpu.memref_slice %arg6[%dma_wait3A_58, %dma_wait3A_59, %dma_wait3A_60] : memref<3x2x100xi32, #tpu.memory_space<vmem>> -> memref<1x2x100xi32, #tpu.memory_space<vmem>>
    %dma_wait3A_62 = tpu.memref_squeeze %dma_wait3A_61 : memref<1x2x100xi32, #tpu.memory_space<vmem>> -> memref<2x100xi32, #tpu.memory_space<vmem>>
    %dma_wait3A_63 = arith.constant 0 : i32
    %dma_wait3A_64 = arith.constant 0 : i32
    %dma_wait3A_65 = tpu.memref_slice %arg2[%add3A, %dma_wait3A, %dma_wait3A_63, %dma_wait3A_64] : memref<32x128x2x100xi32, #tpu.memory_space<hbm>> -> memref<1x1x2x100xi32, #tpu.memory_space<hbm>>
    %dma_wait3A_66 = tpu.memref_squeeze %dma_wait3A_65 : memref<1x1x2x100xi32, #tpu.memory_space<hbm>> -> memref<2x100xi32, #tpu.memory_space<hbm>>
    %dma_wait3A_67 = arith.constant 0 : i32
    %dma_wait3A_68 = arith.constant 0 : i32
    %dma_wait3A_69 = tpu.memref_slice %arg6[%dma_wait3A_58, %dma_wait3A_67, %dma_wait3A_68] : memref<3x2x100xi32, #tpu.memory_space<vmem>> -> memref<1x2x100xi32, #tpu.memory_space<vmem>>
    %dma_wait3A_70 = tpu.memref_squeeze %dma_wait3A_69 : memref<1x2x100xi32, #tpu.memory_space<vmem>> -> memref<2x100xi32, #tpu.memory_space<vmem>>
    %dma_wait3A_71 = arith.constant 0 : i32
    %dma_wait3A_72 = arith.constant 0 : i32
    %dma_wait3A_73 = tpu.memref_slice %arg2[%add3A, %dma_wait3A, %dma_wait3A_71, %dma_wait3A_72] : memref<32x128x2x100xi32, #tpu.memory_space<hbm>> -> memref<1x1x2x100xi32, #tpu.memory_space<hbm>>
    %dma_wait3A_74 = tpu.memref_squeeze %dma_wait3A_73 : memref<1x1x2x100xi32, #tpu.memory_space<hbm>> -> memref<2x100xi32, #tpu.memory_space<hbm>>
    tpu.wait_dma2 semaphore(%arg15 : memref<!tpu.dma_semaphore, #tpu.memory_space<semaphore_mem>>) src(%dma_wait3A_74 : memref<2x100xi32, #tpu.memory_space<hbm>>) dst(%dma_wait3A_70 : memref<2x100xi32, #tpu.memory_space<vmem>>)
    %dma_start3A_75 = arith.constant 0 : i32
    %dma_start3A_76 = arith.constant 0 : i32
    %dma_start3A_77 = arith.constant 0 : i32
    %dma_start3A_78 = arith.constant 0 : i32
    %dma_start3A_79 = arith.constant 0 : i32
    %dma_start3A_80 = tpu.memref_slice %arg7[%dma_start3A_77, %dma_start3A_78, %dma_start3A_79] : memref<3x200x128xf32, #tpu.memory_space<vmem>> -> memref<1x100x128xf32, #tpu.memory_space<vmem>>
    %dma_start3A_81 = tpu.memref_squeeze %dma_start3A_80 : memref<1x100x128xf32, #tpu.memory_space<vmem>> -> memref<100x128xf32, #tpu.memory_space<vmem>>
    %dma_start3A_82 = arith.constant 0 : i32
    %dma_start3A_83 = tpu.memref_slice %arg6[%dma_start3A_75, %dma_start3A_76, %dma_start3A_82] : memref<3x2x100xi32, #tpu.memory_space<vmem>> -> memref<1x1x100xi32, #tpu.memory_space<vmem>>
    %dma_start3A_84 = tpu.memref_squeeze %dma_start3A_83 : memref<1x1x100xi32, #tpu.memory_space<vmem>> -> memref<100xi32, #tpu.memory_space<vmem>>
    %dma_start3A_85 = arith.constant 0 : i32
    %dma_start3A_86 = arith.constant 0 : i32
    %dma_start3A_87 = tpu.memref_slice %arg3[%dma_start3A_85, %dma_start3A_86] : memref<100000x128xf32, #tpu.memory_space<hbm>> -> memref<100000x128xf32, #tpu.memory_space<hbm>>
    tpu.enqueue_indirect_dma source(%dma_start3A_87 : memref<100000x128xf32, #tpu.memory_space<hbm>>) target(%dma_start3A_81 : memref<100x128xf32, #tpu.memory_space<vmem>>) offsets(%dma_start3A_84 : memref<100xi32, #tpu.memory_space<vmem>>) semaphore(%arg9 : memref<!tpu.dma_semaphore, #tpu.memory_space<semaphore_mem>>)
    %dma_start3A_88 = arith.constant 0 : i32
    %dma_start3A_89 = arith.constant 1 : i32
    %dma_start3A_90 = arith.constant 0 : i32
    %dma_start3A_91 = arith.constant 100 : i32
    %dma_start3A_92 = arith.constant 0 : i32
    %dma_start3A_93 = tpu.memref_slice %arg7[%dma_start3A_90, %dma_start3A_91, %dma_start3A_92] : memref<3x200x128xf32, #tpu.memory_space<vmem>> -> memref<1x100x128xf32, #tpu.memory_space<vmem>>
    %dma_start3A_94 = tpu.memref_squeeze %dma_start3A_93 : memref<1x100x128xf32, #tpu.memory_space<vmem>> -> memref<100x128xf32, #tpu.memory_space<vmem>>
    %dma_start3A_95 = arith.constant 0 : i32
    %dma_start3A_96 = tpu.memref_slice %arg6[%dma_start3A_88, %dma_start3A_89, %dma_start3A_95] : memref<3x2x100xi32, #tpu.memory_space<vmem>> -> memref<1x1x100xi32, #tpu.memory_space<vmem>>
    %dma_start3A_97 = tpu.memref_squeeze %dma_start3A_96 : memref<1x1x100xi32, #tpu.memory_space<vmem>> -> memref<100xi32, #tpu.memory_space<vmem>>
    %dma_start3A_98 = arith.constant 0 : i32
    %dma_start3A_99 = arith.constant 0 : i32
    %dma_start3A_100 = tpu.memref_slice %arg3[%dma_start3A_98, %dma_start3A_99] : memref<100000x128xf32, #tpu.memory_space<hbm>> -> memref<100000x128xf32, #tpu.memory_space<hbm>>
    tpu.enqueue_indirect_dma source(%dma_start3A_100 : memref<100000x128xf32, #tpu.memory_space<hbm>>) target(%dma_start3A_94 : memref<100x128xf32, #tpu.memory_space<vmem>>) offsets(%dma_start3A_97 : memref<100xi32, #tpu.memory_space<vmem>>) semaphore(%arg9 : memref<!tpu.dma_semaphore, #tpu.memory_space<semaphore_mem>>)
    %dma_wait3A_101 = arith.constant 0 : i32
    %dma_wait3A_102 = arith.constant 1 : i32
    %dma_wait3A_103 = arith.constant 0 : i32
    %dma_wait3A_104 = arith.constant 0 : i32
    %dma_wait3A_105 = tpu.memref_slice %arg6[%dma_wait3A_102, %dma_wait3A_103, %dma_wait3A_104] : memref<3x2x100xi32, #tpu.memory_space<vmem>> -> memref<1x2x100xi32, #tpu.memory_space<vmem>>
    %dma_wait3A_106 = tpu.memref_squeeze %dma_wait3A_105 : memref<1x2x100xi32, #tpu.memory_space<vmem>> -> memref<2x100xi32, #tpu.memory_space<vmem>>
    %dma_wait3A_107 = arith.constant 0 : i32
    %dma_wait3A_108 = arith.constant 0 : i32
    %dma_wait3A_109 = tpu.memref_slice %arg2[%add3A, %dma_wait3A_101, %dma_wait3A_107, %dma_wait3A_108] : memref<32x128x2x100xi32, #tpu.memory_space<hbm>> -> memref<1x1x2x100xi32, #tpu.memory_space<hbm>>
    %dma_wait3A_110 = tpu.memref_squeeze %dma_wait3A_109 : memref<1x1x2x100xi32, #tpu.memory_space<hbm>> -> memref<2x100xi32, #tpu.memory_space<hbm>>
    %dma_wait3A_111 = arith.constant 0 : i32
    %dma_wait3A_112 = arith.constant 0 : i32
    %dma_wait3A_113 = tpu.memref_slice %arg6[%dma_wait3A_102, %dma_wait3A_111, %dma_wait3A_112] : memref<3x2x100xi32, #tpu.memory_space<vmem>> -> memref<1x2x100xi32, #tpu.memory_space<vmem>>
    %dma_wait3A_114 = tpu.memref_squeeze %dma_wait3A_113 : memref<1x2x100xi32, #tpu.memory_space<vmem>> -> memref<2x100xi32, #tpu.memory_space<vmem>>
    %dma_wait3A_115 = arith.constant 0 : i32
    %dma_wait3A_116 = arith.constant 0 : i32
    %dma_wait3A_117 = tpu.memref_slice %arg2[%add3A, %dma_wait3A_101, %dma_wait3A_115, %dma_wait3A_116] : memref<32x128x2x100xi32, #tpu.memory_space<hbm>> -> memref<1x1x2x100xi32, #tpu.memory_space<hbm>>
    %dma_wait3A_118 = tpu.memref_squeeze %dma_wait3A_117 : memref<1x1x2x100xi32, #tpu.memory_space<hbm>> -> memref<2x100xi32, #tpu.memory_space<hbm>>
    tpu.wait_dma2 semaphore(%arg16 : memref<!tpu.dma_semaphore, #tpu.memory_space<semaphore_mem>>) src(%dma_wait3A_118 : memref<2x100xi32, #tpu.memory_space<hbm>>) dst(%dma_wait3A_114 : memref<2x100xi32, #tpu.memory_space<vmem>>)
    %dma_start3A_119 = arith.constant 1 : i32
    %dma_start3A_120 = arith.constant 0 : i32
    %dma_start3A_121 = arith.constant 1 : i32
    %dma_start3A_122 = arith.constant 0 : i32
    %dma_start3A_123 = arith.constant 0 : i32
    %dma_start3A_124 = tpu.memref_slice %arg7[%dma_start3A_121, %dma_start3A_122, %dma_start3A_123] : memref<3x200x128xf32, #tpu.memory_space<vmem>> -> memref<1x100x128xf32, #tpu.memory_space<vmem>>
    %dma_start3A_125 = tpu.memref_squeeze %dma_start3A_124 : memref<1x100x128xf32, #tpu.memory_space<vmem>> -> memref<100x128xf32, #tpu.memory_space<vmem>>
    %dma_start3A_126 = arith.constant 0 : i32
    %dma_start3A_127 = tpu.memref_slice %arg6[%dma_start3A_119, %dma_start3A_120, %dma_start3A_126] : memref<3x2x100xi32, #tpu.memory_space<vmem>> -> memref<1x1x100xi32, #tpu.memory_space<vmem>>
    %dma_start3A_128 = tpu.memref_squeeze %dma_start3A_127 : memref<1x1x100xi32, #tpu.memory_space<vmem>> -> memref<100xi32, #tpu.memory_space<vmem>>
    %dma_start3A_129 = arith.constant 0 : i32
    %dma_start3A_130 = arith.constant 0 : i32
    %dma_start3A_131 = tpu.memref_slice %arg3[%dma_start3A_129, %dma_start3A_130] : memref<100000x128xf32, #tpu.memory_space<hbm>> -> memref<100000x128xf32, #tpu.memory_space<hbm>>
    tpu.enqueue_indirect_dma source(%dma_start3A_131 : memref<100000x128xf32, #tpu.memory_space<hbm>>) target(%dma_start3A_125 : memref<100x128xf32, #tpu.memory_space<vmem>>) offsets(%dma_start3A_128 : memref<100xi32, #tpu.memory_space<vmem>>) semaphore(%arg10 : memref<!tpu.dma_semaphore, #tpu.memory_space<semaphore_mem>>)
    %dma_start3A_132 = arith.constant 1 : i32
    %dma_start3A_133 = arith.constant 1 : i32
    %dma_start3A_134 = arith.constant 1 : i32
    %dma_start3A_135 = arith.constant 100 : i32
    %dma_start3A_136 = arith.constant 0 : i32
    %dma_start3A_137 = tpu.memref_slice %arg7[%dma_start3A_134, %dma_start3A_135, %dma_start3A_136] : memref<3x200x128xf32, #tpu.memory_space<vmem>> -> memref<1x100x128xf32, #tpu.memory_space<vmem>>
    %dma_start3A_138 = tpu.memref_squeeze %dma_start3A_137 : memref<1x100x128xf32, #tpu.memory_space<vmem>> -> memref<100x128xf32, #tpu.memory_space<vmem>>
    %dma_start3A_139 = arith.constant 0 : i32
    %dma_start3A_140 = tpu.memref_slice %arg6[%dma_start3A_132, %dma_start3A_133, %dma_start3A_139] : memref<3x2x100xi32, #tpu.memory_space<vmem>> -> memref<1x1x100xi32, #tpu.memory_space<vmem>>
    %dma_start3A_141 = tpu.memref_squeeze %dma_start3A_140 : memref<1x1x100xi32, #tpu.memory_space<vmem>> -> memref<100xi32, #tpu.memory_space<vmem>>
    %dma_start3A_142 = arith.constant 0 : i32
    %dma_start3A_143 = arith.constant 0 : i32
    %dma_start3A_144 = tpu.memref_slice %arg3[%dma_start3A_142, %dma_start3A_143] : memref<100000x128xf32, #tpu.memory_space<hbm>> -> memref<100000x128xf32, #tpu.memory_space<hbm>>
    tpu.enqueue_indirect_dma source(%dma_start3A_144 : memref<100000x128xf32, #tpu.memory_space<hbm>>) target(%dma_start3A_138 : memref<100x128xf32, #tpu.memory_space<vmem>>) offsets(%dma_start3A_141 : memref<100xi32, #tpu.memory_space<vmem>>) semaphore(%arg10 : memref<!tpu.dma_semaphore, #tpu.memory_space<semaphore_mem>>)
    %scan3A = arith.constant 0 : i32
    %scan3A_145 = arith.constant 0 : i32
    %scan3A_146 = arith.constant 43 : i32
    %scan3A_147 = arith.addi %scan3A_145, %scan3A_146 : i32
    %scan3A_148 = arith.constant 1 : i32
    scf.for %scan3A_195 = %scan3A_145 to %scan3A_147 step %scan3A_148  : i32 {
      %mul3A_196 = arith.constant 3 : i32
      %mul3A_197 = arith.muli %mul3A_196, %scan3A_195 : i32
      %add3A_198 = arith.constant 0 : i32
      %add3A_199 = arith.addi %mul3A_197, %add3A_198 : i32
      %lt3A = arith.constant 128 : i32
      %lt3A_200 = arith.cmpi slt, %add3A_199, %lt3A : i32
      %convert_element_type3A = arith.extui %lt3A_200 : i1 to i32
      %cond3A = arith.constant 0 : i32
      %cond3A_201 = arith.cmpi ne, %convert_element_type3A, %cond3A : i32
      scf.if %cond3A_201 {
        %dma_wait3A_277 = arith.constant 0 : i32
        %dma_wait3A_278 = arith.constant 0 : i32
        %dma_wait3A_279 = arith.constant 0 : i32
        %dma_wait3A_280 = arith.constant 0 : i32
        %dma_wait3A_281 = arith.constant 0 : i32
        %dma_wait3A_282 = tpu.memref_slice %arg7[%dma_wait3A_279, %dma_wait3A_280, %dma_wait3A_281] : memref<3x200x128xf32, #tpu.memory_space<vmem>> -> memref<1x100x128xf32, #tpu.memory_space<vmem>>
        %dma_wait3A_283 = tpu.memref_squeeze %dma_wait3A_282 : memref<1x100x128xf32, #tpu.memory_space<vmem>> -> memref<100x128xf32, #tpu.memory_space<vmem>>
        %dma_wait3A_284 = arith.constant 0 : i32
        %dma_wait3A_285 = tpu.memref_slice %arg6[%dma_wait3A_277, %dma_wait3A_278, %dma_wait3A_284] : memref<3x2x100xi32, #tpu.memory_space<vmem>> -> memref<1x1x100xi32, #tpu.memory_space<vmem>>
        %dma_wait3A_286 = tpu.memref_squeeze %dma_wait3A_285 : memref<1x1x100xi32, #tpu.memory_space<vmem>> -> memref<100xi32, #tpu.memory_space<vmem>>
        %dma_wait3A_287 = arith.constant 0 : i32
        %dma_wait3A_288 = arith.constant 0 : i32
        %dma_wait3A_289 = tpu.memref_slice %arg3[%dma_wait3A_287, %dma_wait3A_288] : memref<100000x128xf32, #tpu.memory_space<hbm>> -> memref<100000x128xf32, #tpu.memory_space<hbm>>
        tpu.wait_indirect_dma semaphore(%arg9 : memref<!tpu.dma_semaphore, #tpu.memory_space<semaphore_mem>>) src(%dma_wait3A_289 : memref<100000x128xf32, #tpu.memory_space<hbm>>) dst(%dma_wait3A_283 : memref<100x128xf32, #tpu.memory_space<vmem>>)
        %dma_wait3A_290 = arith.constant 0 : i32
        %dma_wait3A_291 = arith.constant 1 : i32
        %dma_wait3A_292 = arith.constant 0 : i32
        %dma_wait3A_293 = arith.constant 100 : i32
        %dma_wait3A_294 = arith.constant 0 : i32
        %dma_wait3A_295 = tpu.memref_slice %arg7[%dma_wait3A_292, %dma_wait3A_293, %dma_wait3A_294] : memref<3x200x128xf32, #tpu.memory_space<vmem>> -> memref<1x100x128xf32, #tpu.memory_space<vmem>>
        %dma_wait3A_296 = tpu.memref_squeeze %dma_wait3A_295 : memref<1x100x128xf32, #tpu.memory_space<vmem>> -> memref<100x128xf32, #tpu.memory_space<vmem>>
        %dma_wait3A_297 = arith.constant 0 : i32
        %dma_wait3A_298 = tpu.memref_slice %arg6[%dma_wait3A_290, %dma_wait3A_291, %dma_wait3A_297] : memref<3x2x100xi32, #tpu.memory_space<vmem>> -> memref<1x1x100xi32, #tpu.memory_space<vmem>>
        %dma_wait3A_299 = tpu.memref_squeeze %dma_wait3A_298 : memref<1x1x100xi32, #tpu.memory_space<vmem>> -> memref<100xi32, #tpu.memory_space<vmem>>
        %dma_wait3A_300 = arith.constant 0 : i32
        %dma_wait3A_301 = arith.constant 0 : i32
        %dma_wait3A_302 = tpu.memref_slice %arg3[%dma_wait3A_300, %dma_wait3A_301] : memref<100000x128xf32, #tpu.memory_space<hbm>> -> memref<100000x128xf32, #tpu.memory_space<hbm>>
        tpu.wait_indirect_dma semaphore(%arg9 : memref<!tpu.dma_semaphore, #tpu.memory_space<semaphore_mem>>) src(%dma_wait3A_302 : memref<100000x128xf32, #tpu.memory_space<hbm>>) dst(%dma_wait3A_296 : memref<100x128xf32, #tpu.memory_space<vmem>>)
        %parallel_loop3A = arith.constant 0 : i32
        %parallel_loop3A_303 = arith.constant 96 : i32
        %parallel_loop3A_304 = arith.constant 1 : i32
        scf.for %parallel_loop3A_344 = %parallel_loop3A to %parallel_loop3A_303 step %parallel_loop3A_304  : i32 {
          %parallel_loop3A_345 = arith.index_cast %parallel_loop3A_344 : i32 to index
          %parallel_loop3A_346 = arith.constant 0 : index
          %parallel_loop3A_347 = tpu.vector_load %arg8[%parallel_loop3A_345, %parallel_loop3A_346] {strides = array<i32>} : memref<200x128xf32, #tpu.memory_space<vmem>>, vector<1x16xf32>,
          %parallel_loop3A_348 = vector.shape_cast %parallel_loop3A_347 : vector<1x16xf32> to vector<16xf32>
          %parallel_loop3A_349 = arith.constant 0 : i32
          %parallel_loop3A_350 = arith.index_cast %parallel_loop3A_349 : i32 to index
          %parallel_loop3A_351 = arith.index_cast %parallel_loop3A_344 : i32 to index
          %parallel_loop3A_352 = arith.constant 0 : index
          %parallel_loop3A_353 = tpu.vector_load %arg7[%parallel_loop3A_350, %parallel_loop3A_351, %parallel_loop3A_352] {strides = array<i32>} : memref<3x200x128xf32, #tpu.memory_space<vmem>>, vector<1x1x16xf32>,
          %parallel_loop3A_354 = vector.shape_cast %parallel_loop3A_353 : vector<1x1x16xf32> to vector<16xf32>
          %parallel_loop3A_355 = vector.shape_cast %parallel_loop3A_348 : vector<16xf32> to vector<1x1x16xf32>
          tpu.vector_store %arg7[%parallel_loop3A_350, %parallel_loop3A_351, %parallel_loop3A_352], %parallel_loop3A_355 {add = true, strides = array<i32>} : memref<3x200x128xf32, #tpu.memory_space<vmem>>, vector<1x1x16xf32>,
          %parallel_loop3A_356 = arith.index_cast %parallel_loop3A_344 : i32 to index
          %parallel_loop3A_357 = arith.constant 16 : index
          %parallel_loop3A_358 = tpu.vector_load %arg8[%parallel_loop3A_356, %parallel_loop3A_357] {strides = array<i32>} : memref<200x128xf32, #tpu.memory_space<vmem>>, vector<1x16xf32>,
          %parallel_loop3A_359 = vector.shape_cast %parallel_loop3A_358 : vector<1x16xf32> to vector<16xf32>
          %parallel_loop3A_360 = arith.constant 0 : i32
          %parallel_loop3A_361 = arith.index_cast %parallel_loop3A_360 : i32 to index
          %parallel_loop3A_362 = arith.index_cast %parallel_loop3A_344 : i32 to index
          %parallel_loop3A_363 = arith.constant 16 : index
          %parallel_loop3A_364 = tpu.vector_load %arg7[%parallel_loop3A_361, %parallel_loop3A_362, %parallel_loop3A_363] {strides = array<i32>} : memref<3x200x128xf32, #tpu.memory_space<vmem>>, vector<1x1x16xf32>,
          %parallel_loop3A_365 = vector.shape_cast %parallel_loop3A_364 : vector<1x1x16xf32> to vector<16xf32>
          %parallel_loop3A_366 = vector.shape_cast %parallel_loop3A_359 : vector<16xf32> to vector<1x1x16xf32>
          tpu.vector_store %arg7[%parallel_loop3A_361, %parallel_loop3A_362, %parallel_loop3A_363], %parallel_loop3A_366 {add = true, strides = array<i32>} : memref<3x200x128xf32, #tpu.memory_space<vmem>>, vector<1x1x16xf32>,
          %parallel_loop3A_367 = arith.index_cast %parallel_loop3A_344 : i32 to index
          %parallel_loop3A_368 = arith.constant 32 : index
          %parallel_loop3A_369 = tpu.vector_load %arg8[%parallel_loop3A_367, %parallel_loop3A_368] {strides = array<i32>} : memref<200x128xf32, #tpu.memory_space<vmem>>, vector<1x16xf32>,
          %parallel_loop3A_370 = vector.shape_cast %parallel_loop3A_369 : vector<1x16xf32> to vector<16xf32>
          %parallel_loop3A_371 = arith.constant 0 : i32
          %parallel_loop3A_372 = arith.index_cast %parallel_loop3A_371 : i32 to index
          %parallel_loop3A_373 = arith.index_cast %parallel_loop3A_344 : i32 to index
          %parallel_loop3A_374 = arith.constant 32 : index
          %parallel_loop3A_375 = tpu.vector_load %arg7[%parallel_loop3A_372, %parallel_loop3A_373, %parallel_loop3A_374] {strides = array<i32>} : memref<3x200x128xf32, #tpu.memory_space<vmem>>, vector<1x1x16xf32>,
          %parallel_loop3A_376 = vector.shape_cast %parallel_loop3A_375 : vector<1x1x16xf32> to vector<16xf32>
          %parallel_loop3A_377 = vector.shape_cast %parallel_loop3A_370 : vector<16xf32> to vector<1x1x16xf32>
          tpu.vector_store %arg7[%parallel_loop3A_372, %parallel_loop3A_373, %parallel_loop3A_374], %parallel_loop3A_377 {add = true, strides = array<i32>} : memref<3x200x128xf32, #tpu.memory_space<vmem>>, vector<1x1x16xf32>,
          %parallel_loop3A_378 = arith.index_cast %parallel_loop3A_344 : i32 to index
          %parallel_loop3A_379 = arith.constant 48 : index
          %parallel_loop3A_380 = tpu.vector_load %arg8[%parallel_loop3A_378, %parallel_loop3A_379] {strides = array<i32>} : memref<200x128xf32, #tpu.memory_space<vmem>>, vector<1x16xf32>,
          %parallel_loop3A_381 = vector.shape_cast %parallel_loop3A_380 : vector<1x16xf32> to vector<16xf32>
          %parallel_loop3A_382 = arith.constant 0 : i32
          %parallel_loop3A_383 = arith.index_cast %parallel_loop3A_382 : i32 to index
          %parallel_loop3A_384 = arith.index_cast %parallel_loop3A_344 : i32 to index
          %parallel_loop3A_385 = arith.constant 48 : index
          %parallel_loop3A_386 = tpu.vector_load %arg7[%parallel_loop3A_383, %parallel_loop3A_384, %parallel_loop3A_385] {strides = array<i32>} : memref<3x200x128xf32, #tpu.memory_space<vmem>>, vector<1x1x16xf32>,
          %parallel_loop3A_387 = vector.shape_cast %parallel_loop3A_386 : vector<1x1x16xf32> to vector<16xf32>
          %parallel_loop3A_388 = vector.shape_cast %parallel_loop3A_381 : vector<16xf32> to vector<1x1x16xf32>
          tpu.vector_store %arg7[%parallel_loop3A_383, %parallel_loop3A_384, %parallel_loop3A_385], %parallel_loop3A_388 {add = true, strides = array<i32>} : memref<3x200x128xf32, #tpu.memory_space<vmem>>, vector<1x1x16xf32>,
          %parallel_loop3A_389 = arith.index_cast %parallel_loop3A_344 : i32 to index
          %parallel_loop3A_390 = arith.constant 64 : index
          %parallel_loop3A_391 = tpu.vector_load %arg8[%parallel_loop3A_389, %parallel_loop3A_390] {strides = array<i32>} : memref<200x128xf32, #tpu.memory_space<vmem>>, vector<1x16xf32>,
          %parallel_loop3A_392 = vector.shape_cast %parallel_loop3A_391 : vector<1x16xf32> to vector<16xf32>
          %parallel_loop3A_393 = arith.constant 0 : i32
          %parallel_loop3A_394 = arith.index_cast %parallel_loop3A_393 : i32 to index
          %parallel_loop3A_395 = arith.index_cast %parallel_loop3A_344 : i32 to index
          %parallel_loop3A_396 = arith.constant 64 : index
          %parallel_loop3A_397 = tpu.vector_load %arg7[%parallel_loop3A_394, %parallel_loop3A_395, %parallel_loop3A_396] {strides = array<i32>} : memref<3x200x128xf32, #tpu.memory_space<vmem>>, vector<1x1x16xf32>,
          %parallel_loop3A_398 = vector.shape_cast %parallel_loop3A_397 : vector<1x1x16xf32> to vector<16xf32>
          %parallel_loop3A_399 = vector.shape_cast %parallel_loop3A_392 : vector<16xf32> to vector<1x1x16xf32>
          tpu.vector_store %arg7[%parallel_loop3A_394, %parallel_loop3A_395, %parallel_loop3A_396], %parallel_loop3A_399 {add = true, strides = array<i32>} : memref<3x200x128xf32, #tpu.memory_space<vmem>>, vector<1x1x16xf32>,
          %parallel_loop3A_400 = arith.index_cast %parallel_loop3A_344 : i32 to index
          %parallel_loop3A_401 = arith.constant 80 : index
          %parallel_loop3A_402 = tpu.vector_load %arg8[%parallel_loop3A_400, %parallel_loop3A_401] {strides = array<i32>} : memref<200x128xf32, #tpu.memory_space<vmem>>, vector<1x16xf32>,
          %parallel_loop3A_403 = vector.shape_cast %parallel_loop3A_402 : vector<1x16xf32> to vector<16xf32>
          %parallel_loop3A_404 = arith.constant 0 : i32
          %parallel_loop3A_405 = arith.index_cast %parallel_loop3A_404 : i32 to index
          %parallel_loop3A_406 = arith.index_cast %parallel_loop3A_344 : i32 to index
          %parallel_loop3A_407 = arith.constant 80 : index
          %parallel_loop3A_408 = tpu.vector_load %arg7[%parallel_loop3A_405, %parallel_loop3A_406, %parallel_loop3A_407] {strides = array<i32>} : memref<3x200x128xf32, #tpu.memory_space<vmem>>, vector<1x1x16xf32>,
          %parallel_loop3A_409 = vector.shape_cast %parallel_loop3A_408 : vector<1x1x16xf32> to vector<16xf32>
          %parallel_loop3A_410 = vector.shape_cast %parallel_loop3A_403 : vector<16xf32> to vector<1x1x16xf32>
          tpu.vector_store %arg7[%parallel_loop3A_405, %parallel_loop3A_406, %parallel_loop3A_407], %parallel_loop3A_410 {add = true, strides = array<i32>} : memref<3x200x128xf32, #tpu.memory_space<vmem>>, vector<1x1x16xf32>,
          %parallel_loop3A_411 = arith.index_cast %parallel_loop3A_344 : i32 to index
          %parallel_loop3A_412 = arith.constant 96 : index
          %parallel_loop3A_413 = tpu.vector_load %arg8[%parallel_loop3A_411, %parallel_loop3A_412] {strides = array<i32>} : memref<200x128xf32, #tpu.memory_space<vmem>>, vector<1x16xf32>,
          %parallel_loop3A_414 = vector.shape_cast %parallel_loop3A_413 : vector<1x16xf32> to vector<16xf32>
          %parallel_loop3A_415 = arith.constant 0 : i32
          %parallel_loop3A_416 = arith.index_cast %parallel_loop3A_415 : i32 to index
          %parallel_loop3A_417 = arith.index_cast %parallel_loop3A_344 : i32 to index
          %parallel_loop3A_418 = arith.constant 96 : index
          %parallel_loop3A_419 = tpu.vector_load %arg7[%parallel_loop3A_416, %parallel_loop3A_417, %parallel_loop3A_418] {strides = array<i32>} : memref<3x200x128xf32, #tpu.memory_space<vmem>>, vector<1x1x16xf32>,
          %parallel_loop3A_420 = vector.shape_cast %parallel_loop3A_419 : vector<1x1x16xf32> to vector<16xf32>
          %parallel_loop3A_421 = vector.shape_cast %parallel_loop3A_414 : vector<16xf32> to vector<1x1x16xf32>
          tpu.vector_store %arg7[%parallel_loop3A_416, %parallel_loop3A_417, %parallel_loop3A_418], %parallel_loop3A_421 {add = true, strides = array<i32>} : memref<3x200x128xf32, #tpu.memory_space<vmem>>, vector<1x1x16xf32>,
          %parallel_loop3A_422 = arith.index_cast %parallel_loop3A_344 : i32 to index
          %parallel_loop3A_423 = arith.constant 112 : index
          %parallel_loop3A_424 = tpu.vector_load %arg8[%parallel_loop3A_422, %parallel_loop3A_423] {strides = array<i32>} : memref<200x128xf32, #tpu.memory_space<vmem>>, vector<1x16xf32>,
          %parallel_loop3A_425 = vector.shape_cast %parallel_loop3A_424 : vector<1x16xf32> to vector<16xf32>
          %parallel_loop3A_426 = arith.constant 0 : i32
          %parallel_loop3A_427 = arith.index_cast %parallel_loop3A_426 : i32 to index
          %parallel_loop3A_428 = arith.index_cast %parallel_loop3A_344 : i32 to index
          %parallel_loop3A_429 = arith.constant 112 : index
          %parallel_loop3A_430 = tpu.vector_load %arg7[%parallel_loop3A_427, %parallel_loop3A_428, %parallel_loop3A_429] {strides = array<i32>} : memref<3x200x128xf32, #tpu.memory_space<vmem>>, vector<1x1x16xf32>,
          %parallel_loop3A_431 = vector.shape_cast %parallel_loop3A_430 : vector<1x1x16xf32> to vector<16xf32>
          %parallel_loop3A_432 = vector.shape_cast %parallel_loop3A_425 : vector<16xf32> to vector<1x1x16xf32>
          tpu.vector_store %arg7[%parallel_loop3A_427, %parallel_loop3A_428, %parallel_loop3A_429], %parallel_loop3A_432 {add = true, strides = array<i32>} : memref<3x200x128xf32, #tpu.memory_space<vmem>>, vector<1x1x16xf32>,
        } {sc.loop_unroll_factor = 4 : i64, sc.parallel_access}
        %mul3A_305 = arith.constant 200 : i32
        %mul3A_306 = arith.muli %add3A_199, %mul3A_305 : i32
        %add3A_307 = arith.addi %mul3A_4, %mul3A_306 : i32
        %add3A_308 = arith.constant 0 : i32
        %add3A_309 = arith.addi %add3A_307, %add3A_308 : i32
        %dma_start3A_310 = arith.constant 0 : i32
        %dma_start3A_311 = arith.constant 0 : i32
        %dma_start3A_312 = arith.constant 0 : i32
        %dma_start3A_313 = tpu.memref_slice %arg7[%dma_start3A_310, %dma_start3A_311, %dma_start3A_312] : memref<3x200x128xf32, #tpu.memory_space<vmem>> -> memref<1x96x128xf32, #tpu.memory_space<vmem>>
        %dma_start3A_314 = tpu.memref_squeeze %dma_start3A_313 : memref<1x96x128xf32, #tpu.memory_space<vmem>> -> memref<96x128xf32, #tpu.memory_space<vmem>>
        %dma_start3A_315 = arith.constant 0 : i32
        %dma_start3A_316 = tpu.memref_slice %arg5[%add3A_309, %dma_start3A_315] : memref<819200x128xf32, #tpu.memory_space<hbm>> -> memref<96x128xf32, #tpu.memory_space<hbm>>
        %dma_start3A_317 = arith.constant 0 : i32
        %dma_start3A_318 = tpu.memref_slice %arg5[%add3A_309, %dma_start3A_317] : memref<819200x128xf32, #tpu.memory_space<hbm>> -> memref<96x128xf32, #tpu.memory_space<hbm>>
        %dma_start3A_319 = arith.constant 0 : i32
        %dma_start3A_320 = arith.constant 0 : i32
        %dma_start3A_321 = tpu.memref_slice %arg7[%dma_start3A_310, %dma_start3A_319, %dma_start3A_320] : memref<3x200x128xf32, #tpu.memory_space<vmem>> -> memref<1x96x128xf32, #tpu.memory_space<vmem>>
        %dma_start3A_322 = tpu.memref_squeeze %dma_start3A_321 : memref<1x96x128xf32, #tpu.memory_space<vmem>> -> memref<96x128xf32, #tpu.memory_space<vmem>>
        tpu.enqueue_dma source(%dma_start3A_322 : memref<96x128xf32, #tpu.memory_space<vmem>>) target(%dma_start3A_318 : memref<96x128xf32, #tpu.memory_space<hbm>>) target_semaphore(%arg12 : memref<!tpu.dma_semaphore, #tpu.memory_space<semaphore_mem>>)
        %parallel_loop3A_323 = arith.constant 96 : i32
        %parallel_loop3A_324 = arith.constant 200 : i32
        %parallel_loop3A_325 = arith.constant 1 : i32
        scf.for %parallel_loop3A_344 = %parallel_loop3A_323 to %parallel_loop3A_324 step %parallel_loop3A_325  : i32 {
          %parallel_loop3A_345 = arith.index_cast %parallel_loop3A_344 : i32 to index
          %parallel_loop3A_346 = arith.constant 0 : index
          %parallel_loop3A_347 = tpu.vector_load %arg8[%parallel_loop3A_345, %parallel_loop3A_346] {strides = array<i32>} : memref<200x128xf32, #tpu.memory_space<vmem>>, vector<1x16xf32>,
          %parallel_loop3A_348 = vector.shape_cast %parallel_loop3A_347 : vector<1x16xf32> to vector<16xf32>
          %parallel_loop3A_349 = arith.constant 0 : i32
          %parallel_loop3A_350 = arith.index_cast %parallel_loop3A_349 : i32 to index
          %parallel_loop3A_351 = arith.index_cast %parallel_loop3A_344 : i32 to index
          %parallel_loop3A_352 = arith.constant 0 : index
          %parallel_loop3A_353 = tpu.vector_load %arg7[%parallel_loop3A_350, %parallel_loop3A_351, %parallel_loop3A_352] {strides = array<i32>} : memref<3x200x128xf32, #tpu.memory_space<vmem>>, vector<1x1x16xf32>,
          %parallel_loop3A_354 = vector.shape_cast %parallel_loop3A_353 : vector<1x1x16xf32> to vector<16xf32>
          %parallel_loop3A_355 = vector.shape_cast %parallel_loop3A_348 : vector<16xf32> to vector<1x1x16xf32>
          tpu.vector_store %arg7[%parallel_loop3A_350, %parallel_loop3A_351, %parallel_loop3A_352], %parallel_loop3A_355 {add = true, strides = array<i32>} : memref<3x200x128xf32, #tpu.memory_space<vmem>>, vector<1x1x16xf32>,
          %parallel_loop3A_356 = arith.index_cast %parallel_loop3A_344 : i32 to index
          %parallel_loop3A_357 = arith.constant 16 : index
          %parallel_loop3A_358 = tpu.vector_load %arg8[%parallel_loop3A_356, %parallel_loop3A_357] {strides = array<i32>} : memref<200x128xf32, #tpu.memory_space<vmem>>, vector<1x16xf32>,
          %parallel_loop3A_359 = vector.shape_cast %parallel_loop3A_358 : vector<1x16xf32> to vector<16xf32>
          %parallel_loop3A_360 = arith.constant 0 : i32
          %parallel_loop3A_361 = arith.index_cast %parallel_loop3A_360 : i32 to index
          %parallel_loop3A_362 = arith.index_cast %parallel_loop3A_344 : i32 to index
          %parallel_loop3A_363 = arith.constant 16 : index
          %parallel_loop3A_364 = tpu.vector_load %arg7[%parallel_loop3A_361, %parallel_loop3A_362, %parallel_loop3A_363] {strides = array<i32>} : memref<3x200x128xf32, #tpu.memory_space<vmem>>, vector<1x1x16xf32>,
          %parallel_loop3A_365 = vector.shape_cast %parallel_loop3A_364 : vector<1x1x16xf32> to vector<16xf32>
          %parallel_loop3A_366 = vector.shape_cast %parallel_loop3A_359 : vector<16xf32> to vector<1x1x16xf32>
          tpu.vector_store %arg7[%parallel_loop3A_361, %parallel_loop3A_362, %parallel_loop3A_363], %parallel_loop3A_366 {add = true, strides = array<i32>} : memref<3x200x128xf32, #tpu.memory_space<vmem>>, vector<1x1x16xf32>,
          %parallel_loop3A_367 = arith.index_cast %parallel_loop3A_344 : i32 to index
          %parallel_loop3A_368 = arith.constant 32 : index
          %parallel_loop3A_369 = tpu.vector_load %arg8[%parallel_loop3A_367, %parallel_loop3A_368] {strides = array<i32>} : memref<200x128xf32, #tpu.memory_space<vmem>>, vector<1x16xf32>,
          %parallel_loop3A_370 = vector.shape_cast %parallel_loop3A_369 : vector<1x16xf32> to vector<16xf32>
          %parallel_loop3A_371 = arith.constant 0 : i32
          %parallel_loop3A_372 = arith.index_cast %parallel_loop3A_371 : i32 to index
          %parallel_loop3A_373 = arith.index_cast %parallel_loop3A_344 : i32 to index
          %parallel_loop3A_374 = arith.constant 32 : index
          %parallel_loop3A_375 = tpu.vector_load %arg7[%parallel_loop3A_372, %parallel_loop3A_373, %parallel_loop3A_374] {strides = array<i32>} : memref<3x200x128xf32, #tpu.memory_space<vmem>>, vector<1x1x16xf32>,
          %parallel_loop3A_376 = vector.shape_cast %parallel_loop3A_375 : vector<1x1x16xf32> to vector<16xf32>
          %parallel_loop3A_377 = vector.shape_cast %parallel_loop3A_370 : vector<16xf32> to vector<1x1x16xf32>
          tpu.vector_store %arg7[%parallel_loop3A_372, %parallel_loop3A_373, %parallel_loop3A_374], %parallel_loop3A_377 {add = true, strides = array<i32>} : memref<3x200x128xf32, #tpu.memory_space<vmem>>, vector<1x1x16xf32>,
          %parallel_loop3A_378 = arith.index_cast %parallel_loop3A_344 : i32 to index
          %parallel_loop3A_379 = arith.constant 48 : index
          %parallel_loop3A_380 = tpu.vector_load %arg8[%parallel_loop3A_378, %parallel_loop3A_379] {strides = array<i32>} : memref<200x128xf32, #tpu.memory_space<vmem>>, vector<1x16xf32>,
          %parallel_loop3A_381 = vector.shape_cast %parallel_loop3A_380 : vector<1x16xf32> to vector<16xf32>
          %parallel_loop3A_382 = arith.constant 0 : i32
          %parallel_loop3A_383 = arith.index_cast %parallel_loop3A_382 : i32 to index
          %parallel_loop3A_384 = arith.index_cast %parallel_loop3A_344 : i32 to index
          %parallel_loop3A_385 = arith.constant 48 : index
          %parallel_loop3A_386 = tpu.vector_load %arg7[%parallel_loop3A_383, %parallel_loop3A_384, %parallel_loop3A_385] {strides = array<i32>} : memref<3x200x128xf32, #tpu.memory_space<vmem>>, vector<1x1x16xf32>,
          %parallel_loop3A_387 = vector.shape_cast %parallel_loop3A_386 : vector<1x1x16xf32> to vector<16xf32>
          %parallel_loop3A_388 = vector.shape_cast %parallel_loop3A_381 : vector<16xf32> to vector<1x1x16xf32>
          tpu.vector_store %arg7[%parallel_loop3A_383, %parallel_loop3A_384, %parallel_loop3A_385], %parallel_loop3A_388 {add = true, strides = array<i32>} : memref<3x200x128xf32, #tpu.memory_space<vmem>>, vector<1x1x16xf32>,
          %parallel_loop3A_389 = arith.index_cast %parallel_loop3A_344 : i32 to index
          %parallel_loop3A_390 = arith.constant 64 : index
          %parallel_loop3A_391 = tpu.vector_load %arg8[%parallel_loop3A_389, %parallel_loop3A_390] {strides = array<i32>} : memref<200x128xf32, #tpu.memory_space<vmem>>, vector<1x16xf32>,
          %parallel_loop3A_392 = vector.shape_cast %parallel_loop3A_391 : vector<1x16xf32> to vector<16xf32>
          %parallel_loop3A_393 = arith.constant 0 : i32
          %parallel_loop3A_394 = arith.index_cast %parallel_loop3A_393 : i32 to index
          %parallel_loop3A_395 = arith.index_cast %parallel_loop3A_344 : i32 to index
          %parallel_loop3A_396 = arith.constant 64 : index
          %parallel_loop3A_397 = tpu.vector_load %arg7[%parallel_loop3A_394, %parallel_loop3A_395, %parallel_loop3A_396] {strides = array<i32>} : memref<3x200x128xf32, #tpu.memory_space<vmem>>, vector<1x1x16xf32>,
          %parallel_loop3A_398 = vector.shape_cast %parallel_loop3A_397 : vector<1x1x16xf32> to vector<16xf32>
          %parallel_loop3A_399 = vector.shape_cast %parallel_loop3A_392 : vector<16xf32> to vector<1x1x16xf32>
          tpu.vector_store %arg7[%parallel_loop3A_394, %parallel_loop3A_395, %parallel_loop3A_396], %parallel_loop3A_399 {add = true, strides = array<i32>} : memref<3x200x128xf32, #tpu.memory_space<vmem>>, vector<1x1x16xf32>,
          %parallel_loop3A_400 = arith.index_cast %parallel_loop3A_344 : i32 to index
          %parallel_loop3A_401 = arith.constant 80 : index
          %parallel_loop3A_402 = tpu.vector_load %arg8[%parallel_loop3A_400, %parallel_loop3A_401] {strides = array<i32>} : memref<200x128xf32, #tpu.memory_space<vmem>>, vector<1x16xf32>,
          %parallel_loop3A_403 = vector.shape_cast %parallel_loop3A_402 : vector<1x16xf32> to vector<16xf32>
          %parallel_loop3A_404 = arith.constant 0 : i32
          %parallel_loop3A_405 = arith.index_cast %parallel_loop3A_404 : i32 to index
          %parallel_loop3A_406 = arith.index_cast %parallel_loop3A_344 : i32 to index
          %parallel_loop3A_407 = arith.constant 80 : index
          %parallel_loop3A_408 = tpu.vector_load %arg7[%parallel_loop3A_405, %parallel_loop3A_406, %parallel_loop3A_407] {strides = array<i32>} : memref<3x200x128xf32, #tpu.memory_space<vmem>>, vector<1x1x16xf32>,
          %parallel_loop3A_409 = vector.shape_cast %parallel_loop3A_408 : vector<1x1x16xf32> to vector<16xf32>
          %parallel_loop3A_410 = vector.shape_cast %parallel_loop3A_403 : vector<16xf32> to vector<1x1x16xf32>
          tpu.vector_store %arg7[%parallel_loop3A_405, %parallel_loop3A_406, %parallel_loop3A_407], %parallel_loop3A_410 {add = true, strides = array<i32>} : memref<3x200x128xf32, #tpu.memory_space<vmem>>, vector<1x1x16xf32>,
          %parallel_loop3A_411 = arith.index_cast %parallel_loop3A_344 : i32 to index
          %parallel_loop3A_412 = arith.constant 96 : index
          %parallel_loop3A_413 = tpu.vector_load %arg8[%parallel_loop3A_411, %parallel_loop3A_412] {strides = array<i32>} : memref<200x128xf32, #tpu.memory_space<vmem>>, vector<1x16xf32>,
          %parallel_loop3A_414 = vector.shape_cast %parallel_loop3A_413 : vector<1x16xf32> to vector<16xf32>
          %parallel_loop3A_415 = arith.constant 0 : i32
          %parallel_loop3A_416 = arith.index_cast %parallel_loop3A_415 : i32 to index
          %parallel_loop3A_417 = arith.index_cast %parallel_loop3A_344 : i32 to index
          %parallel_loop3A_418 = arith.constant 96 : index
          %parallel_loop3A_419 = tpu.vector_load %arg7[%parallel_loop3A_416, %parallel_loop3A_417, %parallel_loop3A_418] {strides = array<i32>} : memref<3x200x128xf32, #tpu.memory_space<vmem>>, vector<1x1x16xf32>,
          %parallel_loop3A_420 = vector.shape_cast %parallel_loop3A_419 : vector<1x1x16xf32> to vector<16xf32>
          %parallel_loop3A_421 = vector.shape_cast %parallel_loop3A_414 : vector<16xf32> to vector<1x1x16xf32>
          tpu.vector_store %arg7[%parallel_loop3A_416, %parallel_loop3A_417, %parallel_loop3A_418], %parallel_loop3A_421 {add = true, strides = array<i32>} : memref<3x200x128xf32, #tpu.memory_space<vmem>>, vector<1x1x16xf32>,
          %parallel_loop3A_422 = arith.index_cast %parallel_loop3A_344 : i32 to index
          %parallel_loop3A_423 = arith.constant 112 : index
          %parallel_loop3A_424 = tpu.vector_load %arg8[%parallel_loop3A_422, %parallel_loop3A_423] {strides = array<i32>} : memref<200x128xf32, #tpu.memory_space<vmem>>, vector<1x16xf32>,
          %parallel_loop3A_425 = vector.shape_cast %parallel_loop3A_424 : vector<1x16xf32> to vector<16xf32>
          %parallel_loop3A_426 = arith.constant 0 : i32
          %parallel_loop3A_427 = arith.index_cast %parallel_loop3A_426 : i32 to index
          %parallel_loop3A_428 = arith.index_cast %parallel_loop3A_344 : i32 to index
          %parallel_loop3A_429 = arith.constant 112 : index
          %parallel_loop3A_430 = tpu.vector_load %arg7[%parallel_loop3A_427, %parallel_loop3A_428, %parallel_loop3A_429] {strides = array<i32>} : memref<3x200x128xf32, #tpu.memory_space<vmem>>, vector<1x1x16xf32>,
          %parallel_loop3A_431 = vector.shape_cast %parallel_loop3A_430 : vector<1x1x16xf32> to vector<16xf32>
          %parallel_loop3A_432 = vector.shape_cast %parallel_loop3A_425 : vector<16xf32> to vector<1x1x16xf32>
          tpu.vector_store %arg7[%parallel_loop3A_427, %parallel_loop3A_428, %parallel_loop3A_429], %parallel_loop3A_432 {add = true, strides = array<i32>} : memref<3x200x128xf32, #tpu.memory_space<vmem>>, vector<1x1x16xf32>,
        } {sc.loop_unroll_factor = 4 : i64, sc.parallel_access}
        %mul3A_326 = arith.constant 200 : i32
        %mul3A_327 = arith.muli %add3A_199, %mul3A_326 : i32
        %add3A_328 = arith.addi %mul3A_4, %mul3A_327 : i32
        %add3A_329 = arith.constant 96 : i32
        %add3A_330 = arith.addi %add3A_328, %add3A_329 : i32
        %dma_start3A_331 = arith.constant 0 : i32
        %dma_start3A_332 = arith.constant 96 : i32
        %dma_start3A_333 = arith.constant 0 : i32
        %dma_start3A_334 = tpu.memref_slice %arg7[%dma_start3A_331, %dma_start3A_332, %dma_start3A_333] : memref<3x200x128xf32, #tpu.memory_space<vmem>> -> memref<1x104x128xf32, #tpu.memory_space<vmem>>
        %dma_start3A_335 = tpu.memref_squeeze %dma_start3A_334 : memref<1x104x128xf32, #tpu.memory_space<vmem>> -> memref<104x128xf32, #tpu.memory_space<vmem>>
        %dma_start3A_336 = arith.constant 0 : i32
        %dma_start3A_337 = tpu.memref_slice %arg5[%add3A_330, %dma_start3A_336] : memref<819200x128xf32, #tpu.memory_space<hbm>> -> memref<104x128xf32, #tpu.memory_space<hbm>>
        %dma_start3A_338 = arith.constant 0 : i32
        %dma_start3A_339 = tpu.memref_slice %arg5[%add3A_330, %dma_start3A_338] : memref<819200x128xf32, #tpu.memory_space<hbm>> -> memref<104x128xf32, #tpu.memory_space<hbm>>
        %dma_start3A_340 = arith.constant 96 : i32
        %dma_start3A_341 = arith.constant 0 : i32
        %dma_start3A_342 = tpu.memref_slice %arg7[%dma_start3A_331, %dma_start3A_340, %dma_start3A_341] : memref<3x200x128xf32, #tpu.memory_space<vmem>> -> memref<1x104x128xf32, #tpu.memory_space<vmem>>
        %dma_start3A_343 = tpu.memref_squeeze %dma_start3A_342 : memref<1x104x128xf32, #tpu.memory_space<vmem>> -> memref<104x128xf32, #tpu.memory_space<vmem>>
        tpu.enqueue_dma source(%dma_start3A_343 : memref<104x128xf32, #tpu.memory_space<vmem>>) target(%dma_start3A_339 : memref<104x128xf32, #tpu.memory_space<hbm>>) target_semaphore(%arg12 : memref<!tpu.dma_semaphore, #tpu.memory_space<semaphore_mem>>)
      } else {
      }
      %add3A_202 = arith.constant 3 : i32
      %add3A_203 = arith.addi %add3A_199, %add3A_202 : i32
      %lt3A_204 = arith.constant 128 : i32
      %lt3A_205 = arith.cmpi slt, %add3A_203, %lt3A_204 : i32
      %convert_element_type3A_206 = arith.extui %lt3A_205 : i1 to i32
      %cond3A_207 = arith.constant 0 : i32
      %cond3A_208 = arith.cmpi ne, %convert_element_type3A_206, %cond3A_207 : i32
      scf.if %cond3A_208 {
        %add3A_277 = arith.constant 3 : i32
        %add3A_278 = arith.addi %add3A_199, %add3A_277 : i32
        %dma_start3A_279 = arith.constant 0 : i32
        %dma_start3A_280 = arith.constant 0 : i32
        %dma_start3A_281 = arith.constant 0 : i32
        %dma_start3A_282 = tpu.memref_slice %arg6[%dma_start3A_279, %dma_start3A_280, %dma_start3A_281] : memref<3x2x100xi32, #tpu.memory_space<vmem>> -> memref<1x2x100xi32, #tpu.memory_space<vmem>>
        %dma_start3A_283 = tpu.memref_squeeze %dma_start3A_282 : memref<1x2x100xi32, #tpu.memory_space<vmem>> -> memref<2x100xi32, #tpu.memory_space<vmem>>
        %dma_start3A_284 = arith.constant 0 : i32
        %dma_start3A_285 = arith.constant 0 : i32
        %dma_start3A_286 = tpu.memref_slice %arg2[%add3A, %add3A_278, %dma_start3A_284, %dma_start3A_285] : memref<32x128x2x100xi32, #tpu.memory_space<hbm>> -> memref<1x1x2x100xi32, #tpu.memory_space<hbm>>
        %dma_start3A_287 = tpu.memref_squeeze %dma_start3A_286 : memref<1x1x2x100xi32, #tpu.memory_space<hbm>> -> memref<2x100xi32, #tpu.memory_space<hbm>>
        %dma_start3A_288 = arith.constant 0 : i32
        %dma_start3A_289 = arith.constant 0 : i32
        %dma_start3A_290 = tpu.memref_slice %arg6[%dma_start3A_279, %dma_start3A_288, %dma_start3A_289] : memref<3x2x100xi32, #tpu.memory_space<vmem>> -> memref<1x2x100xi32, #tpu.memory_space<vmem>>
        %dma_start3A_291 = tpu.memref_squeeze %dma_start3A_290 : memref<1x2x100xi32, #tpu.memory_space<vmem>> -> memref<2x100xi32, #tpu.memory_space<vmem>>
        %dma_start3A_292 = arith.constant 0 : i32
        %dma_start3A_293 = arith.constant 0 : i32
        %dma_start3A_294 = tpu.memref_slice %arg2[%add3A, %add3A_278, %dma_start3A_292, %dma_start3A_293] : memref<32x128x2x100xi32, #tpu.memory_space<hbm>> -> memref<1x1x2x100xi32, #tpu.memory_space<hbm>>
        %dma_start3A_295 = tpu.memref_squeeze %dma_start3A_294 : memref<1x1x2x100xi32, #tpu.memory_space<hbm>> -> memref<2x100xi32, #tpu.memory_space<hbm>>
        tpu.enqueue_dma source(%dma_start3A_295 : memref<2x100xi32, #tpu.memory_space<hbm>>) target(%dma_start3A_291 : memref<2x100xi32, #tpu.memory_space<vmem>>) target_semaphore(%arg15 : memref<!tpu.dma_semaphore, #tpu.memory_space<semaphore_mem>>)
      } else {
      }
      %add3A_209 = arith.constant 3 : i32
      %add3A_210 = arith.addi %add3A_199, %add3A_209 : i32
      %sub3A = arith.constant 1 : i32
      %sub3A_211 = arith.subi %add3A_210, %sub3A : i32
      %lt3A_212 = arith.constant 128 : i32
      %lt3A_213 = arith.cmpi slt, %sub3A_211, %lt3A_212 : i32
      %gt3A = arith.constant 0 : i32
      %gt3A_214 = arith.cmpi sgt, %scan3A_195, %gt3A : i32
      %and3A = arith.andi %lt3A_213, %gt3A_214 : i1
      %convert_element_type3A_215 = arith.extui %and3A : i1 to i32
      %cond3A_216 = arith.constant 0 : i32
      %cond3A_217 = arith.cmpi ne, %convert_element_type3A_215, %cond3A_216 : i32
      scf.if %cond3A_217 {
        %dma_wait3A_277 = arith.constant 2 : i32
        %dma_wait3A_278 = arith.constant 0 : i32
        %dma_wait3A_279 = arith.constant 0 : i32
        %dma_wait3A_280 = tpu.memref_slice %arg7[%dma_wait3A_277, %dma_wait3A_278, %dma_wait3A_279] : memref<3x200x128xf32, #tpu.memory_space<vmem>> -> memref<1x200x128xf32, #tpu.memory_space<vmem>>
        %dma_wait3A_281 = tpu.memref_squeeze %dma_wait3A_280 : memref<1x200x128xf32, #tpu.memory_space<vmem>> -> memref<200x128xf32, #tpu.memory_space<vmem>>
        %dma_wait3A_282 = arith.constant 0 : i32
        %dma_wait3A_283 = arith.constant 0 : i32
        %dma_wait3A_284 = tpu.memref_slice %arg5[%dma_wait3A_282, %dma_wait3A_283] : memref<819200x128xf32, #tpu.memory_space<hbm>> -> memref<200x128xf32, #tpu.memory_space<hbm>>
        %dma_wait3A_285 = arith.constant 0 : i32
        %dma_wait3A_286 = arith.constant 0 : i32
        %dma_wait3A_287 = tpu.memref_slice %arg5[%dma_wait3A_285, %dma_wait3A_286] : memref<819200x128xf32, #tpu.memory_space<hbm>> -> memref<200x128xf32, #tpu.memory_space<hbm>>
        %dma_wait3A_288 = arith.constant 0 : i32
        %dma_wait3A_289 = arith.constant 0 : i32
        %dma_wait3A_290 = tpu.memref_slice %arg7[%dma_wait3A_277, %dma_wait3A_288, %dma_wait3A_289] : memref<3x200x128xf32, #tpu.memory_space<vmem>> -> memref<1x200x128xf32, #tpu.memory_space<vmem>>
        %dma_wait3A_291 = tpu.memref_squeeze %dma_wait3A_290 : memref<1x200x128xf32, #tpu.memory_space<vmem>> -> memref<200x128xf32, #tpu.memory_space<vmem>>
        tpu.wait_dma2 semaphore(%arg14 : memref<!tpu.dma_semaphore, #tpu.memory_space<semaphore_mem>>) src(%dma_wait3A_291 : memref<200x128xf32, #tpu.memory_space<vmem>>) dst(%dma_wait3A_287 : memref<200x128xf32, #tpu.memory_space<hbm>>)
      } else {
      }
      %convert_element_type3A_218 = arith.extui %lt3A_213 : i1 to i32
      %cond3A_219 = arith.constant 0 : i32
      %cond3A_220 = arith.cmpi ne, %convert_element_type3A_218, %cond3A_219 : i32
      scf.if %cond3A_220 {
        %dma_wait3A_277 = arith.constant 0 : i32
        %dma_wait3A_278 = arith.constant 2 : i32
        %dma_wait3A_279 = arith.constant 0 : i32
        %dma_wait3A_280 = arith.constant 0 : i32
        %dma_wait3A_281 = tpu.memref_slice %arg6[%dma_wait3A_278, %dma_wait3A_279, %dma_wait3A_280] : memref<3x2x100xi32, #tpu.memory_space<vmem>> -> memref<1x2x100xi32, #tpu.memory_space<vmem>>
        %dma_wait3A_282 = tpu.memref_squeeze %dma_wait3A_281 : memref<1x2x100xi32, #tpu.memory_space<vmem>> -> memref<2x100xi32, #tpu.memory_space<vmem>>
        %dma_wait3A_283 = arith.constant 0 : i32
        %dma_wait3A_284 = arith.constant 0 : i32
        %dma_wait3A_285 = tpu.memref_slice %arg2[%add3A, %dma_wait3A_277, %dma_wait3A_283, %dma_wait3A_284] : memref<32x128x2x100xi32, #tpu.memory_space<hbm>> -> memref<1x1x2x100xi32, #tpu.memory_space<hbm>>
        %dma_wait3A_286 = tpu.memref_squeeze %dma_wait3A_285 : memref<1x1x2x100xi32, #tpu.memory_space<hbm>> -> memref<2x100xi32, #tpu.memory_space<hbm>>
        %dma_wait3A_287 = arith.constant 0 : i32
        %dma_wait3A_288 = arith.constant 0 : i32
        %dma_wait3A_289 = tpu.memref_slice %arg6[%dma_wait3A_278, %dma_wait3A_287, %dma_wait3A_288] : memref<3x2x100xi32, #tpu.memory_space<vmem>> -> memref<1x2x100xi32, #tpu.memory_space<vmem>>
        %dma_wait3A_290 = tpu.memref_squeeze %dma_wait3A_289 : memref<1x2x100xi32, #tpu.memory_space<vmem>> -> memref<2x100xi32, #tpu.memory_space<vmem>>
        %dma_wait3A_291 = arith.constant 0 : i32
        %dma_wait3A_292 = arith.constant 0 : i32
        %dma_wait3A_293 = tpu.memref_slice %arg2[%add3A, %dma_wait3A_277, %dma_wait3A_291, %dma_wait3A_292] : memref<32x128x2x100xi32, #tpu.memory_space<hbm>> -> memref<1x1x2x100xi32, #tpu.memory_space<hbm>>
        %dma_wait3A_294 = tpu.memref_squeeze %dma_wait3A_293 : memref<1x1x2x100xi32, #tpu.memory_space<hbm>> -> memref<2x100xi32, #tpu.memory_space<hbm>>
        tpu.wait_dma2 semaphore(%arg17 : memref<!tpu.dma_semaphore, #tpu.memory_space<semaphore_mem>>) src(%dma_wait3A_294 : memref<2x100xi32, #tpu.memory_space<hbm>>) dst(%dma_wait3A_290 : memref<2x100xi32, #tpu.memory_space<vmem>>)
        %dma_start3A_295 = arith.constant 2 : i32
        %dma_start3A_296 = arith.constant 0 : i32
        %dma_start3A_297 = arith.constant 2 : i32
        %dma_start3A_298 = arith.constant 0 : i32
        %dma_start3A_299 = arith.constant 0 : i32
        %dma_start3A_300 = tpu.memref_slice %arg7[%dma_start3A_297, %dma_start3A_298, %dma_start3A_299] : memref<3x200x128xf32, #tpu.memory_space<vmem>> -> memref<1x100x128xf32, #tpu.memory_space<vmem>>
        %dma_start3A_301 = tpu.memref_squeeze %dma_start3A_300 : memref<1x100x128xf32, #tpu.memory_space<vmem>> -> memref<100x128xf32, #tpu.memory_space<vmem>>
        %dma_start3A_302 = arith.constant 0 : i32
        %dma_start3A_303 = tpu.memref_slice %arg6[%dma_start3A_295, %dma_start3A_296, %dma_start3A_302] : memref<3x2x100xi32, #tpu.memory_space<vmem>> -> memref<1x1x100xi32, #tpu.memory_space<vmem>>
        %dma_start3A_304 = tpu.memref_squeeze %dma_start3A_303 : memref<1x1x100xi32, #tpu.memory_space<vmem>> -> memref<100xi32, #tpu.memory_space<vmem>>
        %dma_start3A_305 = arith.constant 0 : i32
        %dma_start3A_306 = arith.constant 0 : i32
        %dma_start3A_307 = tpu.memref_slice %arg3[%dma_start3A_305, %dma_start3A_306] : memref<100000x128xf32, #tpu.memory_space<hbm>> -> memref<100000x128xf32, #tpu.memory_space<hbm>>
        tpu.enqueue_indirect_dma source(%dma_start3A_307 : memref<100000x128xf32, #tpu.memory_space<hbm>>) target(%dma_start3A_301 : memref<100x128xf32, #tpu.memory_space<vmem>>) offsets(%dma_start3A_304 : memref<100xi32, #tpu.memory_space<vmem>>) semaphore(%arg11 : memref<!tpu.dma_semaphore, #tpu.memory_space<semaphore_mem>>)
        %dma_start3A_308 = arith.constant 2 : i32
        %dma_start3A_309 = arith.constant 1 : i32
        %dma_start3A_310 = arith.constant 2 : i32
        %dma_start3A_311 = arith.constant 100 : i32
        %dma_start3A_312 = arith.constant 0 : i32
        %dma_start3A_313 = tpu.memref_slice %arg7[%dma_start3A_310, %dma_start3A_311, %dma_start3A_312] : memref<3x200x128xf32, #tpu.memory_space<vmem>> -> memref<1x100x128xf32, #tpu.memory_space<vmem>>
        %dma_start3A_314 = tpu.memref_squeeze %dma_start3A_313 : memref<1x100x128xf32, #tpu.memory_space<vmem>> -> memref<100x128xf32, #tpu.memory_space<vmem>>
        %dma_start3A_315 = arith.constant 0 : i32
        %dma_start3A_316 = tpu.memref_slice %arg6[%dma_start3A_308, %dma_start3A_309, %dma_start3A_315] : memref<3x2x100xi32, #tpu.memory_space<vmem>> -> memref<1x1x100xi32, #tpu.memory_space<vmem>>
        %dma_start3A_317 = tpu.memref_squeeze %dma_start3A_316 : memref<1x1x100xi32, #tpu.memory_space<vmem>> -> memref<100xi32, #tpu.memory_space<vmem>>
        %dma_start3A_318 = arith.constant 0 : i32
        %dma_start3A_319 = arith.constant 0 : i32
        %dma_start3A_320 = tpu.memref_slice %arg3[%dma_start3A_318, %dma_start3A_319] : memref<100000x128xf32, #tpu.memory_space<hbm>> -> memref<100000x128xf32, #tpu.memory_space<hbm>>
        tpu.enqueue_indirect_dma source(%dma_start3A_320 : memref<100000x128xf32, #tpu.memory_space<hbm>>) target(%dma_start3A_314 : memref<100x128xf32, #tpu.memory_space<vmem>>) offsets(%dma_start3A_317 : memref<100xi32, #tpu.memory_space<vmem>>) semaphore(%arg11 : memref<!tpu.dma_semaphore, #tpu.memory_space<semaphore_mem>>)
      } else {
      }
      %mul3A_221 = arith.constant 3 : i32
      %mul3A_222 = arith.muli %mul3A_221, %scan3A_195 : i32
      %add3A_223 = arith.constant 1 : i32
      %add3A_224 = arith.addi %mul3A_222, %add3A_223 : i32
      %lt3A_225 = arith.constant 128 : i32
      %lt3A_226 = arith.cmpi slt, %add3A_224, %lt3A_225 : i32
      %convert_element_type3A_227 = arith.extui %lt3A_226 : i1 to i32
      %cond3A_228 = arith.constant 0 : i32
      %cond3A_229 = arith.cmpi ne, %convert_element_type3A_227, %cond3A_228 : i32
      scf.if %cond3A_229 {
        %dma_wait3A_277 = arith.constant 0 : i32
        %dma_wait3A_278 = arith.constant 0 : i32
        %dma_wait3A_279 = arith.constant 1 : i32
        %dma_wait3A_280 = arith.constant 0 : i32
        %dma_wait3A_281 = arith.constant 0 : i32
        %dma_wait3A_282 = tpu.memref_slice %arg7[%dma_wait3A_279, %dma_wait3A_280, %dma_wait3A_281] : memref<3x200x128xf32, #tpu.memory_space<vmem>> -> memref<1x100x128xf32, #tpu.memory_space<vmem>>
        %dma_wait3A_283 = tpu.memref_squeeze %dma_wait3A_282 : memref<1x100x128xf32, #tpu.memory_space<vmem>> -> memref<100x128xf32, #tpu.memory_space<vmem>>
        %dma_wait3A_284 = arith.constant 0 : i32
        %dma_wait3A_285 = tpu.memref_slice %arg6[%dma_wait3A_277, %dma_wait3A_278, %dma_wait3A_284] : memref<3x2x100xi32, #tpu.memory_space<vmem>> -> memref<1x1x100xi32, #tpu.memory_space<vmem>>
        %dma_wait3A_286 = tpu.memref_squeeze %dma_wait3A_285 : memref<1x1x100xi32, #tpu.memory_space<vmem>> -> memref<100xi32, #tpu.memory_space<vmem>>
        %dma_wait3A_287 = arith.constant 0 : i32
        %dma_wait3A_288 = arith.constant 0 : i32
        %dma_wait3A_289 = tpu.memref_slice %arg3[%dma_wait3A_287, %dma_wait3A_288] : memref<100000x128xf32, #tpu.memory_space<hbm>> -> memref<100000x128xf32, #tpu.memory_space<hbm>>
        tpu.wait_indirect_dma semaphore(%arg10 : memref<!tpu.dma_semaphore, #tpu.memory_space<semaphore_mem>>) src(%dma_wait3A_289 : memref<100000x128xf32, #tpu.memory_space<hbm>>) dst(%dma_wait3A_283 : memref<100x128xf32, #tpu.memory_space<vmem>>)
        %dma_wait3A_290 = arith.constant 0 : i32
        %dma_wait3A_291 = arith.constant 1 : i32
        %dma_wait3A_292 = arith.constant 1 : i32
        %dma_wait3A_293 = arith.constant 100 : i32
        %dma_wait3A_294 = arith.constant 0 : i32
        %dma_wait3A_295 = tpu.memref_slice %arg7[%dma_wait3A_292, %dma_wait3A_293, %dma_wait3A_294] : memref<3x200x128xf32, #tpu.memory_space<vmem>> -> memref<1x100x128xf32, #tpu.memory_space<vmem>>
        %dma_wait3A_296 = tpu.memref_squeeze %dma_wait3A_295 : memref<1x100x128xf32, #tpu.memory_space<vmem>> -> memref<100x128xf32, #tpu.memory_space<vmem>>
        %dma_wait3A_297 = arith.constant 0 : i32
        %dma_wait3A_298 = tpu.memref_slice %arg6[%dma_wait3A_290, %dma_wait3A_291, %dma_wait3A_297] : memref<3x2x100xi32, #tpu.memory_space<vmem>> -> memref<1x1x100xi32, #tpu.memory_space<vmem>>
        %dma_wait3A_299 = tpu.memref_squeeze %dma_wait3A_298 : memref<1x1x100xi32, #tpu.memory_space<vmem>> -> memref<100xi32, #tpu.memory_space<vmem>>
        %dma_wait3A_300 = arith.constant 0 : i32
        %dma_wait3A_301 = arith.constant 0 : i32
        %dma_wait3A_302 = tpu.memref_slice %arg3[%dma_wait3A_300, %dma_wait3A_301] : memref<100000x128xf32, #tpu.memory_space<hbm>> -> memref<100000x128xf32, #tpu.memory_space<hbm>>
        tpu.wait_indirect_dma semaphore(%arg10 : memref<!tpu.dma_semaphore, #tpu.memory_space<semaphore_mem>>) src(%dma_wait3A_302 : memref<100000x128xf32, #tpu.memory_space<hbm>>) dst(%dma_wait3A_296 : memref<100x128xf32, #tpu.memory_space<vmem>>)
        %parallel_loop3A = arith.constant 0 : i32
        %parallel_loop3A_303 = arith.constant 96 : i32
        %parallel_loop3A_304 = arith.constant 1 : i32
        scf.for %parallel_loop3A_344 = %parallel_loop3A to %parallel_loop3A_303 step %parallel_loop3A_304  : i32 {
          %parallel_loop3A_345 = arith.index_cast %parallel_loop3A_344 : i32 to index
          %parallel_loop3A_346 = arith.constant 0 : index
          %parallel_loop3A_347 = tpu.vector_load %arg8[%parallel_loop3A_345, %parallel_loop3A_346] {strides = array<i32>} : memref<200x128xf32, #tpu.memory_space<vmem>>, vector<1x16xf32>,
          %parallel_loop3A_348 = vector.shape_cast %parallel_loop3A_347 : vector<1x16xf32> to vector<16xf32>
          %parallel_loop3A_349 = arith.constant 1 : i32
          %parallel_loop3A_350 = arith.index_cast %parallel_loop3A_349 : i32 to index
          %parallel_loop3A_351 = arith.index_cast %parallel_loop3A_344 : i32 to index
          %parallel_loop3A_352 = arith.constant 0 : index
          %parallel_loop3A_353 = tpu.vector_load %arg7[%parallel_loop3A_350, %parallel_loop3A_351, %parallel_loop3A_352] {strides = array<i32>} : memref<3x200x128xf32, #tpu.memory_space<vmem>>, vector<1x1x16xf32>,
          %parallel_loop3A_354 = vector.shape_cast %parallel_loop3A_353 : vector<1x1x16xf32> to vector<16xf32>
          %parallel_loop3A_355 = vector.shape_cast %parallel_loop3A_348 : vector<16xf32> to vector<1x1x16xf32>
          tpu.vector_store %arg7[%parallel_loop3A_350, %parallel_loop3A_351, %parallel_loop3A_352], %parallel_loop3A_355 {add = true, strides = array<i32>} : memref<3x200x128xf32, #tpu.memory_space<vmem>>, vector<1x1x16xf32>,
          %parallel_loop3A_356 = arith.index_cast %parallel_loop3A_344 : i32 to index
          %parallel_loop3A_357 = arith.constant 16 : index
          %parallel_loop3A_358 = tpu.vector_load %arg8[%parallel_loop3A_356, %parallel_loop3A_357] {strides = array<i32>} : memref<200x128xf32, #tpu.memory_space<vmem>>, vector<1x16xf32>,
          %parallel_loop3A_359 = vector.shape_cast %parallel_loop3A_358 : vector<1x16xf32> to vector<16xf32>
          %parallel_loop3A_360 = arith.constant 1 : i32
          %parallel_loop3A_361 = arith.index_cast %parallel_loop3A_360 : i32 to index
          %parallel_loop3A_362 = arith.index_cast %parallel_loop3A_344 : i32 to index
          %parallel_loop3A_363 = arith.constant 16 : index
          %parallel_loop3A_364 = tpu.vector_load %arg7[%parallel_loop3A_361, %parallel_loop3A_362, %parallel_loop3A_363] {strides = array<i32>} : memref<3x200x128xf32, #tpu.memory_space<vmem>>, vector<1x1x16xf32>,
          %parallel_loop3A_365 = vector.shape_cast %parallel_loop3A_364 : vector<1x1x16xf32> to vector<16xf32>
          %parallel_loop3A_366 = vector.shape_cast %parallel_loop3A_359 : vector<16xf32> to vector<1x1x16xf32>
          tpu.vector_store %arg7[%parallel_loop3A_361, %parallel_loop3A_362, %parallel_loop3A_363], %parallel_loop3A_366 {add = true, strides = array<i32>} : memref<3x200x128xf32, #tpu.memory_space<vmem>>, vector<1x1x16xf32>,
          %parallel_loop3A_367 = arith.index_cast %parallel_loop3A_344 : i32 to index
          %parallel_loop3A_368 = arith.constant 32 : index
          %parallel_loop3A_369 = tpu.vector_load %arg8[%parallel_loop3A_367, %parallel_loop3A_368] {strides = array<i32>} : memref<200x128xf32, #tpu.memory_space<vmem>>, vector<1x16xf32>,
          %parallel_loop3A_370 = vector.shape_cast %parallel_loop3A_369 : vector<1x16xf32> to vector<16xf32>
          %parallel_loop3A_371 = arith.constant 1 : i32
          %parallel_loop3A_372 = arith.index_cast %parallel_loop3A_371 : i32 to index
          %parallel_loop3A_373 = arith.index_cast %parallel_loop3A_344 : i32 to index
          %parallel_loop3A_374 = arith.constant 32 : index
          %parallel_loop3A_375 = tpu.vector_load %arg7[%parallel_loop3A_372, %parallel_loop3A_373, %parallel_loop3A_374] {strides = array<i32>} : memref<3x200x128xf32, #tpu.memory_space<vmem>>, vector<1x1x16xf32>,
          %parallel_loop3A_376 = vector.shape_cast %parallel_loop3A_375 : vector<1x1x16xf32> to vector<16xf32>
          %parallel_loop3A_377 = vector.shape_cast %parallel_loop3A_370 : vector<16xf32> to vector<1x1x16xf32>
          tpu.vector_store %arg7[%parallel_loop3A_372, %parallel_loop3A_373, %parallel_loop3A_374], %parallel_loop3A_377 {add = true, strides = array<i32>} : memref<3x200x128xf32, #tpu.memory_space<vmem>>, vector<1x1x16xf32>,
          %parallel_loop3A_378 = arith.index_cast %parallel_loop3A_344 : i32 to index
          %parallel_loop3A_379 = arith.constant 48 : index
          %parallel_loop3A_380 = tpu.vector_load %arg8[%parallel_loop3A_378, %parallel_loop3A_379] {strides = array<i32>} : memref<200x128xf32, #tpu.memory_space<vmem>>, vector<1x16xf32>,
          %parallel_loop3A_381 = vector.shape_cast %parallel_loop3A_380 : vector<1x16xf32> to vector<16xf32>
          %parallel_loop3A_382 = arith.constant 1 : i32
          %parallel_loop3A_383 = arith.index_cast %parallel_loop3A_382 : i32 to index
          %parallel_loop3A_384 = arith.index_cast %parallel_loop3A_344 : i32 to index
          %parallel_loop3A_385 = arith.constant 48 : index
          %parallel_loop3A_386 = tpu.vector_load %arg7[%parallel_loop3A_383, %parallel_loop3A_384, %parallel_loop3A_385] {strides = array<i32>} : memref<3x200x128xf32, #tpu.memory_space<vmem>>, vector<1x1x16xf32>,
          %parallel_loop3A_387 = vector.shape_cast %parallel_loop3A_386 : vector<1x1x16xf32> to vector<16xf32>
          %parallel_loop3A_388 = vector.shape_cast %parallel_loop3A_381 : vector<16xf32> to vector<1x1x16xf32>
          tpu.vector_store %arg7[%parallel_loop3A_383, %parallel_loop3A_384, %parallel_loop3A_385], %parallel_loop3A_388 {add = true, strides = array<i32>} : memref<3x200x128xf32, #tpu.memory_space<vmem>>, vector<1x1x16xf32>,
          %parallel_loop3A_389 = arith.index_cast %parallel_loop3A_344 : i32 to index
          %parallel_loop3A_390 = arith.constant 64 : index
          %parallel_loop3A_391 = tpu.vector_load %arg8[%parallel_loop3A_389, %parallel_loop3A_390] {strides = array<i32>} : memref<200x128xf32, #tpu.memory_space<vmem>>, vector<1x16xf32>,
          %parallel_loop3A_392 = vector.shape_cast %parallel_loop3A_391 : vector<1x16xf32> to vector<16xf32>
          %parallel_loop3A_393 = arith.constant 1 : i32
          %parallel_loop3A_394 = arith.index_cast %parallel_loop3A_393 : i32 to index
          %parallel_loop3A_395 = arith.index_cast %parallel_loop3A_344 : i32 to index
          %parallel_loop3A_396 = arith.constant 64 : index
          %parallel_loop3A_397 = tpu.vector_load %arg7[%parallel_loop3A_394, %parallel_loop3A_395, %parallel_loop3A_396] {strides = array<i32>} : memref<3x200x128xf32, #tpu.memory_space<vmem>>, vector<1x1x16xf32>,
          %parallel_loop3A_398 = vector.shape_cast %parallel_loop3A_397 : vector<1x1x16xf32> to vector<16xf32>
          %parallel_loop3A_399 = vector.shape_cast %parallel_loop3A_392 : vector<16xf32> to vector<1x1x16xf32>
          tpu.vector_store %arg7[%parallel_loop3A_394, %parallel_loop3A_395, %parallel_loop3A_396], %parallel_loop3A_399 {add = true, strides = array<i32>} : memref<3x200x128xf32, #tpu.memory_space<vmem>>, vector<1x1x16xf32>,
          %parallel_loop3A_400 = arith.index_cast %parallel_loop3A_344 : i32 to index
          %parallel_loop3A_401 = arith.constant 80 : index
          %parallel_loop3A_402 = tpu.vector_load %arg8[%parallel_loop3A_400, %parallel_loop3A_401] {strides = array<i32>} : memref<200x128xf32, #tpu.memory_space<vmem>>, vector<1x16xf32>,
          %parallel_loop3A_403 = vector.shape_cast %parallel_loop3A_402 : vector<1x16xf32> to vector<16xf32>
          %parallel_loop3A_404 = arith.constant 1 : i32
          %parallel_loop3A_405 = arith.index_cast %parallel_loop3A_404 : i32 to index
          %parallel_loop3A_406 = arith.index_cast %parallel_loop3A_344 : i32 to index
          %parallel_loop3A_407 = arith.constant 80 : index
          %parallel_loop3A_408 = tpu.vector_load %arg7[%parallel_loop3A_405, %parallel_loop3A_406, %parallel_loop3A_407] {strides = array<i32>} : memref<3x200x128xf32, #tpu.memory_space<vmem>>, vector<1x1x16xf32>,
          %parallel_loop3A_409 = vector.shape_cast %parallel_loop3A_408 : vector<1x1x16xf32> to vector<16xf32>
          %parallel_loop3A_410 = vector.shape_cast %parallel_loop3A_403 : vector<16xf32> to vector<1x1x16xf32>
          tpu.vector_store %arg7[%parallel_loop3A_405, %parallel_loop3A_406, %parallel_loop3A_407], %parallel_loop3A_410 {add = true, strides = array<i32>} : memref<3x200x128xf32, #tpu.memory_space<vmem>>, vector<1x1x16xf32>,
          %parallel_loop3A_411 = arith.index_cast %parallel_loop3A_344 : i32 to index
          %parallel_loop3A_412 = arith.constant 96 : index
          %parallel_loop3A_413 = tpu.vector_load %arg8[%parallel_loop3A_411, %parallel_loop3A_412] {strides = array<i32>} : memref<200x128xf32, #tpu.memory_space<vmem>>, vector<1x16xf32>,
          %parallel_loop3A_414 = vector.shape_cast %parallel_loop3A_413 : vector<1x16xf32> to vector<16xf32>
          %parallel_loop3A_415 = arith.constant 1 : i32
          %parallel_loop3A_416 = arith.index_cast %parallel_loop3A_415 : i32 to index
          %parallel_loop3A_417 = arith.index_cast %parallel_loop3A_344 : i32 to index
          %parallel_loop3A_418 = arith.constant 96 : index
          %parallel_loop3A_419 = tpu.vector_load %arg7[%parallel_loop3A_416, %parallel_loop3A_417, %parallel_loop3A_418] {strides = array<i32>} : memref<3x200x128xf32, #tpu.memory_space<vmem>>, vector<1x1x16xf32>,
          %parallel_loop3A_420 = vector.shape_cast %parallel_loop3A_419 : vector<1x1x16xf32> to vector<16xf32>
          %parallel_loop3A_421 = vector.shape_cast %parallel_loop3A_414 : vector<16xf32> to vector<1x1x16xf32>
          tpu.vector_store %arg7[%parallel_loop3A_416, %parallel_loop3A_417, %parallel_loop3A_418], %parallel_loop3A_421 {add = true, strides = array<i32>} : memref<3x200x128xf32, #tpu.memory_space<vmem>>, vector<1x1x16xf32>,
          %parallel_loop3A_422 = arith.index_cast %parallel_loop3A_344 : i32 to index
          %parallel_loop3A_423 = arith.constant 112 : index
          %parallel_loop3A_424 = tpu.vector_load %arg8[%parallel_loop3A_422, %parallel_loop3A_423] {strides = array<i32>} : memref<200x128xf32, #tpu.memory_space<vmem>>, vector<1x16xf32>,
          %parallel_loop3A_425 = vector.shape_cast %parallel_loop3A_424 : vector<1x16xf32> to vector<16xf32>
          %parallel_loop3A_426 = arith.constant 1 : i32
          %parallel_loop3A_427 = arith.index_cast %parallel_loop3A_426 : i32 to index
          %parallel_loop3A_428 = arith.index_cast %parallel_loop3A_344 : i32 to index
          %parallel_loop3A_429 = arith.constant 112 : index
          %parallel_loop3A_430 = tpu.vector_load %arg7[%parallel_loop3A_427, %parallel_loop3A_428, %parallel_loop3A_429] {strides = array<i32>} : memref<3x200x128xf32, #tpu.memory_space<vmem>>, vector<1x1x16xf32>,
          %parallel_loop3A_431 = vector.shape_cast %parallel_loop3A_430 : vector<1x1x16xf32> to vector<16xf32>
          %parallel_loop3A_432 = vector.shape_cast %parallel_loop3A_425 : vector<16xf32> to vector<1x1x16xf32>
          tpu.vector_store %arg7[%parallel_loop3A_427, %parallel_loop3A_428, %parallel_loop3A_429], %parallel_loop3A_432 {add = true, strides = array<i32>} : memref<3x200x128xf32, #tpu.memory_space<vmem>>, vector<1x1x16xf32>,
        } {sc.loop_unroll_factor = 4 : i64, sc.parallel_access}
        %mul3A_305 = arith.constant 200 : i32
        %mul3A_306 = arith.muli %add3A_224, %mul3A_305 : i32
        %add3A_307 = arith.addi %mul3A_4, %mul3A_306 : i32
        %add3A_308 = arith.constant 0 : i32
        %add3A_309 = arith.addi %add3A_307, %add3A_308 : i32
        %dma_start3A_310 = arith.constant 1 : i32
        %dma_start3A_311 = arith.constant 0 : i32
        %dma_start3A_312 = arith.constant 0 : i32
        %dma_start3A_313 = tpu.memref_slice %arg7[%dma_start3A_310, %dma_start3A_311, %dma_start3A_312] : memref<3x200x128xf32, #tpu.memory_space<vmem>> -> memref<1x96x128xf32, #tpu.memory_space<vmem>>
        %dma_start3A_314 = tpu.memref_squeeze %dma_start3A_313 : memref<1x96x128xf32, #tpu.memory_space<vmem>> -> memref<96x128xf32, #tpu.memory_space<vmem>>
        %dma_start3A_315 = arith.constant 0 : i32
        %dma_start3A_316 = tpu.memref_slice %arg5[%add3A_309, %dma_start3A_315] : memref<819200x128xf32, #tpu.memory_space<hbm>> -> memref<96x128xf32, #tpu.memory_space<hbm>>
        %dma_start3A_317 = arith.constant 0 : i32
        %dma_start3A_318 = tpu.memref_slice %arg5[%add3A_309, %dma_start3A_317] : memref<819200x128xf32, #tpu.memory_space<hbm>> -> memref<96x128xf32, #tpu.memory_space<hbm>>
        %dma_start3A_319 = arith.constant 0 : i32
        %dma_start3A_320 = arith.constant 0 : i32
        %dma_start3A_321 = tpu.memref_slice %arg7[%dma_start3A_310, %dma_start3A_319, %dma_start3A_320] : memref<3x200x128xf32, #tpu.memory_space<vmem>> -> memref<1x96x128xf32, #tpu.memory_space<vmem>>
        %dma_start3A_322 = tpu.memref_squeeze %dma_start3A_321 : memref<1x96x128xf32, #tpu.memory_space<vmem>> -> memref<96x128xf32, #tpu.memory_space<vmem>>
        tpu.enqueue_dma source(%dma_start3A_322 : memref<96x128xf32, #tpu.memory_space<vmem>>) target(%dma_start3A_318 : memref<96x128xf32, #tpu.memory_space<hbm>>) target_semaphore(%arg13 : memref<!tpu.dma_semaphore, #tpu.memory_space<semaphore_mem>>)
        %parallel_loop3A_323 = arith.constant 96 : i32
        %parallel_loop3A_324 = arith.constant 200 : i32
        %parallel_loop3A_325 = arith.constant 1 : i32
        scf.for %parallel_loop3A_344 = %parallel_loop3A_323 to %parallel_loop3A_324 step %parallel_loop3A_325  : i32 {
          %parallel_loop3A_345 = arith.index_cast %parallel_loop3A_344 : i32 to index
          %parallel_loop3A_346 = arith.constant 0 : index
          %parallel_loop3A_347 = tpu.vector_load %arg8[%parallel_loop3A_345, %parallel_loop3A_346] {strides = array<i32>} : memref<200x128xf32, #tpu.memory_space<vmem>>, vector<1x16xf32>,
          %parallel_loop3A_348 = vector.shape_cast %parallel_loop3A_347 : vector<1x16xf32> to vector<16xf32>
          %parallel_loop3A_349 = arith.constant 1 : i32
          %parallel_loop3A_350 = arith.index_cast %parallel_loop3A_349 : i32 to index
          %parallel_loop3A_351 = arith.index_cast %parallel_loop3A_344 : i32 to index
          %parallel_loop3A_352 = arith.constant 0 : index
          %parallel_loop3A_353 = tpu.vector_load %arg7[%parallel_loop3A_350, %parallel_loop3A_351, %parallel_loop3A_352] {strides = array<i32>} : memref<3x200x128xf32, #tpu.memory_space<vmem>>, vector<1x1x16xf32>,
          %parallel_loop3A_354 = vector.shape_cast %parallel_loop3A_353 : vector<1x1x16xf32> to vector<16xf32>
          %parallel_loop3A_355 = vector.shape_cast %parallel_loop3A_348 : vector<16xf32> to vector<1x1x16xf32>
          tpu.vector_store %arg7[%parallel_loop3A_350, %parallel_loop3A_351, %parallel_loop3A_352], %parallel_loop3A_355 {add = true, strides = array<i32>} : memref<3x200x128xf32, #tpu.memory_space<vmem>>, vector<1x1x16xf32>,
          %parallel_loop3A_356 = arith.index_cast %parallel_loop3A_344 : i32 to index
          %parallel_loop3A_357 = arith.constant 16 : index
          %parallel_loop3A_358 = tpu.vector_load %arg8[%parallel_loop3A_356, %parallel_loop3A_357] {strides = array<i32>} : memref<200x128xf32, #tpu.memory_space<vmem>>, vector<1x16xf32>,
          %parallel_loop3A_359 = vector.shape_cast %parallel_loop3A_358 : vector<1x16xf32> to vector<16xf32>
          %parallel_loop3A_360 = arith.constant 1 : i32
          %parallel_loop3A_361 = arith.index_cast %parallel_loop3A_360 : i32 to index
          %parallel_loop3A_362 = arith.index_cast %parallel_loop3A_344 : i32 to index
          %parallel_loop3A_363 = arith.constant 16 : index
          %parallel_loop3A_364 = tpu.vector_load %arg7[%parallel_loop3A_361, %parallel_loop3A_362, %parallel_loop3A_363] {strides = array<i32>} : memref<3x200x128xf32, #tpu.memory_space<vmem>>, vector<1x1x16xf32>,
          %parallel_loop3A_365 = vector.shape_cast %parallel_loop3A_364 : vector<1x1x16xf32> to vector<16xf32>
          %parallel_loop3A_366 = vector.shape_cast %parallel_loop3A_359 : vector<16xf32> to vector<1x1x16xf32>
          tpu.vector_store %arg7[%parallel_loop3A_361, %parallel_loop3A_362, %parallel_loop3A_363], %parallel_loop3A_366 {add = true, strides = array<i32>} : memref<3x200x128xf32, #tpu.memory_space<vmem>>, vector<1x1x16xf32>,
          %parallel_loop3A_367 = arith.index_cast %parallel_loop3A_344 : i32 to index
          %parallel_loop3A_368 = arith.constant 32 : index
          %parallel_loop3A_369 = tpu.vector_load %arg8[%parallel_loop3A_367, %parallel_loop3A_368] {strides = array<i32>} : memref<200x128xf32, #tpu.memory_space<vmem>>, vector<1x16xf32>,
          %parallel_loop3A_370 = vector.shape_cast %parallel_loop3A_369 : vector<1x16xf32> to vector<16xf32>
          %parallel_loop3A_371 = arith.constant 1 : i32
          %parallel_loop3A_372 = arith.index_cast %parallel_loop3A_371 : i32 to index
          %parallel_loop3A_373 = arith.index_cast %parallel_loop3A_344 : i32 to index
          %parallel_loop3A_374 = arith.constant 32 : index
          %parallel_loop3A_375 = tpu.vector_load %arg7[%parallel_loop3A_372, %parallel_loop3A_373, %parallel_loop3A_374] {strides = array<i32>} : memref<3x200x128xf32, #tpu.memory_space<vmem>>, vector<1x1x16xf32>,
          %parallel_loop3A_376 = vector.shape_cast %parallel_loop3A_375 : vector<1x1x16xf32> to vector<16xf32>
          %parallel_loop3A_377 = vector.shape_cast %parallel_loop3A_370 : vector<16xf32> to vector<1x1x16xf32>
          tpu.vector_store %arg7[%parallel_loop3A_372, %parallel_loop3A_373, %parallel_loop3A_374], %parallel_loop3A_377 {add = true, strides = array<i32>} : memref<3x200x128xf32, #tpu.memory_space<vmem>>, vector<1x1x16xf32>,
          %parallel_loop3A_378 = arith.index_cast %parallel_loop3A_344 : i32 to index
          %parallel_loop3A_379 = arith.constant 48 : index
          %parallel_loop3A_380 = tpu.vector_load %arg8[%parallel_loop3A_378, %parallel_loop3A_379] {strides = array<i32>} : memref<200x128xf32, #tpu.memory_space<vmem>>, vector<1x16xf32>,
          %parallel_loop3A_381 = vector.shape_cast %parallel_loop3A_380 : vector<1x16xf32> to vector<16xf32>
          %parallel_loop3A_382 = arith.constant 1 : i32
          %parallel_loop3A_383 = arith.index_cast %parallel_loop3A_382 : i32 to index
          %parallel_loop3A_384 = arith.index_cast %parallel_loop3A_344 : i32 to index
          %parallel_loop3A_385 = arith.constant 48 : index
          %parallel_loop3A_386 = tpu.vector_load %arg7[%parallel_loop3A_383, %parallel_loop3A_384, %parallel_loop3A_385] {strides = array<i32>} : memref<3x200x128xf32, #tpu.memory_space<vmem>>, vector<1x1x16xf32>,
          %parallel_loop3A_387 = vector.shape_cast %parallel_loop3A_386 : vector<1x1x16xf32> to vector<16xf32>
          %parallel_loop3A_388 = vector.shape_cast %parallel_loop3A_381 : vector<16xf32> to vector<1x1x16xf32>
          tpu.vector_store %arg7[%parallel_loop3A_383, %parallel_loop3A_384, %parallel_loop3A_385], %parallel_loop3A_388 {add = true, strides = array<i32>} : memref<3x200x128xf32, #tpu.memory_space<vmem>>, vector<1x1x16xf32>,
          %parallel_loop3A_389 = arith.index_cast %parallel_loop3A_344 : i32 to index
          %parallel_loop3A_390 = arith.constant 64 : index
          %parallel_loop3A_391 = tpu.vector_load %arg8[%parallel_loop3A_389, %parallel_loop3A_390] {strides = array<i32>} : memref<200x128xf32, #tpu.memory_space<vmem>>, vector<1x16xf32>,
          %parallel_loop3A_392 = vector.shape_cast %parallel_loop3A_391 : vector<1x16xf32> to vector<16xf32>
          %parallel_loop3A_393 = arith.constant 1 : i32
          %parallel_loop3A_394 = arith.index_cast %parallel_loop3A_393 : i32 to index
          %parallel_loop3A_395 = arith.index_cast %parallel_loop3A_344 : i32 to index
          %parallel_loop3A_396 = arith.constant 64 : index
          %parallel_loop3A_397 = tpu.vector_load %arg7[%parallel_loop3A_394, %parallel_loop3A_395, %parallel_loop3A_396] {strides = array<i32>} : memref<3x200x128xf32, #tpu.memory_space<vmem>>, vector<1x1x16xf32>,
          %parallel_loop3A_398 = vector.shape_cast %parallel_loop3A_397 : vector<1x1x16xf32> to vector<16xf32>
          %parallel_loop3A_399 = vector.shape_cast %parallel_loop3A_392 : vector<16xf32> to vector<1x1x16xf32>
          tpu.vector_store %arg7[%parallel_loop3A_394, %parallel_loop3A_395, %parallel_loop3A_396], %parallel_loop3A_399 {add = true, strides = array<i32>} : memref<3x200x128xf32, #tpu.memory_space<vmem>>, vector<1x1x16xf32>,
          %parallel_loop3A_400 = arith.index_cast %parallel_loop3A_344 : i32 to index
          %parallel_loop3A_401 = arith.constant 80 : index
          %parallel_loop3A_402 = tpu.vector_load %arg8[%parallel_loop3A_400, %parallel_loop3A_401] {strides = array<i32>} : memref<200x128xf32, #tpu.memory_space<vmem>>, vector<1x16xf32>,
          %parallel_loop3A_403 = vector.shape_cast %parallel_loop3A_402 : vector<1x16xf32> to vector<16xf32>
          %parallel_loop3A_404 = arith.constant 1 : i32
          %parallel_loop3A_405 = arith.index_cast %parallel_loop3A_404 : i32 to index
          %parallel_loop3A_406 = arith.index_cast %parallel_loop3A_344 : i32 to index
          %parallel_loop3A_407 = arith.constant 80 : index
          %parallel_loop3A_408 = tpu.vector_load %arg7[%parallel_loop3A_405, %parallel_loop3A_406, %parallel_loop3A_407] {strides = array<i32>} : memref<3x200x128xf32, #tpu.memory_space<vmem>>, vector<1x1x16xf32>,
          %parallel_loop3A_409 = vector.shape_cast %parallel_loop3A_408 : vector<1x1x16xf32> to vector<16xf32>
          %parallel_loop3A_410 = vector.shape_cast %parallel_loop3A_403 : vector<16xf32> to vector<1x1x16xf32>
          tpu.vector_store %arg7[%parallel_loop3A_405, %parallel_loop3A_406, %parallel_loop3A_407], %parallel_loop3A_410 {add = true, strides = array<i32>} : memref<3x200x128xf32, #tpu.memory_space<vmem>>, vector<1x1x16xf32>,
          %parallel_loop3A_411 = arith.index_cast %parallel_loop3A_344 : i32 to index
          %parallel_loop3A_412 = arith.constant 96 : index
          %parallel_loop3A_413 = tpu.vector_load %arg8[%parallel_loop3A_411, %parallel_loop3A_412] {strides = array<i32>} : memref<200x128xf32, #tpu.memory_space<vmem>>, vector<1x16xf32>,
          %parallel_loop3A_414 = vector.shape_cast %parallel_loop3A_413 : vector<1x16xf32> to vector<16xf32>
          %parallel_loop3A_415 = arith.constant 1 : i32
          %parallel_loop3A_416 = arith.index_cast %parallel_loop3A_415 : i32 to index
          %parallel_loop3A_417 = arith.index_cast %parallel_loop3A_344 : i32 to index
          %parallel_loop3A_418 = arith.constant 96 : index
          %parallel_loop3A_419 = tpu.vector_load %arg7[%parallel_loop3A_416, %parallel_loop3A_417, %parallel_loop3A_418] {strides = array<i32>} : memref<3x200x128xf32, #tpu.memory_space<vmem>>, vector<1x1x16xf32>,
          %parallel_loop3A_420 = vector.shape_cast %parallel_loop3A_419 : vector<1x1x16xf32> to vector<16xf32>
          %parallel_loop3A_421 = vector.shape_cast %parallel_loop3A_414 : vector<16xf32> to vector<1x1x16xf32>
          tpu.vector_store %arg7[%parallel_loop3A_416, %parallel_loop3A_417, %parallel_loop3A_418], %parallel_loop3A_421 {add = true, strides = array<i32>} : memref<3x200x128xf32, #tpu.memory_space<vmem>>, vector<1x1x16xf32>,
          %parallel_loop3A_422 = arith.index_cast %parallel_loop3A_344 : i32 to index
          %parallel_loop3A_423 = arith.constant 112 : index
          %parallel_loop3A_424 = tpu.vector_load %arg8[%parallel_loop3A_422, %parallel_loop3A_423] {strides = array<i32>} : memref<200x128xf32, #tpu.memory_space<vmem>>, vector<1x16xf32>,
          %parallel_loop3A_425 = vector.shape_cast %parallel_loop3A_424 : vector<1x16xf32> to vector<16xf32>
          %parallel_loop3A_426 = arith.constant 1 : i32
          %parallel_loop3A_427 = arith.index_cast %parallel_loop3A_426 : i32 to index
          %parallel_loop3A_428 = arith.index_cast %parallel_loop3A_344 : i32 to index
          %parallel_loop3A_429 = arith.constant 112 : index
          %parallel_loop3A_430 = tpu.vector_load %arg7[%parallel_loop3A_427, %parallel_loop3A_428, %parallel_loop3A_429] {strides = array<i32>} : memref<3x200x128xf32, #tpu.memory_space<vmem>>, vector<1x1x16xf32>,
          %parallel_loop3A_431 = vector.shape_cast %parallel_loop3A_430 : vector<1x1x16xf32> to vector<16xf32>
          %parallel_loop3A_432 = vector.shape_cast %parallel_loop3A_425 : vector<16xf32> to vector<1x1x16xf32>
          tpu.vector_store %arg7[%parallel_loop3A_427, %parallel_loop3A_428, %parallel_loop3A_429], %parallel_loop3A_432 {add = true, strides = array<i32>} : memref<3x200x128xf32, #tpu.memory_space<vmem>>, vector<1x1x16xf32>,
        } {sc.loop_unroll_factor = 4 : i64, sc.parallel_access}
        %mul3A_326 = arith.constant 200 : i32
        %mul3A_327 = arith.muli %add3A_224, %mul3A_326 : i32
        %add3A_328 = arith.addi %mul3A_4, %mul3A_327 : i32
        %add3A_329 = arith.constant 96 : i32
        %add3A_330 = arith.addi %add3A_328, %add3A_329 : i32
        %dma_start3A_331 = arith.constant 1 : i32
        %dma_start3A_332 = arith.constant 96 : i32
        %dma_start3A_333 = arith.constant 0 : i32
        %dma_start3A_334 = tpu.memref_slice %arg7[%dma_start3A_331, %dma_start3A_332, %dma_start3A_333] : memref<3x200x128xf32, #tpu.memory_space<vmem>> -> memref<1x104x128xf32, #tpu.memory_space<vmem>>
        %dma_start3A_335 = tpu.memref_squeeze %dma_start3A_334 : memref<1x104x128xf32, #tpu.memory_space<vmem>> -> memref<104x128xf32, #tpu.memory_space<vmem>>
        %dma_start3A_336 = arith.constant 0 : i32
        %dma_start3A_337 = tpu.memref_slice %arg5[%add3A_330, %dma_start3A_336] : memref<819200x128xf32, #tpu.memory_space<hbm>> -> memref<104x128xf32, #tpu.memory_space<hbm>>
        %dma_start3A_338 = arith.constant 0 : i32
        %dma_start3A_339 = tpu.memref_slice %arg5[%add3A_330, %dma_start3A_338] : memref<819200x128xf32, #tpu.memory_space<hbm>> -> memref<104x128xf32, #tpu.memory_space<hbm>>
        %dma_start3A_340 = arith.constant 96 : i32
        %dma_start3A_341 = arith.constant 0 : i32
        %dma_start3A_342 = tpu.memref_slice %arg7[%dma_start3A_331, %dma_start3A_340, %dma_start3A_341] : memref<3x200x128xf32, #tpu.memory_space<vmem>> -> memref<1x104x128xf32, #tpu.memory_space<vmem>>
        %dma_start3A_343 = tpu.memref_squeeze %dma_start3A_342 : memref<1x104x128xf32, #tpu.memory_space<vmem>> -> memref<104x128xf32, #tpu.memory_space<vmem>>
        tpu.enqueue_dma source(%dma_start3A_343 : memref<104x128xf32, #tpu.memory_space<vmem>>) target(%dma_start3A_339 : memref<104x128xf32, #tpu.memory_space<hbm>>) target_semaphore(%arg13 : memref<!tpu.dma_semaphore, #tpu.memory_space<semaphore_mem>>)
      } else {
      }
      %add3A_230 = arith.constant 3 : i32
      %add3A_231 = arith.addi %add3A_224, %add3A_230 : i32
      %lt3A_232 = arith.constant 128 : i32
      %lt3A_233 = arith.cmpi slt, %add3A_231, %lt3A_232 : i32
      %convert_element_type3A_234 = arith.extui %lt3A_233 : i1 to i32
      %cond3A_235 = arith.constant 0 : i32
      %cond3A_236 = arith.cmpi ne, %convert_element_type3A_234, %cond3A_235 : i32
      scf.if %cond3A_236 {
        %add3A_277 = arith.constant 3 : i32
        %add3A_278 = arith.addi %add3A_224, %add3A_277 : i32
        %dma_start3A_279 = arith.constant 1 : i32
        %dma_start3A_280 = arith.constant 0 : i32
        %dma_start3A_281 = arith.constant 0 : i32
        %dma_start3A_282 = tpu.memref_slice %arg6[%dma_start3A_279, %dma_start3A_280, %dma_start3A_281] : memref<3x2x100xi32, #tpu.memory_space<vmem>> -> memref<1x2x100xi32, #tpu.memory_space<vmem>>
        %dma_start3A_283 = tpu.memref_squeeze %dma_start3A_282 : memref<1x2x100xi32, #tpu.memory_space<vmem>> -> memref<2x100xi32, #tpu.memory_space<vmem>>
        %dma_start3A_284 = arith.constant 0 : i32
        %dma_start3A_285 = arith.constant 0 : i32
        %dma_start3A_286 = tpu.memref_slice %arg2[%add3A, %add3A_278, %dma_start3A_284, %dma_start3A_285] : memref<32x128x2x100xi32, #tpu.memory_space<hbm>> -> memref<1x1x2x100xi32, #tpu.memory_space<hbm>>
        %dma_start3A_287 = tpu.memref_squeeze %dma_start3A_286 : memref<1x1x2x100xi32, #tpu.memory_space<hbm>> -> memref<2x100xi32, #tpu.memory_space<hbm>>
        %dma_start3A_288 = arith.constant 0 : i32
        %dma_start3A_289 = arith.constant 0 : i32
        %dma_start3A_290 = tpu.memref_slice %arg6[%dma_start3A_279, %dma_start3A_288, %dma_start3A_289] : memref<3x2x100xi32, #tpu.memory_space<vmem>> -> memref<1x2x100xi32, #tpu.memory_space<vmem>>
        %dma_start3A_291 = tpu.memref_squeeze %dma_start3A_290 : memref<1x2x100xi32, #tpu.memory_space<vmem>> -> memref<2x100xi32, #tpu.memory_space<vmem>>
        %dma_start3A_292 = arith.constant 0 : i32
        %dma_start3A_293 = arith.constant 0 : i32
        %dma_start3A_294 = tpu.memref_slice %arg2[%add3A, %add3A_278, %dma_start3A_292, %dma_start3A_293] : memref<32x128x2x100xi32, #tpu.memory_space<hbm>> -> memref<1x1x2x100xi32, #tpu.memory_space<hbm>>
        %dma_start3A_295 = tpu.memref_squeeze %dma_start3A_294 : memref<1x1x2x100xi32, #tpu.memory_space<hbm>> -> memref<2x100xi32, #tpu.memory_space<hbm>>
        tpu.enqueue_dma source(%dma_start3A_295 : memref<2x100xi32, #tpu.memory_space<hbm>>) target(%dma_start3A_291 : memref<2x100xi32, #tpu.memory_space<vmem>>) target_semaphore(%arg16 : memref<!tpu.dma_semaphore, #tpu.memory_space<semaphore_mem>>)
      } else {
      }
      %add3A_237 = arith.constant 3 : i32
      %add3A_238 = arith.addi %add3A_224, %add3A_237 : i32
      %sub3A_239 = arith.constant 1 : i32
      %sub3A_240 = arith.subi %add3A_238, %sub3A_239 : i32
      %lt3A_241 = arith.constant 128 : i32
      %lt3A_242 = arith.cmpi slt, %sub3A_240, %lt3A_241 : i32
      %convert_element_type3A_243 = arith.extui %lt3A_242 : i1 to i32
      %cond3A_244 = arith.constant 0 : i32
      %cond3A_245 = arith.cmpi ne, %convert_element_type3A_243, %cond3A_244 : i32
      scf.if %cond3A_245 {
        %dma_wait3A_277 = arith.constant 0 : i32
        %dma_wait3A_278 = arith.constant 0 : i32
        %dma_wait3A_279 = arith.constant 0 : i32
        %dma_wait3A_280 = tpu.memref_slice %arg7[%dma_wait3A_277, %dma_wait3A_278, %dma_wait3A_279] : memref<3x200x128xf32, #tpu.memory_space<vmem>> -> memref<1x200x128xf32, #tpu.memory_space<vmem>>
        %dma_wait3A_281 = tpu.memref_squeeze %dma_wait3A_280 : memref<1x200x128xf32, #tpu.memory_space<vmem>> -> memref<200x128xf32, #tpu.memory_space<vmem>>
        %dma_wait3A_282 = arith.constant 0 : i32
        %dma_wait3A_283 = arith.constant 0 : i32
        %dma_wait3A_284 = tpu.memref_slice %arg5[%dma_wait3A_282, %dma_wait3A_283] : memref<819200x128xf32, #tpu.memory_space<hbm>> -> memref<200x128xf32, #tpu.memory_space<hbm>>
        %dma_wait3A_285 = arith.constant 0 : i32
        %dma_wait3A_286 = arith.constant 0 : i32
        %dma_wait3A_287 = tpu.memref_slice %arg5[%dma_wait3A_285, %dma_wait3A_286] : memref<819200x128xf32, #tpu.memory_space<hbm>> -> memref<200x128xf32, #tpu.memory_space<hbm>>
        %dma_wait3A_288 = arith.constant 0 : i32
        %dma_wait3A_289 = arith.constant 0 : i32
        %dma_wait3A_290 = tpu.memref_slice %arg7[%dma_wait3A_277, %dma_wait3A_288, %dma_wait3A_289] : memref<3x200x128xf32, #tpu.memory_space<vmem>> -> memref<1x200x128xf32, #tpu.memory_space<vmem>>
        %dma_wait3A_291 = tpu.memref_squeeze %dma_wait3A_290 : memref<1x200x128xf32, #tpu.memory_space<vmem>> -> memref<200x128xf32, #tpu.memory_space<vmem>>
        tpu.wait_dma2 semaphore(%arg12 : memref<!tpu.dma_semaphore, #tpu.memory_space<semaphore_mem>>) src(%dma_wait3A_291 : memref<200x128xf32, #tpu.memory_space<vmem>>) dst(%dma_wait3A_287 : memref<200x128xf32, #tpu.memory_space<hbm>>)
      } else {
      }
      %convert_element_type3A_246 = arith.extui %lt3A_242 : i1 to i32
      %cond3A_247 = arith.constant 0 : i32
      %cond3A_248 = arith.cmpi ne, %convert_element_type3A_246, %cond3A_247 : i32
      scf.if %cond3A_248 {
        %dma_wait3A_277 = arith.constant 0 : i32
        %dma_wait3A_278 = arith.constant 0 : i32
        %dma_wait3A_279 = arith.constant 0 : i32
        %dma_wait3A_280 = arith.constant 0 : i32
        %dma_wait3A_281 = tpu.memref_slice %arg6[%dma_wait3A_278, %dma_wait3A_279, %dma_wait3A_280] : memref<3x2x100xi32, #tpu.memory_space<vmem>> -> memref<1x2x100xi32, #tpu.memory_space<vmem>>
        %dma_wait3A_282 = tpu.memref_squeeze %dma_wait3A_281 : memref<1x2x100xi32, #tpu.memory_space<vmem>> -> memref<2x100xi32, #tpu.memory_space<vmem>>
        %dma_wait3A_283 = arith.constant 0 : i32
        %dma_wait3A_284 = arith.constant 0 : i32
        %dma_wait3A_285 = tpu.memref_slice %arg2[%add3A, %dma_wait3A_277, %dma_wait3A_283, %dma_wait3A_284] : memref<32x128x2x100xi32, #tpu.memory_space<hbm>> -> memref<1x1x2x100xi32, #tpu.memory_space<hbm>>
        %dma_wait3A_286 = tpu.memref_squeeze %dma_wait3A_285 : memref<1x1x2x100xi32, #tpu.memory_space<hbm>> -> memref<2x100xi32, #tpu.memory_space<hbm>>
        %dma_wait3A_287 = arith.constant 0 : i32
        %dma_wait3A_288 = arith.constant 0 : i32
        %dma_wait3A_289 = tpu.memref_slice %arg6[%dma_wait3A_278, %dma_wait3A_287, %dma_wait3A_288] : memref<3x2x100xi32, #tpu.memory_space<vmem>> -> memref<1x2x100xi32, #tpu.memory_space<vmem>>
        %dma_wait3A_290 = tpu.memref_squeeze %dma_wait3A_289 : memref<1x2x100xi32, #tpu.memory_space<vmem>> -> memref<2x100xi32, #tpu.memory_space<vmem>>
        %dma_wait3A_291 = arith.constant 0 : i32
        %dma_wait3A_292 = arith.constant 0 : i32
        %dma_wait3A_293 = tpu.memref_slice %arg2[%add3A, %dma_wait3A_277, %dma_wait3A_291, %dma_wait3A_292] : memref<32x128x2x100xi32, #tpu.memory_space<hbm>> -> memref<1x1x2x100xi32, #tpu.memory_space<hbm>>
        %dma_wait3A_294 = tpu.memref_squeeze %dma_wait3A_293 : memref<1x1x2x100xi32, #tpu.memory_space<hbm>> -> memref<2x100xi32, #tpu.memory_space<hbm>>
        tpu.wait_dma2 semaphore(%arg15 : memref<!tpu.dma_semaphore, #tpu.memory_space<semaphore_mem>>) src(%dma_wait3A_294 : memref<2x100xi32, #tpu.memory_space<hbm>>) dst(%dma_wait3A_290 : memref<2x100xi32, #tpu.memory_space<vmem>>)
        %dma_start3A_295 = arith.constant 0 : i32
        %dma_start3A_296 = arith.constant 0 : i32
        %dma_start3A_297 = arith.constant 0 : i32
        %dma_start3A_298 = arith.constant 0 : i32
        %dma_start3A_299 = arith.constant 0 : i32
        %dma_start3A_300 = tpu.memref_slice %arg7[%dma_start3A_297, %dma_start3A_298, %dma_start3A_299] : memref<3x200x128xf32, #tpu.memory_space<vmem>> -> memref<1x100x128xf32, #tpu.memory_space<vmem>>
        %dma_start3A_301 = tpu.memref_squeeze %dma_start3A_300 : memref<1x100x128xf32, #tpu.memory_space<vmem>> -> memref<100x128xf32, #tpu.memory_space<vmem>>
        %dma_start3A_302 = arith.constant 0 : i32
        %dma_start3A_303 = tpu.memref_slice %arg6[%dma_start3A_295, %dma_start3A_296, %dma_start3A_302] : memref<3x2x100xi32, #tpu.memory_space<vmem>> -> memref<1x1x100xi32, #tpu.memory_space<vmem>>
        %dma_start3A_304 = tpu.memref_squeeze %dma_start3A_303 : memref<1x1x100xi32, #tpu.memory_space<vmem>> -> memref<100xi32, #tpu.memory_space<vmem>>
        %dma_start3A_305 = arith.constant 0 : i32
        %dma_start3A_306 = arith.constant 0 : i32
        %dma_start3A_307 = tpu.memref_slice %arg3[%dma_start3A_305, %dma_start3A_306] : memref<100000x128xf32, #tpu.memory_space<hbm>> -> memref<100000x128xf32, #tpu.memory_space<hbm>>
        tpu.enqueue_indirect_dma source(%dma_start3A_307 : memref<100000x128xf32, #tpu.memory_space<hbm>>) target(%dma_start3A_301 : memref<100x128xf32, #tpu.memory_space<vmem>>) offsets(%dma_start3A_304 : memref<100xi32, #tpu.memory_space<vmem>>) semaphore(%arg9 : memref<!tpu.dma_semaphore, #tpu.memory_space<semaphore_mem>>)
        %dma_start3A_308 = arith.constant 0 : i32
        %dma_start3A_309 = arith.constant 1 : i32
        %dma_start3A_310 = arith.constant 0 : i32
        %dma_start3A_311 = arith.constant 100 : i32
        %dma_start3A_312 = arith.constant 0 : i32
        %dma_start3A_313 = tpu.memref_slice %arg7[%dma_start3A_310, %dma_start3A_311, %dma_start3A_312] : memref<3x200x128xf32, #tpu.memory_space<vmem>> -> memref<1x100x128xf32, #tpu.memory_space<vmem>>
        %dma_start3A_314 = tpu.memref_squeeze %dma_start3A_313 : memref<1x100x128xf32, #tpu.memory_space<vmem>> -> memref<100x128xf32, #tpu.memory_space<vmem>>
        %dma_start3A_315 = arith.constant 0 : i32
        %dma_start3A_316 = tpu.memref_slice %arg6[%dma_start3A_308, %dma_start3A_309, %dma_start3A_315] : memref<3x2x100xi32, #tpu.memory_space<vmem>> -> memref<1x1x100xi32, #tpu.memory_space<vmem>>
        %dma_start3A_317 = tpu.memref_squeeze %dma_start3A_316 : memref<1x1x100xi32, #tpu.memory_space<vmem>> -> memref<100xi32, #tpu.memory_space<vmem>>
        %dma_start3A_318 = arith.constant 0 : i32
        %dma_start3A_319 = arith.constant 0 : i32
        %dma_start3A_320 = tpu.memref_slice %arg3[%dma_start3A_318, %dma_start3A_319] : memref<100000x128xf32, #tpu.memory_space<hbm>> -> memref<100000x128xf32, #tpu.memory_space<hbm>>
        tpu.enqueue_indirect_dma source(%dma_start3A_320 : memref<100000x128xf32, #tpu.memory_space<hbm>>) target(%dma_start3A_314 : memref<100x128xf32, #tpu.memory_space<vmem>>) offsets(%dma_start3A_317 : memref<100xi32, #tpu.memory_space<vmem>>) semaphore(%arg9 : memref<!tpu.dma_semaphore, #tpu.memory_space<semaphore_mem>>)
      } else {
      }
      %mul3A_249 = arith.constant 3 : i32
      %mul3A_250 = arith.muli %mul3A_249, %scan3A_195 : i32
      %add3A_251 = arith.constant 2 : i32
      %add3A_252 = arith.addi %mul3A_250, %add3A_251 : i32
      %lt3A_253 = arith.constant 128 : i32
      %lt3A_254 = arith.cmpi slt, %add3A_252, %lt3A_253 : i32
      %convert_element_type3A_255 = arith.extui %lt3A_254 : i1 to i32
      %cond3A_256 = arith.constant 0 : i32
      %cond3A_257 = arith.cmpi ne, %convert_element_type3A_255, %cond3A_256 : i32
      scf.if %cond3A_257 {
        %dma_wait3A_277 = arith.constant 0 : i32
        %dma_wait3A_278 = arith.constant 0 : i32
        %dma_wait3A_279 = arith.constant 2 : i32
        %dma_wait3A_280 = arith.constant 0 : i32
        %dma_wait3A_281 = arith.constant 0 : i32
        %dma_wait3A_282 = tpu.memref_slice %arg7[%dma_wait3A_279, %dma_wait3A_280, %dma_wait3A_281] : memref<3x200x128xf32, #tpu.memory_space<vmem>> -> memref<1x100x128xf32, #tpu.memory_space<vmem>>
        %dma_wait3A_283 = tpu.memref_squeeze %dma_wait3A_282 : memref<1x100x128xf32, #tpu.memory_space<vmem>> -> memref<100x128xf32, #tpu.memory_space<vmem>>
        %dma_wait3A_284 = arith.constant 0 : i32
        %dma_wait3A_285 = tpu.memref_slice %arg6[%dma_wait3A_277, %dma_wait3A_278, %dma_wait3A_284] : memref<3x2x100xi32, #tpu.memory_space<vmem>> -> memref<1x1x100xi32, #tpu.memory_space<vmem>>
        %dma_wait3A_286 = tpu.memref_squeeze %dma_wait3A_285 : memref<1x1x100xi32, #tpu.memory_space<vmem>> -> memref<100xi32, #tpu.memory_space<vmem>>
        %dma_wait3A_287 = arith.constant 0 : i32
        %dma_wait3A_288 = arith.constant 0 : i32
        %dma_wait3A_289 = tpu.memref_slice %arg3[%dma_wait3A_287, %dma_wait3A_288] : memref<100000x128xf32, #tpu.memory_space<hbm>> -> memref<100000x128xf32, #tpu.memory_space<hbm>>
        tpu.wait_indirect_dma semaphore(%arg11 : memref<!tpu.dma_semaphore, #tpu.memory_space<semaphore_mem>>) src(%dma_wait3A_289 : memref<100000x128xf32, #tpu.memory_space<hbm>>) dst(%dma_wait3A_283 : memref<100x128xf32, #tpu.memory_space<vmem>>)
        %dma_wait3A_290 = arith.constant 0 : i32
        %dma_wait3A_291 = arith.constant 1 : i32
        %dma_wait3A_292 = arith.constant 2 : i32
        %dma_wait3A_293 = arith.constant 100 : i32
        %dma_wait3A_294 = arith.constant 0 : i32
        %dma_wait3A_295 = tpu.memref_slice %arg7[%dma_wait3A_292, %dma_wait3A_293, %dma_wait3A_294] : memref<3x200x128xf32, #tpu.memory_space<vmem>> -> memref<1x100x128xf32, #tpu.memory_space<vmem>>
        %dma_wait3A_296 = tpu.memref_squeeze %dma_wait3A_295 : memref<1x100x128xf32, #tpu.memory_space<vmem>> -> memref<100x128xf32, #tpu.memory_space<vmem>>
        %dma_wait3A_297 = arith.constant 0 : i32
        %dma_wait3A_298 = tpu.memref_slice %arg6[%dma_wait3A_290, %dma_wait3A_291, %dma_wait3A_297] : memref<3x2x100xi32, #tpu.memory_space<vmem>> -> memref<1x1x100xi32, #tpu.memory_space<vmem>>
        %dma_wait3A_299 = tpu.memref_squeeze %dma_wait3A_298 : memref<1x1x100xi32, #tpu.memory_space<vmem>> -> memref<100xi32, #tpu.memory_space<vmem>>
        %dma_wait3A_300 = arith.constant 0 : i32
        %dma_wait3A_301 = arith.constant 0 : i32
        %dma_wait3A_302 = tpu.memref_slice %arg3[%dma_wait3A_300, %dma_wait3A_301] : memref<100000x128xf32, #tpu.memory_space<hbm>> -> memref<100000x128xf32, #tpu.memory_space<hbm>>
        tpu.wait_indirect_dma semaphore(%arg11 : memref<!tpu.dma_semaphore, #tpu.memory_space<semaphore_mem>>) src(%dma_wait3A_302 : memref<100000x128xf32, #tpu.memory_space<hbm>>) dst(%dma_wait3A_296 : memref<100x128xf32, #tpu.memory_space<vmem>>)
        %parallel_loop3A = arith.constant 0 : i32
        %parallel_loop3A_303 = arith.constant 96 : i32
        %parallel_loop3A_304 = arith.constant 1 : i32
        scf.for %parallel_loop3A_344 = %parallel_loop3A to %parallel_loop3A_303 step %parallel_loop3A_304  : i32 {
          %parallel_loop3A_345 = arith.index_cast %parallel_loop3A_344 : i32 to index
          %parallel_loop3A_346 = arith.constant 0 : index
          %parallel_loop3A_347 = tpu.vector_load %arg8[%parallel_loop3A_345, %parallel_loop3A_346] {strides = array<i32>} : memref<200x128xf32, #tpu.memory_space<vmem>>, vector<1x16xf32>,
          %parallel_loop3A_348 = vector.shape_cast %parallel_loop3A_347 : vector<1x16xf32> to vector<16xf32>
          %parallel_loop3A_349 = arith.constant 2 : i32
          %parallel_loop3A_350 = arith.index_cast %parallel_loop3A_349 : i32 to index
          %parallel_loop3A_351 = arith.index_cast %parallel_loop3A_344 : i32 to index
          %parallel_loop3A_352 = arith.constant 0 : index
          %parallel_loop3A_353 = tpu.vector_load %arg7[%parallel_loop3A_350, %parallel_loop3A_351, %parallel_loop3A_352] {strides = array<i32>} : memref<3x200x128xf32, #tpu.memory_space<vmem>>, vector<1x1x16xf32>,
          %parallel_loop3A_354 = vector.shape_cast %parallel_loop3A_353 : vector<1x1x16xf32> to vector<16xf32>
          %parallel_loop3A_355 = vector.shape_cast %parallel_loop3A_348 : vector<16xf32> to vector<1x1x16xf32>
          tpu.vector_store %arg7[%parallel_loop3A_350, %parallel_loop3A_351, %parallel_loop3A_352], %parallel_loop3A_355 {add = true, strides = array<i32>} : memref<3x200x128xf32, #tpu.memory_space<vmem>>, vector<1x1x16xf32>,
          %parallel_loop3A_356 = arith.index_cast %parallel_loop3A_344 : i32 to index
          %parallel_loop3A_357 = arith.constant 16 : index
          %parallel_loop3A_358 = tpu.vector_load %arg8[%parallel_loop3A_356, %parallel_loop3A_357] {strides = array<i32>} : memref<200x128xf32, #tpu.memory_space<vmem>>, vector<1x16xf32>,
          %parallel_loop3A_359 = vector.shape_cast %parallel_loop3A_358 : vector<1x16xf32> to vector<16xf32>
          %parallel_loop3A_360 = arith.constant 2 : i32
          %parallel_loop3A_361 = arith.index_cast %parallel_loop3A_360 : i32 to index
          %parallel_loop3A_362 = arith.index_cast %parallel_loop3A_344 : i32 to index
          %parallel_loop3A_363 = arith.constant 16 : index
          %parallel_loop3A_364 = tpu.vector_load %arg7[%parallel_loop3A_361, %parallel_loop3A_362, %parallel_loop3A_363] {strides = array<i32>} : memref<3x200x128xf32, #tpu.memory_space<vmem>>, vector<1x1x16xf32>,
          %parallel_loop3A_365 = vector.shape_cast %parallel_loop3A_364 : vector<1x1x16xf32> to vector<16xf32>
          %parallel_loop3A_366 = vector.shape_cast %parallel_loop3A_359 : vector<16xf32> to vector<1x1x16xf32>
          tpu.vector_store %arg7[%parallel_loop3A_361, %parallel_loop3A_362, %parallel_loop3A_363], %parallel_loop3A_366 {add = true, strides = array<i32>} : memref<3x200x128xf32, #tpu.memory_space<vmem>>, vector<1x1x16xf32>,
          %parallel_loop3A_367 = arith.index_cast %parallel_loop3A_344 : i32 to index
          %parallel_loop3A_368 = arith.constant 32 : index
          %parallel_loop3A_369 = tpu.vector_load %arg8[%parallel_loop3A_367, %parallel_loop3A_368] {strides = array<i32>} : memref<200x128xf32, #tpu.memory_space<vmem>>, vector<1x16xf32>,
          %parallel_loop3A_370 = vector.shape_cast %parallel_loop3A_369 : vector<1x16xf32> to vector<16xf32>
          %parallel_loop3A_371 = arith.constant 2 : i32
          %parallel_loop3A_372 = arith.index_cast %parallel_loop3A_371 : i32 to index
          %parallel_loop3A_373 = arith.index_cast %parallel_loop3A_344 : i32 to index
          %parallel_loop3A_374 = arith.constant 32 : index
          %parallel_loop3A_375 = tpu.vector_load %arg7[%parallel_loop3A_372, %parallel_loop3A_373, %parallel_loop3A_374] {strides = array<i32>} : memref<3x200x128xf32, #tpu.memory_space<vmem>>, vector<1x1x16xf32>,
          %parallel_loop3A_376 = vector.shape_cast %parallel_loop3A_375 : vector<1x1x16xf32> to vector<16xf32>
          %parallel_loop3A_377 = vector.shape_cast %parallel_loop3A_370 : vector<16xf32> to vector<1x1x16xf32>
          tpu.vector_store %arg7[%parallel_loop3A_372, %parallel_loop3A_373, %parallel_loop3A_374], %parallel_loop3A_377 {add = true, strides = array<i32>} : memref<3x200x128xf32, #tpu.memory_space<vmem>>, vector<1x1x16xf32>,
          %parallel_loop3A_378 = arith.index_cast %parallel_loop3A_344 : i32 to index
          %parallel_loop3A_379 = arith.constant 48 : index
          %parallel_loop3A_380 = tpu.vector_load %arg8[%parallel_loop3A_378, %parallel_loop3A_379] {strides = array<i32>} : memref<200x128xf32, #tpu.memory_space<vmem>>, vector<1x16xf32>,
          %parallel_loop3A_381 = vector.shape_cast %parallel_loop3A_380 : vector<1x16xf32> to vector<16xf32>
          %parallel_loop3A_382 = arith.constant 2 : i32
          %parallel_loop3A_383 = arith.index_cast %parallel_loop3A_382 : i32 to index
          %parallel_loop3A_384 = arith.index_cast %parallel_loop3A_344 : i32 to index
          %parallel_loop3A_385 = arith.constant 48 : index
          %parallel_loop3A_386 = tpu.vector_load %arg7[%parallel_loop3A_383, %parallel_loop3A_384, %parallel_loop3A_385] {strides = array<i32>} : memref<3x200x128xf32, #tpu.memory_space<vmem>>, vector<1x1x16xf32>,
          %parallel_loop3A_387 = vector.shape_cast %parallel_loop3A_386 : vector<1x1x16xf32> to vector<16xf32>
          %parallel_loop3A_388 = vector.shape_cast %parallel_loop3A_381 : vector<16xf32> to vector<1x1x16xf32>
          tpu.vector_store %arg7[%parallel_loop3A_383, %parallel_loop3A_384, %parallel_loop3A_385], %parallel_loop3A_388 {add = true, strides = array<i32>} : memref<3x200x128xf32, #tpu.memory_space<vmem>>, vector<1x1x16xf32>,
          %parallel_loop3A_389 = arith.index_cast %parallel_loop3A_344 : i32 to index
          %parallel_loop3A_390 = arith.constant 64 : index
          %parallel_loop3A_391 = tpu.vector_load %arg8[%parallel_loop3A_389, %parallel_loop3A_390] {strides = array<i32>} : memref<200x128xf32, #tpu.memory_space<vmem>>, vector<1x16xf32>,
          %parallel_loop3A_392 = vector.shape_cast %parallel_loop3A_391 : vector<1x16xf32> to vector<16xf32>
          %parallel_loop3A_393 = arith.constant 2 : i32
          %parallel_loop3A_394 = arith.index_cast %parallel_loop3A_393 : i32 to index
          %parallel_loop3A_395 = arith.index_cast %parallel_loop3A_344 : i32 to index
          %parallel_loop3A_396 = arith.constant 64 : index
          %parallel_loop3A_397 = tpu.vector_load %arg7[%parallel_loop3A_394, %parallel_loop3A_395, %parallel_loop3A_396] {strides = array<i32>} : memref<3x200x128xf32, #tpu.memory_space<vmem>>, vector<1x1x16xf32>,
          %parallel_loop3A_398 = vector.shape_cast %parallel_loop3A_397 : vector<1x1x16xf32> to vector<16xf32>
          %parallel_loop3A_399 = vector.shape_cast %parallel_loop3A_392 : vector<16xf32> to vector<1x1x16xf32>
          tpu.vector_store %arg7[%parallel_loop3A_394, %parallel_loop3A_395, %parallel_loop3A_396], %parallel_loop3A_399 {add = true, strides = array<i32>} : memref<3x200x128xf32, #tpu.memory_space<vmem>>, vector<1x1x16xf32>,
          %parallel_loop3A_400 = arith.index_cast %parallel_loop3A_344 : i32 to index
          %parallel_loop3A_401 = arith.constant 80 : index
          %parallel_loop3A_402 = tpu.vector_load %arg8[%parallel_loop3A_400, %parallel_loop3A_401] {strides = array<i32>} : memref<200x128xf32, #tpu.memory_space<vmem>>, vector<1x16xf32>,
          %parallel_loop3A_403 = vector.shape_cast %parallel_loop3A_402 : vector<1x16xf32> to vector<16xf32>
          %parallel_loop3A_404 = arith.constant 2 : i32
          %parallel_loop3A_405 = arith.index_cast %parallel_loop3A_404 : i32 to index
          %parallel_loop3A_406 = arith.index_cast %parallel_loop3A_344 : i32 to index
          %parallel_loop3A_407 = arith.constant 80 : index
          %parallel_loop3A_408 = tpu.vector_load %arg7[%parallel_loop3A_405, %parallel_loop3A_406, %parallel_loop3A_407] {strides = array<i32>} : memref<3x200x128xf32, #tpu.memory_space<vmem>>, vector<1x1x16xf32>,
          %parallel_loop3A_409 = vector.shape_cast %parallel_loop3A_408 : vector<1x1x16xf32> to vector<16xf32>
          %parallel_loop3A_410 = vector.shape_cast %parallel_loop3A_403 : vector<16xf32> to vector<1x1x16xf32>
          tpu.vector_store %arg7[%parallel_loop3A_405, %parallel_loop3A_406, %parallel_loop3A_407], %parallel_loop3A_410 {add = true, strides = array<i32>} : memref<3x200x128xf32, #tpu.memory_space<vmem>>, vector<1x1x16xf32>,
          %parallel_loop3A_411 = arith.index_cast %parallel_loop3A_344 : i32 to index
          %parallel_loop3A_412 = arith.constant 96 : index
          %parallel_loop3A_413 = tpu.vector_load %arg8[%parallel_loop3A_411, %parallel_loop3A_412] {strides = array<i32>} : memref<200x128xf32, #tpu.memory_space<vmem>>, vector<1x16xf32>,
          %parallel_loop3A_414 = vector.shape_cast %parallel_loop3A_413 : vector<1x16xf32> to vector<16xf32>
          %parallel_loop3A_415 = arith.constant 2 : i32
          %parallel_loop3A_416 = arith.index_cast %parallel_loop3A_415 : i32 to index
          %parallel_loop3A_417 = arith.index_cast %parallel_loop3A_344 : i32 to index
          %parallel_loop3A_418 = arith.constant 96 : index
          %parallel_loop3A_419 = tpu.vector_load %arg7[%parallel_loop3A_416, %parallel_loop3A_417, %parallel_loop3A_418] {strides = array<i32>} : memref<3x200x128xf32, #tpu.memory_space<vmem>>, vector<1x1x16xf32>,
          %parallel_loop3A_420 = vector.shape_cast %parallel_loop3A_419 : vector<1x1x16xf32> to vector<16xf32>
          %parallel_loop3A_421 = vector.shape_cast %parallel_loop3A_414 : vector<16xf32> to vector<1x1x16xf32>
          tpu.vector_store %arg7[%parallel_loop3A_416, %parallel_loop3A_417, %parallel_loop3A_418], %parallel_loop3A_421 {add = true, strides = array<i32>} : memref<3x200x128xf32, #tpu.memory_space<vmem>>, vector<1x1x16xf32>,
          %parallel_loop3A_422 = arith.index_cast %parallel_loop3A_344 : i32 to index
          %parallel_loop3A_423 = arith.constant 112 : index
          %parallel_loop3A_424 = tpu.vector_load %arg8[%parallel_loop3A_422, %parallel_loop3A_423] {strides = array<i32>} : memref<200x128xf32, #tpu.memory_space<vmem>>, vector<1x16xf32>,
          %parallel_loop3A_425 = vector.shape_cast %parallel_loop3A_424 : vector<1x16xf32> to vector<16xf32>
          %parallel_loop3A_426 = arith.constant 2 : i32
          %parallel_loop3A_427 = arith.index_cast %parallel_loop3A_426 : i32 to index
          %parallel_loop3A_428 = arith.index_cast %parallel_loop3A_344 : i32 to index
          %parallel_loop3A_429 = arith.constant 112 : index
          %parallel_loop3A_430 = tpu.vector_load %arg7[%parallel_loop3A_427, %parallel_loop3A_428, %parallel_loop3A_429] {strides = array<i32>} : memref<3x200x128xf32, #tpu.memory_space<vmem>>, vector<1x1x16xf32>,
          %parallel_loop3A_431 = vector.shape_cast %parallel_loop3A_430 : vector<1x1x16xf32> to vector<16xf32>
          %parallel_loop3A_432 = vector.shape_cast %parallel_loop3A_425 : vector<16xf32> to vector<1x1x16xf32>
          tpu.vector_store %arg7[%parallel_loop3A_427, %parallel_loop3A_428, %parallel_loop3A_429], %parallel_loop3A_432 {add = true, strides = array<i32>} : memref<3x200x128xf32, #tpu.memory_space<vmem>>, vector<1x1x16xf32>,
        } {sc.loop_unroll_factor = 4 : i64, sc.parallel_access}
        %mul3A_305 = arith.constant 200 : i32
        %mul3A_306 = arith.muli %add3A_252, %mul3A_305 : i32
        %add3A_307 = arith.addi %mul3A_4, %mul3A_306 : i32
        %add3A_308 = arith.constant 0 : i32
        %add3A_309 = arith.addi %add3A_307, %add3A_308 : i32
        %dma_start3A_310 = arith.constant 2 : i32
        %dma_start3A_311 = arith.constant 0 : i32
        %dma_start3A_312 = arith.constant 0 : i32
        %dma_start3A_313 = tpu.memref_slice %arg7[%dma_start3A_310, %dma_start3A_311, %dma_start3A_312] : memref<3x200x128xf32, #tpu.memory_space<vmem>> -> memref<1x96x128xf32, #tpu.memory_space<vmem>>
        %dma_start3A_314 = tpu.memref_squeeze %dma_start3A_313 : memref<1x96x128xf32, #tpu.memory_space<vmem>> -> memref<96x128xf32, #tpu.memory_space<vmem>>
        %dma_start3A_315 = arith.constant 0 : i32
        %dma_start3A_316 = tpu.memref_slice %arg5[%add3A_309, %dma_start3A_315] : memref<819200x128xf32, #tpu.memory_space<hbm>> -> memref<96x128xf32, #tpu.memory_space<hbm>>
        %dma_start3A_317 = arith.constant 0 : i32
        %dma_start3A_318 = tpu.memref_slice %arg5[%add3A_309, %dma_start3A_317] : memref<819200x128xf32, #tpu.memory_space<hbm>> -> memref<96x128xf32, #tpu.memory_space<hbm>>
        %dma_start3A_319 = arith.constant 0 : i32
        %dma_start3A_320 = arith.constant 0 : i32
        %dma_start3A_321 = tpu.memref_slice %arg7[%dma_start3A_310, %dma_start3A_319, %dma_start3A_320] : memref<3x200x128xf32, #tpu.memory_space<vmem>> -> memref<1x96x128xf32, #tpu.memory_space<vmem>>
        %dma_start3A_322 = tpu.memref_squeeze %dma_start3A_321 : memref<1x96x128xf32, #tpu.memory_space<vmem>> -> memref<96x128xf32, #tpu.memory_space<vmem>>
        tpu.enqueue_dma source(%dma_start3A_322 : memref<96x128xf32, #tpu.memory_space<vmem>>) target(%dma_start3A_318 : memref<96x128xf32, #tpu.memory_space<hbm>>) target_semaphore(%arg14 : memref<!tpu.dma_semaphore, #tpu.memory_space<semaphore_mem>>)
        %parallel_loop3A_323 = arith.constant 96 : i32
        %parallel_loop3A_324 = arith.constant 200 : i32
        %parallel_loop3A_325 = arith.constant 1 : i32
        scf.for %parallel_loop3A_344 = %parallel_loop3A_323 to %parallel_loop3A_324 step %parallel_loop3A_325  : i32 {
          %parallel_loop3A_345 = arith.index_cast %parallel_loop3A_344 : i32 to index
          %parallel_loop3A_346 = arith.constant 0 : index
          %parallel_loop3A_347 = tpu.vector_load %arg8[%parallel_loop3A_345, %parallel_loop3A_346] {strides = array<i32>} : memref<200x128xf32, #tpu.memory_space<vmem>>, vector<1x16xf32>,
          %parallel_loop3A_348 = vector.shape_cast %parallel_loop3A_347 : vector<1x16xf32> to vector<16xf32>
          %parallel_loop3A_349 = arith.constant 2 : i32
          %parallel_loop3A_350 = arith.index_cast %parallel_loop3A_349 : i32 to index
          %parallel_loop3A_351 = arith.index_cast %parallel_loop3A_344 : i32 to index
          %parallel_loop3A_352 = arith.constant 0 : index
          %parallel_loop3A_353 = tpu.vector_load %arg7[%parallel_loop3A_350, %parallel_loop3A_351, %parallel_loop3A_352] {strides = array<i32>} : memref<3x200x128xf32, #tpu.memory_space<vmem>>, vector<1x1x16xf32>,
          %parallel_loop3A_354 = vector.shape_cast %parallel_loop3A_353 : vector<1x1x16xf32> to vector<16xf32>
          %parallel_loop3A_355 = vector.shape_cast %parallel_loop3A_348 : vector<16xf32> to vector<1x1x16xf32>
          tpu.vector_store %arg7[%parallel_loop3A_350, %parallel_loop3A_351, %parallel_loop3A_352], %parallel_loop3A_355 {add = true, strides = array<i32>} : memref<3x200x128xf32, #tpu.memory_space<vmem>>, vector<1x1x16xf32>,
          %parallel_loop3A_356 = arith.index_cast %parallel_loop3A_344 : i32 to index
          %parallel_loop3A_357 = arith.constant 16 : index
          %parallel_loop3A_358 = tpu.vector_load %arg8[%parallel_loop3A_356, %parallel_loop3A_357] {strides = array<i32>} : memref<200x128xf32, #tpu.memory_space<vmem>>, vector<1x16xf32>,
          %parallel_loop3A_359 = vector.shape_cast %parallel_loop3A_358 : vector<1x16xf32> to vector<16xf32>
          %parallel_loop3A_360 = arith.constant 2 : i32
          %parallel_loop3A_361 = arith.index_cast %parallel_loop3A_360 : i32 to index
          %parallel_loop3A_362 = arith.index_cast %parallel_loop3A_344 : i32 to index
          %parallel_loop3A_363 = arith.constant 16 : index
          %parallel_loop3A_364 = tpu.vector_load %arg7[%parallel_loop3A_361, %parallel_loop3A_362, %parallel_loop3A_363] {strides = array<i32>} : memref<3x200x128xf32, #tpu.memory_space<vmem>>, vector<1x1x16xf32>,
          %parallel_loop3A_365 = vector.shape_cast %parallel_loop3A_364 : vector<1x1x16xf32> to vector<16xf32>
          %parallel_loop3A_366 = vector.shape_cast %parallel_loop3A_359 : vector<16xf32> to vector<1x1x16xf32>
          tpu.vector_store %arg7[%parallel_loop3A_361, %parallel_loop3A_362, %parallel_loop3A_363], %parallel_loop3A_366 {add = true, strides = array<i32>} : memref<3x200x128xf32, #tpu.memory_space<vmem>>, vector<1x1x16xf32>,
          %parallel_loop3A_367 = arith.index_cast %parallel_loop3A_344 : i32 to index
          %parallel_loop3A_368 = arith.constant 32 : index
          %parallel_loop3A_369 = tpu.vector_load %arg8[%parallel_loop3A_367, %parallel_loop3A_368] {strides = array<i32>} : memref<200x128xf32, #tpu.memory_space<vmem>>, vector<1x16xf32>,
          %parallel_loop3A_370 = vector.shape_cast %parallel_loop3A_369 : vector<1x16xf32> to vector<16xf32>
          %parallel_loop3A_371 = arith.constant 2 : i32
          %parallel_loop3A_372 = arith.index_cast %parallel_loop3A_371 : i32 to index
          %parallel_loop3A_373 = arith.index_cast %parallel_loop3A_344 : i32 to index
          %parallel_loop3A_374 = arith.constant 32 : index
          %parallel_loop3A_375 = tpu.vector_load %arg7[%parallel_loop3A_372, %parallel_loop3A_373, %parallel_loop3A_374] {strides = array<i32>} : memref<3x200x128xf32, #tpu.memory_space<vmem>>, vector<1x1x16xf32>,
          %parallel_loop3A_376 = vector.shape_cast %parallel_loop3A_375 : vector<1x1x16xf32> to vector<16xf32>
          %parallel_loop3A_377 = vector.shape_cast %parallel_loop3A_370 : vector<16xf32> to vector<1x1x16xf32>
          tpu.vector_store %arg7[%parallel_loop3A_372, %parallel_loop3A_373, %parallel_loop3A_374], %parallel_loop3A_377 {add = true, strides = array<i32>} : memref<3x200x128xf32, #tpu.memory_space<vmem>>, vector<1x1x16xf32>,
          %parallel_loop3A_378 = arith.index_cast %parallel_loop3A_344 : i32 to index
          %parallel_loop3A_379 = arith.constant 48 : index
          %parallel_loop3A_380 = tpu.vector_load %arg8[%parallel_loop3A_378, %parallel_loop3A_379] {strides = array<i32>} : memref<200x128xf32, #tpu.memory_space<vmem>>, vector<1x16xf32>,
          %parallel_loop3A_381 = vector.shape_cast %parallel_loop3A_380 : vector<1x16xf32> to vector<16xf32>
          %parallel_loop3A_382 = arith.constant 2 : i32
          %parallel_loop3A_383 = arith.index_cast %parallel_loop3A_382 : i32 to index
          %parallel_loop3A_384 = arith.index_cast %parallel_loop3A_344 : i32 to index
          %parallel_loop3A_385 = arith.constant 48 : index
          %parallel_loop3A_386 = tpu.vector_load %arg7[%parallel_loop3A_383, %parallel_loop3A_384, %parallel_loop3A_385] {strides = array<i32>} : memref<3x200x128xf32, #tpu.memory_space<vmem>>, vector<1x1x16xf32>,
          %parallel_loop3A_387 = vector.shape_cast %parallel_loop3A_386 : vector<1x1x16xf32> to vector<16xf32>
          %parallel_loop3A_388 = vector.shape_cast %parallel_loop3A_381 : vector<16xf32> to vector<1x1x16xf32>
          tpu.vector_store %arg7[%parallel_loop3A_383, %parallel_loop3A_384, %parallel_loop3A_385], %parallel_loop3A_388 {add = true, strides = array<i32>} : memref<3x200x128xf32, #tpu.memory_space<vmem>>, vector<1x1x16xf32>,
          %parallel_loop3A_389 = arith.index_cast %parallel_loop3A_344 : i32 to index
          %parallel_loop3A_390 = arith.constant 64 : index
          %parallel_loop3A_391 = tpu.vector_load %arg8[%parallel_loop3A_389, %parallel_loop3A_390] {strides = array<i32>} : memref<200x128xf32, #tpu.memory_space<vmem>>, vector<1x16xf32>,
          %parallel_loop3A_392 = vector.shape_cast %parallel_loop3A_391 : vector<1x16xf32> to vector<16xf32>
          %parallel_loop3A_393 = arith.constant 2 : i32
          %parallel_loop3A_394 = arith.index_cast %parallel_loop3A_393 : i32 to index
          %parallel_loop3A_395 = arith.index_cast %parallel_loop3A_344 : i32 to index
          %parallel_loop3A_396 = arith.constant 64 : index
          %parallel_loop3A_397 = tpu.vector_load %arg7[%parallel_loop3A_394, %parallel_loop3A_395, %parallel_loop3A_396] {strides = array<i32>} : memref<3x200x128xf32, #tpu.memory_space<vmem>>, vector<1x1x16xf32>,
          %parallel_loop3A_398 = vector.shape_cast %parallel_loop3A_397 : vector<1x1x16xf32> to vector<16xf32>
          %parallel_loop3A_399 = vector.shape_cast %parallel_loop3A_392 : vector<16xf32> to vector<1x1x16xf32>
          tpu.vector_store %arg7[%parallel_loop3A_394, %parallel_loop3A_395, %parallel_loop3A_396], %parallel_loop3A_399 {add = true, strides = array<i32>} : memref<3x200x128xf32, #tpu.memory_space<vmem>>, vector<1x1x16xf32>,
          %parallel_loop3A_400 = arith.index_cast %parallel_loop3A_344 : i32 to index
          %parallel_loop3A_401 = arith.constant 80 : index
          %parallel_loop3A_402 = tpu.vector_load %arg8[%parallel_loop3A_400, %parallel_loop3A_401] {strides = array<i32>} : memref<200x128xf32, #tpu.memory_space<vmem>>, vector<1x16xf32>,
          %parallel_loop3A_403 = vector.shape_cast %parallel_loop3A_402 : vector<1x16xf32> to vector<16xf32>
          %parallel_loop3A_404 = arith.constant 2 : i32
          %parallel_loop3A_405 = arith.index_cast %parallel_loop3A_404 : i32 to index
          %parallel_loop3A_406 = arith.index_cast %parallel_loop3A_344 : i32 to index
          %parallel_loop3A_407 = arith.constant 80 : index
          %parallel_loop3A_408 = tpu.vector_load %arg7[%parallel_loop3A_405, %parallel_loop3A_406, %parallel_loop3A_407] {strides = array<i32>} : memref<3x200x128xf32, #tpu.memory_space<vmem>>, vector<1x1x16xf32>,
          %parallel_loop3A_409 = vector.shape_cast %parallel_loop3A_408 : vector<1x1x16xf32> to vector<16xf32>
          %parallel_loop3A_410 = vector.shape_cast %parallel_loop3A_403 : vector<16xf32> to vector<1x1x16xf32>
          tpu.vector_store %arg7[%parallel_loop3A_405, %parallel_loop3A_406, %parallel_loop3A_407], %parallel_loop3A_410 {add = true, strides = array<i32>} : memref<3x200x128xf32, #tpu.memory_space<vmem>>, vector<1x1x16xf32>,
          %parallel_loop3A_411 = arith.index_cast %parallel_loop3A_344 : i32 to index
          %parallel_loop3A_412 = arith.constant 96 : index
          %parallel_loop3A_413 = tpu.vector_load %arg8[%parallel_loop3A_411, %parallel_loop3A_412] {strides = array<i32>} : memref<200x128xf32, #tpu.memory_space<vmem>>, vector<1x16xf32>,
          %parallel_loop3A_414 = vector.shape_cast %parallel_loop3A_413 : vector<1x16xf32> to vector<16xf32>
          %parallel_loop3A_415 = arith.constant 2 : i32
          %parallel_loop3A_416 = arith.index_cast %parallel_loop3A_415 : i32 to index
          %parallel_loop3A_417 = arith.index_cast %parallel_loop3A_344 : i32 to index
          %parallel_loop3A_418 = arith.constant 96 : index
          %parallel_loop3A_419 = tpu.vector_load %arg7[%parallel_loop3A_416, %parallel_loop3A_417, %parallel_loop3A_418] {strides = array<i32>} : memref<3x200x128xf32, #tpu.memory_space<vmem>>, vector<1x1x16xf32>,
          %parallel_loop3A_420 = vector.shape_cast %parallel_loop3A_419 : vector<1x1x16xf32> to vector<16xf32>
          %parallel_loop3A_421 = vector.shape_cast %parallel_loop3A_414 : vector<16xf32> to vector<1x1x16xf32>
          tpu.vector_store %arg7[%parallel_loop3A_416, %parallel_loop3A_417, %parallel_loop3A_418], %parallel_loop3A_421 {add = true, strides = array<i32>} : memref<3x200x128xf32, #tpu.memory_space<vmem>>, vector<1x1x16xf32>,
          %parallel_loop3A_422 = arith.index_cast %parallel_loop3A_344 : i32 to index
          %parallel_loop3A_423 = arith.constant 112 : index
          %parallel_loop3A_424 = tpu.vector_load %arg8[%parallel_loop3A_422, %parallel_loop3A_423] {strides = array<i32>} : memref<200x128xf32, #tpu.memory_space<vmem>>, vector<1x16xf32>,
          %parallel_loop3A_425 = vector.shape_cast %parallel_loop3A_424 : vector<1x16xf32> to vector<16xf32>
          %parallel_loop3A_426 = arith.constant 2 : i32
          %parallel_loop3A_427 = arith.index_cast %parallel_loop3A_426 : i32 to index
          %parallel_loop3A_428 = arith.index_cast %parallel_loop3A_344 : i32 to index
          %parallel_loop3A_429 = arith.constant 112 : index
          %parallel_loop3A_430 = tpu.vector_load %arg7[%parallel_loop3A_427, %parallel_loop3A_428, %parallel_loop3A_429] {strides = array<i32>} : memref<3x200x128xf32, #tpu.memory_space<vmem>>, vector<1x1x16xf32>,
          %parallel_loop3A_431 = vector.shape_cast %parallel_loop3A_430 : vector<1x1x16xf32> to vector<16xf32>
          %parallel_loop3A_432 = vector.shape_cast %parallel_loop3A_425 : vector<16xf32> to vector<1x1x16xf32>
          tpu.vector_store %arg7[%parallel_loop3A_427, %parallel_loop3A_428, %parallel_loop3A_429], %parallel_loop3A_432 {add = true, strides = array<i32>} : memref<3x200x128xf32, #tpu.memory_space<vmem>>, vector<1x1x16xf32>,
        } {sc.loop_unroll_factor = 4 : i64, sc.parallel_access}
        %mul3A_326 = arith.constant 200 : i32
        %mul3A_327 = arith.muli %add3A_252, %mul3A_326 : i32
        %add3A_328 = arith.addi %mul3A_4, %mul3A_327 : i32
        %add3A_329 = arith.constant 96 : i32
        %add3A_330 = arith.addi %add3A_328, %add3A_329 : i32
        %dma_start3A_331 = arith.constant 2 : i32
        %dma_start3A_332 = arith.constant 96 : i32
        %dma_start3A_333 = arith.constant 0 : i32
        %dma_start3A_334 = tpu.memref_slice %arg7[%dma_start3A_331, %dma_start3A_332, %dma_start3A_333] : memref<3x200x128xf32, #tpu.memory_space<vmem>> -> memref<1x104x128xf32, #tpu.memory_space<vmem>>
        %dma_start3A_335 = tpu.memref_squeeze %dma_start3A_334 : memref<1x104x128xf32, #tpu.memory_space<vmem>> -> memref<104x128xf32, #tpu.memory_space<vmem>>
        %dma_start3A_336 = arith.constant 0 : i32
        %dma_start3A_337 = tpu.memref_slice %arg5[%add3A_330, %dma_start3A_336] : memref<819200x128xf32, #tpu.memory_space<hbm>> -> memref<104x128xf32, #tpu.memory_space<hbm>>
        %dma_start3A_338 = arith.constant 0 : i32
        %dma_start3A_339 = tpu.memref_slice %arg5[%add3A_330, %dma_start3A_338] : memref<819200x128xf32, #tpu.memory_space<hbm>> -> memref<104x128xf32, #tpu.memory_space<hbm>>
        %dma_start3A_340 = arith.constant 96 : i32
        %dma_start3A_341 = arith.constant 0 : i32
        %dma_start3A_342 = tpu.memref_slice %arg7[%dma_start3A_331, %dma_start3A_340, %dma_start3A_341] : memref<3x200x128xf32, #tpu.memory_space<vmem>> -> memref<1x104x128xf32, #tpu.memory_space<vmem>>
        %dma_start3A_343 = tpu.memref_squeeze %dma_start3A_342 : memref<1x104x128xf32, #tpu.memory_space<vmem>> -> memref<104x128xf32, #tpu.memory_space<vmem>>
        tpu.enqueue_dma source(%dma_start3A_343 : memref<104x128xf32, #tpu.memory_space<vmem>>) target(%dma_start3A_339 : memref<104x128xf32, #tpu.memory_space<hbm>>) target_semaphore(%arg14 : memref<!tpu.dma_semaphore, #tpu.memory_space<semaphore_mem>>)
      } else {
      }
      %add3A_258 = arith.constant 3 : i32
      %add3A_259 = arith.addi %add3A_252, %add3A_258 : i32
      %lt3A_260 = arith.constant 128 : i32
      %lt3A_261 = arith.cmpi slt, %add3A_259, %lt3A_260 : i32
      %convert_element_type3A_262 = arith.extui %lt3A_261 : i1 to i32
      %cond3A_263 = arith.constant 0 : i32
      %cond3A_264 = arith.cmpi ne, %convert_element_type3A_262, %cond3A_263 : i32
      scf.if %cond3A_264 {
        %add3A_277 = arith.constant 3 : i32
        %add3A_278 = arith.addi %add3A_252, %add3A_277 : i32
        %dma_start3A_279 = arith.constant 2 : i32
        %dma_start3A_280 = arith.constant 0 : i32
        %dma_start3A_281 = arith.constant 0 : i32
        %dma_start3A_282 = tpu.memref_slice %arg6[%dma_start3A_279, %dma_start3A_280, %dma_start3A_281] : memref<3x2x100xi32, #tpu.memory_space<vmem>> -> memref<1x2x100xi32, #tpu.memory_space<vmem>>
        %dma_start3A_283 = tpu.memref_squeeze %dma_start3A_282 : memref<1x2x100xi32, #tpu.memory_space<vmem>> -> memref<2x100xi32, #tpu.memory_space<vmem>>
        %dma_start3A_284 = arith.constant 0 : i32
        %dma_start3A_285 = arith.constant 0 : i32
        %dma_start3A_286 = tpu.memref_slice %arg2[%add3A, %add3A_278, %dma_start3A_284, %dma_start3A_285] : memref<32x128x2x100xi32, #tpu.memory_space<hbm>> -> memref<1x1x2x100xi32, #tpu.memory_space<hbm>>
        %dma_start3A_287 = tpu.memref_squeeze %dma_start3A_286 : memref<1x1x2x100xi32, #tpu.memory_space<hbm>> -> memref<2x100xi32, #tpu.memory_space<hbm>>
        %dma_start3A_288 = arith.constant 0 : i32
        %dma_start3A_289 = arith.constant 0 : i32
        %dma_start3A_290 = tpu.memref_slice %arg6[%dma_start3A_279, %dma_start3A_288, %dma_start3A_289] : memref<3x2x100xi32, #tpu.memory_space<vmem>> -> memref<1x2x100xi32, #tpu.memory_space<vmem>>
        %dma_start3A_291 = tpu.memref_squeeze %dma_start3A_290 : memref<1x2x100xi32, #tpu.memory_space<vmem>> -> memref<2x100xi32, #tpu.memory_space<vmem>>
        %dma_start3A_292 = arith.constant 0 : i32
        %dma_start3A_293 = arith.constant 0 : i32
        %dma_start3A_294 = tpu.memref_slice %arg2[%add3A, %add3A_278, %dma_start3A_292, %dma_start3A_293] : memref<32x128x2x100xi32, #tpu.memory_space<hbm>> -> memref<1x1x2x100xi32, #tpu.memory_space<hbm>>
        %dma_start3A_295 = tpu.memref_squeeze %dma_start3A_294 : memref<1x1x2x100xi32, #tpu.memory_space<hbm>> -> memref<2x100xi32, #tpu.memory_space<hbm>>
        tpu.enqueue_dma source(%dma_start3A_295 : memref<2x100xi32, #tpu.memory_space<hbm>>) target(%dma_start3A_291 : memref<2x100xi32, #tpu.memory_space<vmem>>) target_semaphore(%arg17 : memref<!tpu.dma_semaphore, #tpu.memory_space<semaphore_mem>>)
      } else {
      }
      %add3A_265 = arith.constant 3 : i32
      %add3A_266 = arith.addi %add3A_252, %add3A_265 : i32
      %sub3A_267 = arith.constant 1 : i32
      %sub3A_268 = arith.subi %add3A_266, %sub3A_267 : i32
      %lt3A_269 = arith.constant 128 : i32
      %lt3A_270 = arith.cmpi slt, %sub3A_268, %lt3A_269 : i32
      %convert_element_type3A_271 = arith.extui %lt3A_270 : i1 to i32
      %cond3A_272 = arith.constant 0 : i32
      %cond3A_273 = arith.cmpi ne, %convert_element_type3A_271, %cond3A_272 : i32
      scf.if %cond3A_273 {
        %dma_wait3A_277 = arith.constant 1 : i32
        %dma_wait3A_278 = arith.constant 0 : i32
        %dma_wait3A_279 = arith.constant 0 : i32
        %dma_wait3A_280 = tpu.memref_slice %arg7[%dma_wait3A_277, %dma_wait3A_278, %dma_wait3A_279] : memref<3x200x128xf32, #tpu.memory_space<vmem>> -> memref<1x200x128xf32, #tpu.memory_space<vmem>>
        %dma_wait3A_281 = tpu.memref_squeeze %dma_wait3A_280 : memref<1x200x128xf32, #tpu.memory_space<vmem>> -> memref<200x128xf32, #tpu.memory_space<vmem>>
        %dma_wait3A_282 = arith.constant 0 : i32
        %dma_wait3A_283 = arith.constant 0 : i32
        %dma_wait3A_284 = tpu.memref_slice %arg5[%dma_wait3A_282, %dma_wait3A_283] : memref<819200x128xf32, #tpu.memory_space<hbm>> -> memref<200x128xf32, #tpu.memory_space<hbm>>
        %dma_wait3A_285 = arith.constant 0 : i32
        %dma_wait3A_286 = arith.constant 0 : i32
        %dma_wait3A_287 = tpu.memref_slice %arg5[%dma_wait3A_285, %dma_wait3A_286] : memref<819200x128xf32, #tpu.memory_space<hbm>> -> memref<200x128xf32, #tpu.memory_space<hbm>>
        %dma_wait3A_288 = arith.constant 0 : i32
        %dma_wait3A_289 = arith.constant 0 : i32
        %dma_wait3A_290 = tpu.memref_slice %arg7[%dma_wait3A_277, %dma_wait3A_288, %dma_wait3A_289] : memref<3x200x128xf32, #tpu.memory_space<vmem>> -> memref<1x200x128xf32, #tpu.memory_space<vmem>>
        %dma_wait3A_291 = tpu.memref_squeeze %dma_wait3A_290 : memref<1x200x128xf32, #tpu.memory_space<vmem>> -> memref<200x128xf32, #tpu.memory_space<vmem>>
        tpu.wait_dma2 semaphore(%arg13 : memref<!tpu.dma_semaphore, #tpu.memory_space<semaphore_mem>>) src(%dma_wait3A_291 : memref<200x128xf32, #tpu.memory_space<vmem>>) dst(%dma_wait3A_287 : memref<200x128xf32, #tpu.memory_space<hbm>>)
      } else {
      }
      %convert_element_type3A_274 = arith.extui %lt3A_270 : i1 to i32
      %cond3A_275 = arith.constant 0 : i32
      %cond3A_276 = arith.cmpi ne, %convert_element_type3A_274, %cond3A_275 : i32
      scf.if %cond3A_276 {
        %dma_wait3A_277 = arith.constant 0 : i32
        %dma_wait3A_278 = arith.constant 1 : i32
        %dma_wait3A_279 = arith.constant 0 : i32
        %dma_wait3A_280 = arith.constant 0 : i32
        %dma_wait3A_281 = tpu.memref_slice %arg6[%dma_wait3A_278, %dma_wait3A_279, %dma_wait3A_280] : memref<3x2x100xi32, #tpu.memory_space<vmem>> -> memref<1x2x100xi32, #tpu.memory_space<vmem>>
        %dma_wait3A_282 = tpu.memref_squeeze %dma_wait3A_281 : memref<1x2x100xi32, #tpu.memory_space<vmem>> -> memref<2x100xi32, #tpu.memory_space<vmem>>
        %dma_wait3A_283 = arith.constant 0 : i32
        %dma_wait3A_284 = arith.constant 0 : i32
        %dma_wait3A_285 = tpu.memref_slice %arg2[%add3A, %dma_wait3A_277, %dma_wait3A_283, %dma_wait3A_284] : memref<32x128x2x100xi32, #tpu.memory_space<hbm>> -> memref<1x1x2x100xi32, #tpu.memory_space<hbm>>
        %dma_wait3A_286 = tpu.memref_squeeze %dma_wait3A_285 : memref<1x1x2x100xi32, #tpu.memory_space<hbm>> -> memref<2x100xi32, #tpu.memory_space<hbm>>
        %dma_wait3A_287 = arith.constant 0 : i32
        %dma_wait3A_288 = arith.constant 0 : i32
        %dma_wait3A_289 = tpu.memref_slice %arg6[%dma_wait3A_278, %dma_wait3A_287, %dma_wait3A_288] : memref<3x2x100xi32, #tpu.memory_space<vmem>> -> memref<1x2x100xi32, #tpu.memory_space<vmem>>
        %dma_wait3A_290 = tpu.memref_squeeze %dma_wait3A_289 : memref<1x2x100xi32, #tpu.memory_space<vmem>> -> memref<2x100xi32, #tpu.memory_space<vmem>>
        %dma_wait3A_291 = arith.constant 0 : i32
        %dma_wait3A_292 = arith.constant 0 : i32
        %dma_wait3A_293 = tpu.memref_slice %arg2[%add3A, %dma_wait3A_277, %dma_wait3A_291, %dma_wait3A_292] : memref<32x128x2x100xi32, #tpu.memory_space<hbm>> -> memref<1x1x2x100xi32, #tpu.memory_space<hbm>>
        %dma_wait3A_294 = tpu.memref_squeeze %dma_wait3A_293 : memref<1x1x2x100xi32, #tpu.memory_space<hbm>> -> memref<2x100xi32, #tpu.memory_space<hbm>>
        tpu.wait_dma2 semaphore(%arg16 : memref<!tpu.dma_semaphore, #tpu.memory_space<semaphore_mem>>) src(%dma_wait3A_294 : memref<2x100xi32, #tpu.memory_space<hbm>>) dst(%dma_wait3A_290 : memref<2x100xi32, #tpu.memory_space<vmem>>)
        %dma_start3A_295 = arith.constant 1 : i32
        %dma_start3A_296 = arith.constant 0 : i32
        %dma_start3A_297 = arith.constant 1 : i32
        %dma_start3A_298 = arith.constant 0 : i32
        %dma_start3A_299 = arith.constant 0 : i32
        %dma_start3A_300 = tpu.memref_slice %arg7[%dma_start3A_297, %dma_start3A_298, %dma_start3A_299] : memref<3x200x128xf32, #tpu.memory_space<vmem>> -> memref<1x100x128xf32, #tpu.memory_space<vmem>>
        %dma_start3A_301 = tpu.memref_squeeze %dma_start3A_300 : memref<1x100x128xf32, #tpu.memory_space<vmem>> -> memref<100x128xf32, #tpu.memory_space<vmem>>
        %dma_start3A_302 = arith.constant 0 : i32
        %dma_start3A_303 = tpu.memref_slice %arg6[%dma_start3A_295, %dma_start3A_296, %dma_start3A_302] : memref<3x2x100xi32, #tpu.memory_space<vmem>> -> memref<1x1x100xi32, #tpu.memory_space<vmem>>
        %dma_start3A_304 = tpu.memref_squeeze %dma_start3A_303 : memref<1x1x100xi32, #tpu.memory_space<vmem>> -> memref<100xi32, #tpu.memory_space<vmem>>
        %dma_start3A_305 = arith.constant 0 : i32
        %dma_start3A_306 = arith.constant 0 : i32
        %dma_start3A_307 = tpu.memref_slice %arg3[%dma_start3A_305, %dma_start3A_306] : memref<100000x128xf32, #tpu.memory_space<hbm>> -> memref<100000x128xf32, #tpu.memory_space<hbm>>
        tpu.enqueue_indirect_dma source(%dma_start3A_307 : memref<100000x128xf32, #tpu.memory_space<hbm>>) target(%dma_start3A_301 : memref<100x128xf32, #tpu.memory_space<vmem>>) offsets(%dma_start3A_304 : memref<100xi32, #tpu.memory_space<vmem>>) semaphore(%arg10 : memref<!tpu.dma_semaphore, #tpu.memory_space<semaphore_mem>>)
        %dma_start3A_308 = arith.constant 1 : i32
        %dma_start3A_309 = arith.constant 1 : i32
        %dma_start3A_310 = arith.constant 1 : i32
        %dma_start3A_311 = arith.constant 100 : i32
        %dma_start3A_312 = arith.constant 0 : i32
        %dma_start3A_313 = tpu.memref_slice %arg7[%dma_start3A_310, %dma_start3A_311, %dma_start3A_312] : memref<3x200x128xf32, #tpu.memory_space<vmem>> -> memref<1x100x128xf32, #tpu.memory_space<vmem>>
        %dma_start3A_314 = tpu.memref_squeeze %dma_start3A_313 : memref<1x100x128xf32, #tpu.memory_space<vmem>> -> memref<100x128xf32, #tpu.memory_space<vmem>>
        %dma_start3A_315 = arith.constant 0 : i32
        %dma_start3A_316 = tpu.memref_slice %arg6[%dma_start3A_308, %dma_start3A_309, %dma_start3A_315] : memref<3x2x100xi32, #tpu.memory_space<vmem>> -> memref<1x1x100xi32, #tpu.memory_space<vmem>>
        %dma_start3A_317 = tpu.memref_squeeze %dma_start3A_316 : memref<1x1x100xi32, #tpu.memory_space<vmem>> -> memref<100xi32, #tpu.memory_space<vmem>>
        %dma_start3A_318 = arith.constant 0 : i32
        %dma_start3A_319 = arith.constant 0 : i32
        %dma_start3A_320 = tpu.memref_slice %arg3[%dma_start3A_318, %dma_start3A_319] : memref<100000x128xf32, #tpu.memory_space<hbm>> -> memref<100000x128xf32, #tpu.memory_space<hbm>>
        tpu.enqueue_indirect_dma source(%dma_start3A_320 : memref<100000x128xf32, #tpu.memory_space<hbm>>) target(%dma_start3A_314 : memref<100x128xf32, #tpu.memory_space<vmem>>) offsets(%dma_start3A_317 : memref<100xi32, #tpu.memory_space<vmem>>) semaphore(%arg10 : memref<!tpu.dma_semaphore, #tpu.memory_space<semaphore_mem>>)
      } else {
      }
    }
    %scan3A_149 = arith.constant 43 : i32
    %dma_wait3A_150 = arith.constant 2 : i32
    %dma_wait3A_151 = arith.constant 0 : i32
    %dma_wait3A_152 = arith.constant 0 : i32
    %dma_wait3A_153 = tpu.memref_slice %arg7[%dma_wait3A_150, %dma_wait3A_151, %dma_wait3A_152] : memref<3x200x128xf32, #tpu.memory_space<vmem>> -> memref<1x200x128xf32, #tpu.memory_space<vmem>>
    %dma_wait3A_154 = tpu.memref_squeeze %dma_wait3A_153 : memref<1x200x128xf32, #tpu.memory_space<vmem>> -> memref<200x128xf32, #tpu.memory_space<vmem>>
    %dma_wait3A_155 = arith.constant 0 : i32
    %dma_wait3A_156 = arith.constant 0 : i32
    %dma_wait3A_157 = tpu.memref_slice %arg5[%dma_wait3A_155, %dma_wait3A_156] : memref<819200x128xf32, #tpu.memory_space<hbm>> -> memref<200x128xf32, #tpu.memory_space<hbm>>
    %dma_wait3A_158 = arith.constant 0 : i32
    %dma_wait3A_159 = arith.constant 0 : i32
    %dma_wait3A_160 = tpu.memref_slice %arg5[%dma_wait3A_158, %dma_wait3A_159] : memref<819200x128xf32, #tpu.memory_space<hbm>> -> memref<200x128xf32, #tpu.memory_space<hbm>>
    %dma_wait3A_161 = arith.constant 0 : i32
    %dma_wait3A_162 = arith.constant 0 : i32
    %dma_wait3A_163 = tpu.memref_slice %arg7[%dma_wait3A_150, %dma_wait3A_161, %dma_wait3A_162] : memref<3x200x128xf32, #tpu.memory_space<vmem>> -> memref<1x200x128xf32, #tpu.memory_space<vmem>>
    %dma_wait3A_164 = tpu.memref_squeeze %dma_wait3A_163 : memref<1x200x128xf32, #tpu.memory_space<vmem>> -> memref<200x128xf32, #tpu.memory_space<vmem>>
    tpu.wait_dma2 semaphore(%arg14 : memref<!tpu.dma_semaphore, #tpu.memory_space<semaphore_mem>>) src(%dma_wait3A_164 : memref<200x128xf32, #tpu.memory_space<vmem>>) dst(%dma_wait3A_160 : memref<200x128xf32, #tpu.memory_space<hbm>>)
    %dma_wait3A_165 = arith.constant 0 : i32
    %dma_wait3A_166 = arith.constant 0 : i32
    %dma_wait3A_167 = arith.constant 0 : i32
    %dma_wait3A_168 = tpu.memref_slice %arg7[%dma_wait3A_165, %dma_wait3A_166, %dma_wait3A_167] : memref<3x200x128xf32, #tpu.memory_space<vmem>> -> memref<1x200x128xf32, #tpu.memory_space<vmem>>
    %dma_wait3A_169 = tpu.memref_squeeze %dma_wait3A_168 : memref<1x200x128xf32, #tpu.memory_space<vmem>> -> memref<200x128xf32, #tpu.memory_space<vmem>>
    %dma_wait3A_170 = arith.constant 0 : i32
    %dma_wait3A_171 = arith.constant 0 : i32
    %dma_wait3A_172 = tpu.memref_slice %arg5[%dma_wait3A_170, %dma_wait3A_171] : memref<819200x128xf32, #tpu.memory_space<hbm>> -> memref<200x128xf32, #tpu.memory_space<hbm>>
    %dma_wait3A_173 = arith.constant 0 : i32
    %dma_wait3A_174 = arith.constant 0 : i32
    %dma_wait3A_175 = tpu.memref_slice %arg5[%dma_wait3A_173, %dma_wait3A_174] : memref<819200x128xf32, #tpu.memory_space<hbm>> -> memref<200x128xf32, #tpu.memory_space<hbm>>
    %dma_wait3A_176 = arith.constant 0 : i32
    %dma_wait3A_177 = arith.constant 0 : i32
    %dma_wait3A_178 = tpu.memref_slice %arg7[%dma_wait3A_165, %dma_wait3A_176, %dma_wait3A_177] : memref<3x200x128xf32, #tpu.memory_space<vmem>> -> memref<1x200x128xf32, #tpu.memory_space<vmem>>
    %dma_wait3A_179 = tpu.memref_squeeze %dma_wait3A_178 : memref<1x200x128xf32, #tpu.memory_space<vmem>> -> memref<200x128xf32, #tpu.memory_space<vmem>>
    tpu.wait_dma2 semaphore(%arg12 : memref<!tpu.dma_semaphore, #tpu.memory_space<semaphore_mem>>) src(%dma_wait3A_179 : memref<200x128xf32, #tpu.memory_space<vmem>>) dst(%dma_wait3A_175 : memref<200x128xf32, #tpu.memory_space<hbm>>)
    %dma_wait3A_180 = arith.constant 1 : i32
    %dma_wait3A_181 = arith.constant 0 : i32
    %dma_wait3A_182 = arith.constant 0 : i32
    %dma_wait3A_183 = tpu.memref_slice %arg7[%dma_wait3A_180, %dma_wait3A_181, %dma_wait3A_182] : memref<3x200x128xf32, #tpu.memory_space<vmem>> -> memref<1x200x128xf32, #tpu.memory_space<vmem>>
    %dma_wait3A_184 = tpu.memref_squeeze %dma_wait3A_183 : memref<1x200x128xf32, #tpu.memory_space<vmem>> -> memref<200x128xf32, #tpu.memory_space<vmem>>
    %dma_wait3A_185 = arith.constant 0 : i32
    %dma_wait3A_186 = arith.constant 0 : i32
    %dma_wait3A_187 = tpu.memref_slice %arg5[%dma_wait3A_185, %dma_wait3A_186] : memref<819200x128xf32, #tpu.memory_space<hbm>> -> memref<200x128xf32, #tpu.memory_space<hbm>>
    %dma_wait3A_188 = arith.constant 0 : i32
    %dma_wait3A_189 = arith.constant 0 : i32
    %dma_wait3A_190 = tpu.memref_slice %arg5[%dma_wait3A_188, %dma_wait3A_189] : memref<819200x128xf32, #tpu.memory_space<hbm>> -> memref<200x128xf32, #tpu.memory_space<hbm>>
    %dma_wait3A_191 = arith.constant 0 : i32
    %dma_wait3A_192 = arith.constant 0 : i32
    %dma_wait3A_193 = tpu.memref_slice %arg7[%dma_wait3A_180, %dma_wait3A_191, %dma_wait3A_192] : memref<3x200x128xf32, #tpu.memory_space<vmem>> -> memref<1x200x128xf32, #tpu.memory_space<vmem>>
    %dma_wait3A_194 = tpu.memref_squeeze %dma_wait3A_193 : memref<1x200x128xf32, #tpu.memory_space<vmem>> -> memref<200x128xf32, #tpu.memory_space<vmem>>
    tpu.wait_dma2 semaphore(%arg13 : memref<!tpu.dma_semaphore, #tpu.memory_space<semaphore_mem>>) src(%dma_wait3A_194 : memref<200x128xf32, #tpu.memory_space<vmem>>) dst(%dma_wait3A_190 : memref<200x128xf32, #tpu.memory_space<hbm>>)
    return
  }
}

</mosaic_0001>

<sc_bundles>
// kernel: kernel.3.cloned.1.call-start
scs
__scs_entry_jumppad:
0x0: {  	(pc) =	sbr.rel $0x88, $3  }
0x1: {  	(tag) =	ssettag $0x0;
	lr =	simm.s32 $0x1  }
0x2: {  	[smem:$0x3F9E] =	sst lr;
	_ =	strace $0xD0000000  }
0x3: {  	_ = 	snop  }
0x4: {  	_ = 	snop  }
0x5: {  	_ = 	snop  }
0x6: {  	_ = 	snop  }
0x7: {  	_ = 	snop  }
__scs_overlays_trampoline_lowered:
0x8: {  	[smem:$0x3FAD] =	sst s0  }
0x9: {  	[smem:$0x3FAE] =	sst s1  }
0xa: {  	[smem:$0x3FAF] =	sst s2  }
0xb: {  	[smem:$0x3FB0] =	sst s3  }
0xc: {  	[smem:$0x3FB1] =	sst s4  }
0xd: {  	[smem:$0x3FB2] =	sst s5  }
0xe: {  	[smem:$0x3FB3] =	sst s6  }
0xf: {  	[smem:$0x3FB4] =	sst s7  }
0x10: {  	[smem:$0x3FB5] =	sst s8  }
0x11: {  	[smem:$0x3FB6] =	sst s9;
	s0 =	simm.s32 @!p0 $0x0  }
0x12: {  	s1 =	sld [smem:$0x3F9C];
	s0 =	simm.s32 @p0 $0x1  }
0x13: {  	[smem:$0x3FB7] =	sst s0;
	s0 =	simm.s32 @!p1 $0x0  }
0x14: {  	s2 =	sld [smem:$0x3F9B];
	s0 =	simm.s32 @p1 $0x1  }
0x15: {  	[smem:$0x3FB8] =	sst s0;
	s0 =	simm.s32 @!p2 $0x0  }
0x16: {  	s3 =	sld [smem:$0x3FDB];
	s0 =	simm.s32 @p2 $0x1  }
0x17: {  	s4 =	simm.s32 $0x1BF5;
	[smem:$0x3FBA] =	sst s0  }
0x18: {  	s0 =	sld [smem:$0x3F9D];
	_ =	swait.ge [sflag:s4], $0x0  }
0x19: {  	s7 =	sld [smem:$0x3F9E]  }
0x1a: {  	s8 =	sadd.s32 $0xFFFFE003, lr  }
0x1b: {  	s9 =	sadd.s32 $0xFFFFFEF7, lr;
	s5 =	simm.s32 $0xFFFFFFFF;
	p2 =	slt.u32 s8, $0xFFFFF086  }
0x1c: {  	p1 =	slt.u32 s9, $0xF7A;
	s5 =	simm.s32 @!p2 $0x0  }
0x1d: {  	s5 =	simm.s32 @p1 $0x1;
	p0 =	seq.s32 s7, s2  }
0x1e: {  	s7 =	smul.u32 @!p0 $0xF7A, s2;
	p2 =	seq.s32 @!p0 s5, $0x0  }
0x1f: {  	s9 =	smul.u32 $0xF7A, s1;
	s8 =	simm.s32 @!p0 $0x1BF5;
	p2 =	por !p2, p0  }
0x20: {  	[sflag:s8] =	ssyncset.s32 @!p0 $0xFFFFF086;
	s6 =	sadd.s32 @!p0 s3, s7;
	s7 =	simm.s32 @!p0 $0x108  }
0x21: {  	s3 =	sadd.s32 s3, s9;
	s6 =	sadd.s32 @!p0 $0x88, s6;
	s7 =	simm.s32 @p2 $0x1082  }
0x22: {  	[simem:s7], [sflag:s8] =	dma.local @!p0 [hbm:s6], $0xF7A  }
0x23: {  	s9 =	sor.u32 $0xD0000000, s2;
	s6 =	simm.s32 $0x108;
	_ =	swait.ge @!p0 [sflag:s8], $0x0  }
0x24: {  	s3 =	sadd.s32 $0x88, s3;
	s6 =	simm.s32 @!p1 $0x1082;
	[sflag:s4] =	ssyncset.s32 $0xFFFFF086  }
0x25: {  	[simem:s6], [sflag:s4] =	dma.local [hbm:s3], $0xF7A  }
0x26: {  	[smem:$0x3F9E] =	sst s1;
	(tag) =	ssettag s2;
	_ =	strace s9  }
0x27: {  	s1 =	sld [smem:$0x3FAE]  }
0x28: {  	s2 =	sld [smem:$0x3FAF]  }
0x29: {  	s4 =	sld [smem:$0x3FB1]  }
0x2a: {  	p0 =	seq.s32 s5, $0x0;
	s5 =	sld [smem:$0x3FB2]  }
0x2b: {  	s6 =	sld [smem:$0x3FB3]  }
0x2c: {  	s7 =	sld [smem:$0x3FB4]  }
0x2d: {  	s3 =	simm.s32 $0x108;
	s8 =	sld [smem:$0x3FB5]  }
0x2e: {  	s3 =	simm.s32 @!p0 $0x1082;
	s9 =	sld [smem:$0x3FB6]  }
0x2f: {  	lr =	sadd.s32 s0, s3;
	s0 =	sld [smem:$0x3FAD]  }
0x30: {  	s3 =	sld [smem:$0x3FB0]  }
0x31: {  	[smem:$0x3FB9] =	sst s10  }
0x32: {  	s10 =	sld [smem:$0x3FB7];
	_ =	sdelay $0x3  }
0x33: {  	p0 =	seq.s32 s10, $0x1;
	s10 =	sld [smem:$0x3FB9];
	_ =	sdelay $0x3  }
0x34: {  	[smem:$0x3FB9] =	sst s10  }
0x35: {  	s10 =	sld [smem:$0x3FB8];
	_ =	sdelay $0x3  }
0x36: {  	p1 =	seq.s32 s10, $0x1;
	s10 =	sld [smem:$0x3FB9];
	_ =	sdelay $0x3  }
0x37: {  	[smem:$0x3FB9] =	sst s10  }
0x38: {  	s10 =	sld [smem:$0x3FBA]  }
0x39: {  	_ = 	snop;
	(pc) =	sbr.ind lr, $3  }
0x3a: {  	_ = 	snop  }
0x3b: {  	_ = 	snop  }
0x3c: {  	p2 =	seq.s32 s10, $0x1;
	s10 =	sld [smem:$0x3FB9]  }
0x3d: {  	_ =	shalt  }
0x3e: {  	_ =	shalt  }
0x3f: {  	_ =	shalt  }
0x40: {  	_ =	shalt  }
0x41: {  	_ =	shalt  }
0x42: {  	_ =	shalt  }
0x43: {  	_ =	shalt  }
0x44: {  	_ =	shalt  }
0x45: {  	_ =	shalt  }
0x46: {  	_ =	shalt  }
0x47: {  	_ =	shalt  }
0x48: {  	_ =	shalt  }
0x49: {  	_ =	shalt  }
0x4a: {  	_ =	shalt  }
0x4b: {  	_ =	shalt  }
0x4c: {  	_ =	shalt  }
0x4d: {  	_ =	shalt  }
0x4e: {  	_ =	shalt  }
0x4f: {  	_ =	shalt  }
0x50: {  	_ =	shalt  }
0x51: {  	_ =	shalt  }
0x52: {  	_ =	shalt  }
0x53: {  	_ =	shalt  }
0x54: {  	_ =	shalt  }
0x55: {  	_ =	shalt  }
0x56: {  	_ =	shalt  }
0x57: {  	_ =	shalt  }
0x58: {  	_ =	shalt  }
0x59: {  	_ =	shalt  }
0x5a: {  	_ =	shalt  }
0x5b: {  	_ =	shalt  }
0x5c: {  	_ =	shalt  }
0x5d: {  	_ =	shalt  }
0x5e: {  	_ =	shalt  }
0x5f: {  	_ =	shalt  }
0x60: {  	_ =	shalt  }
0x61: {  	_ =	shalt  }
0x62: {  	_ =	shalt  }
0x63: {  	_ =	shalt  }
0x64: {  	_ =	shalt  }
0x65: {  	_ =	shalt  }
0x66: {  	_ =	shalt  }
0x67: {  	_ =	shalt  }
0x68: {  	_ =	shalt  }
0x69: {  	_ =	shalt  }
0x6a: {  	_ =	shalt  }
0x6b: {  	_ =	shalt  }
0x6c: {  	_ =	shalt  }
0x6d: {  	_ =	shalt  }
0x6e: {  	_ =	shalt  }
0x6f: {  	_ =	shalt  }
0x70: {  	_ =	shalt  }
0x71: {  	_ =	shalt  }
0x72: {  	_ =	shalt  }
0x73: {  	_ =	shalt  }
0x74: {  	_ =	shalt  }
0x75: {  	_ =	shalt  }
0x76: {  	_ =	shalt  }
0x77: {  	_ =	shalt  }
0x78: {  	_ =	shalt  }
0x79: {  	_ =	shalt  }
0x7a: {  	_ =	shalt  }
0x7b: {  	_ =	shalt  }
0x7c: {  	_ =	shalt  }
0x7d: {  	_ =	shalt  }
0x7e: {  	_ =	shalt  }
0x7f: {  	_ =	shalt  }
0x80: {  	_ =	shalt  }
0x81: {  	_ =	shalt  }
0x82: {  	_ =	shalt  }
0x83: {  	_ =	shalt  }
0x84: {  	_ =	shalt  }
0x85: {  	_ =	shalt  }
0x86: {  	_ =	shalt  }
0x87: {  	_ =	shalt  }
.Lfunc_end0:
.L_simem_size_0:
called_computation_lowered:
.L_overlay_start_0:
0x88: {  	s2 =	sld [smem:$0x3FD9]  }
0x89: {  	s3 =	sld [smem:$0x3FFE];
	_ =	sdelay $0x1  }
0x8a: {  	s1 =	srdreg.scid  }
0x8b: {  	s0 =	sand.u32 $0x1, s1  }
0x8c: {  	s17 =	sshll.u32 s0, $0xA;
	s2 =	sadd.s32 s3, s2  }
0x8d: {  	s2 =	sadd.s32 s2, s17  }
0x8e: {  	[smem:$0x3FC5] =	sst s2  }
0x8f: {  	_ = 	snop  }
0x90: {  	s2 =	sld [smem:$0x3FC8]  }
0x91: {  	s18 =	sld [smem:$0x3FC7]  }
0x92: {  	s4 =	sld [smem:$0x3FD0];
	(tm) =	ssettm $0x1  }
0x93: {  	s5 =	sld [smem:$0x3FFB];
	_ =	sdelay $0x3  }
0x94: {  	_ =	strace s5  }
0x95: {  	s5 =	sld [smem:$0x3FFC];
	_ =	sdelay $0x3  }
0x96: {  	_ =	strace s5  }
0x97: {  	s5 =	sld [smem:$0x3FFD];
	_ =	sdelay $0x3  }
0x98: {  	_ =	strace s5  }
0x99: {  	_ =	strace $0x8FFFFFFF  }
0x9a: {  	s19 =	sld [smem:$0x3FDB];
	_ =	sdelay $0x1  }
0x9b: {  	s6 =	simm.s32 $_scs_section_size  }
0x9c: {  	s7 =	simm.s32 $_size__tile_overlayer_lowered;
	s8 =	simm.s32 $_tile_overlayer_lowered  }
0x9d: {  	s22 =	simm.s32 $0x1BFF;
	s21 =	sshll.u32 s8, $0x1;
	s5 =	sadd.s32 s6, s19  }
0x9e: {  	s9 =	simm.s32 $0x0;
	s20 =	sshll.u32 s7, $0x1;
	s7 =	sadd.s32 s21, s5  }
0x9f: {  	[timem:s9], [sflag:s22] =	dma.local [hbm:s7], s20  }
0xa0: {  	_ =	swait.ge [sflag:s22], s20  }
0xa1: {  	s6 =	ssub.s32 $0x0, s20;
	[sflag:s22] =	ssyncset.done $0x0  }
0xa2: {  	[sflag:s22] =	ssyncadd.s32 s6;
	_ =	sdelay $0x1  }
0xa3: {  	s23 =	simm.s32 $0x1B8B  }
0xa4: {  	_ =	swait.ge [sflag:s23], $0x1  }
0xa5: {  	[sflag:s23] =	ssyncset.done $0x0  }
0xa6: {  	s25 =	simm.s32 $0x1B8E;
	s24 =	sld [smem:$0x3FFE];
	[sflag:s23] =	ssyncadd.s32 $0xFFFFFFFF  }
0xa7: {  	s26 =	simm.s32 $execute0_lowered;
	[smem:$0x3FD2] =	sst s25  }
0xa8: {  	s7 =	sshll.u32 s26, $0x1;
	_ =	strace $0x80000046;
	[dreg:$0x1] =	wrdreg $0xFFFFFFFF  }
0xa9: {  	s28 =	simm.s32 $_size_execute0_lowered;
	s5 =	sadd.s32 s5, s7;
	[dreg:$0x0] =	wrdreg $0x0  }
0xaa: {  	s7 =	sshll.u32 s28, $0x1;
	[dreg:$0x2] =	wrdreg s5  }
0xab: {  	[dreg:$0x3] =	wrdreg s7  }
0xac: {  	[dreg:$0x4] =	wrdreg $0xC0  }
0xad: {  	_ =	task [dreg:s9], $0x5FFFF  }
0xae: {  	[dreg:$0x1] =	wrdreg $0xFFFFFFFF  }
0xaf: {  	[dreg:$0x0] =	wrdreg $0x60  }
0xb0: {  	[dreg:$0x2] =	wrdreg s24  }
0xb1: {  	[dreg:$0x3] =	wrdreg s2  }
0xb2: {  	[dreg:$0x4] =	wrdreg s18  }
0xb3: {  	[dreg:$0x5] =	wrdreg s4  }
0xb4: {  	[dreg:$0x6] =	wrdreg $0x9  }
0xb5: {  	_ =	task.clear_ibuf [dreg:s9], $0x7FFFF;
	_ =	strace $0x90000046  }
0xb6: {  	s29 =	simm.s32 $0x9;
	_ =	strace $0x80000048  }
0xb7: {  	_ =	swait.ge [sflag:s29], $0x1  }
0xb8: {  	[sflag:s29] =	ssyncadd.s32 $0xFFFFFFFF  }
0xb9: {  	_ =	strace $0x90000048  }
0xba: {  	_ =	sfence  }
0xbb: {  	s30 =	sld [smem:$0x0];
	_ =	sdelay $0x2  }
0xbc: {  	s31 =	sshll.u32 s1, $0xD;
	s1 =	sshrl.u32 s1, $0x2  }
0xbd: {  	s3 =	sand.u32 $0x4000, s31;
	s1 =	sadd.s32 s1, s30  }
0xbe: {  	s0 =	sor.u32 s3, s0;
	s1 =	sshll.u32 s1, $0x11  }
0xbf: {  	s0 =	sor.u32 s1, s0  }
0xc0: {  	s0 =	sadd.s32 $0x8F2B, s0  }
0xc1: {  	[sflag:s0] =	ssyncadd.remote.s32 $0x1  }
0xc2: {  	_ =	sfence.sel $0xFFFF  }
0xc3: {  	[dreg:$0x0] =	wrdreg $0xFFFFFFFF;
	(pc) =	sbr.abs _section_cstart, $3  }
0xc4: {  	[dreg:$0x1] =	wrdreg $0xFFFFFFFF  }
0xc5: {  	_ =	task.clear_ibuf [dreg:s9], $0x2FFFF;
	_ =	strace $0x9FFFFFFF  }
0xc6: {  	(tm) =	ssettm $0x7FFFFFFF  }
0xc7: {  	_ =	shalt  }
tec
execute0_lowered:
.L_overlay_start_1:
0x0: {  	(tag) =	ssettag $0x1  }
0x1: {  	s0 =	rddreg [dreg:$0x0]  }
0x2: {  	s1 =	rddreg [dreg:$0x1]  }
0x3: {  	s4 =	rddreg [dreg:$0x3]  }
0x4: {  	s2 =	srdreg.scid;
	s5 =	simm.s32 $0x0;
	s6 =	stileid.u32  }
0x5: {  	s20 =	simm.s32 $0x100;
	s22 =	simm.s32 $0x7;
	s23 =	simm.s32 $0x64  }
0x6: {  	s24 =	simm.s32 $0x300;
	s28 =	simm.s32 $0x8;
	s29 =	simm.s32 $0x6700  }
0x7: {  	s30 =	simm.s32 $0x180;
	s31 =	simm.s32 $0x9900;
	s9 =	simm.s32 $0x4  }
0x8: {  	s10 =	simm.s32 $0x5;
	s17 =	simm.s32 $0x3;
	s2 =	sand.u32 $0x1, s2  }
0x9: {  	[smem:$0x7FF] =	sst s5;
	s6 =	sshll.u32 s6, $0x1;
	s11 =	sadd.s32 $0x600, s4  }
0xa: {  	s3 =	ssub.s32 $0x2, s2;
	_ =	strace $0x80000047;
	s2 =	sor.u32 s2, s6  }
0xb: {  	s6 =	sadd.s32 $0x400, s0;
	s7 =	sshrl.u32 s3, $0x1;
	s26 =	sshll.u32 s2, $0xC  }
0xc: {  	s25 =	ssub.s32 s3, s7;
	s7 =	smul.u32 $0x6400, s2;
	s3 =	sadd.s32 s6, s26  }
0xd: {  	s2 =	sshll.u32 s2, $0xF;
	s26 =	simm.s32 $0x3500;
	s8 =	sadd.s32 $0x20, s3  }
.Ltmp0:
0xe: {  	[dreg:$0x5] =	wrdreg s3;
	s3 =	sadd.s32 $0x40, s3;
	(pc) =	sbr.rel .LBB2_1-.Ltmp0, $4  }
0xf: {  	s12 =	sor.u32 $0x300, s2;
	s14 =	sor.u32 $0x400, s2;
	s16 =	sor.u32 $0x500, s2  }
0x10: {  	s0 =	smax.u32 s25, $0x1;
	s2 =	simm.s32 $0x2;
	[dreg:$0x6] =	wrdreg s8  }
0x11: {  	[dreg:$0x7] =	wrdreg s3;
	s13 =	sor.u32 $0xC8, s7;
	s15 =	sor.u32 $0x190, s7  }
0x12: {  	[dreg:$0x8] =	wrdreg s0;
	s0 =	simm.s32 $0x1;
	s8 =	simm.s32 $0x0  }
.LBB2_16:
0x13: {  	s3 =	simm.s32 $0x6  }
0x14: {  	_ =	swait.ge [sflag:s3], $0x6400  }
0x15: {  	[sflag:s3] =	ssyncset.done $0x0  }
0x16: {  	[sflag:s3] =	ssyncadd.s32 $0xFFFF9C00  }
0x17: {  	_ =	swait.ge [sflag:s9], $0x6400  }
0x18: {  	[sflag:s9] =	ssyncset.done $0x0  }
0x19: {  	[sflag:s9] =	ssyncadd.s32 $0xFFFF9C00  }
0x1a: {  	_ =	swait.ge [sflag:s10], $0x6400  }
0x1b: {  	s8 =	rddreg [dreg:$0x9]  }
0x1c: {  	s25 =	rddreg [dreg:$0x8];
	s8 =	sadd.s32 $0x1, s8  }
0x1d: {  	p0 =	sne.s32 s8, s25  }
.Ltmp1:
0x1e: {  	_ = 	snop;
	(pc) =	sbr.rel @!p0 .LBB2_17-.Ltmp1, $3  }
0x1f: {  	_ =	sdelay $0x1  }
0x20: {  	[sflag:s10] =	ssyncset.done $0x0  }
0x21: {  	[sflag:s10] =	ssyncadd.s32 $0xFFFF9C00  }
.LBB2_1:
0x22: {  	[dreg:$0x9] =	wrdreg s8  }
0x23: {  	s3 =	rddreg [dreg:$0x2];
	s21 =	simm.s32 $0x12F00;
	s25 =	simm.s32 $0xA  }
0x24: {  	[tilespmem:s21], [sflag:$0xA] =	stream.linear.gather [hbm4b:s3+s5], $0x6400, $0x38;
	[tilespmem:$0x19300] =	vst v63  }
0x25: {  	_ =	swait.ge [sflag:s25], $0x6400  }
0x26: {  	[sflag:s25] =	ssyncset.done $0x0  }
0x27: {  	s8 =	rddreg [dreg:$0x5];
	[sflag:s25] =	ssyncadd.s32 $0xFFFF9C00  }
0x28: {  	[tilespmem:s5], [sflag:$0x7] =	stream.linear.gather [hbm4b:s8+s5], $0x100, $0x38;
	[tilespmem:$0x19300] =	vst v63  }
0x29: {  	s18 =	rddreg [dreg:$0x6]  }
0x2a: {  	[tilespmem:s20], [sflag:$0x8] =	stream.linear.gather [hbm4b:s18+s5], $0x100, $0x38;
	[tilespmem:$0x19300] =	vst v63  }
0x2b: {  	s21 =	simm.s32 $0x200;
	s19 =	rddreg [dreg:$0x7]  }
0x2c: {  	[tilespmem:s21], [sflag:$0x9] =	stream.linear.gather [hbm4b:s19+s5], $0x100, $0x38;
	[tilespmem:$0x19300] =	vst v63  }
0x2d: {  	_ =	swait.ge [sflag:s22], $0x100  }
0x2e: {  	[sflag:s22] =	ssyncset.done $0x0  }
0x2f: {  	[sflag:s22] =	ssyncadd.s32 $0xFFFFFF00  }
0x30: {  	[tilespmem:s24], [sflag:$0x1] =	stream.indirect.gather [hbm4b:s1+s23], $0x80, s5, s23, $0xb8;
	[tilespmem:$0x19300] =	vst v63  }
0x31: {  	s25 =	simm.s32 $0x80  }
0x32: {  	[tilespmem:s26], [sflag:$0x1] =	stream.indirect.gather [hbm4b:s1+s23], $0x80, s25, s23, $0xb8;
	[tilespmem:$0x19300] =	vst v63  }
0x33: {  	_ =	swait.ge [sflag:s28], $0x100  }
0x34: {  	[sflag:s28] =	ssyncset.done $0x0  }
0x35: {  	[sflag:s28] =	ssyncadd.s32 $0xFFFFFF00  }
0x36: {  	[tilespmem:s29], [sflag:$0x2] =	stream.indirect.gather [hbm4b:s1+s23], $0x80, s20, s23, $0xb8;
	[tilespmem:$0x19300] =	vst v63  }
0x37: {  	s21 =	simm.s32 $0x0  }
0x38: {  	[tilespmem:s31], [sflag:$0x2] =	stream.indirect.gather [hbm4b:s1+s23], $0x80, s30, s23, $0xb8;
	[tilespmem:$0x19300] =	vst v63  }
.LBB2_2:
0x39: {  	_ =	swait.ge [sflag:s0], $0x3200  }
0x3a: {  	[sflag:s0] =	ssyncset.done $0x0  }
0x3b: {  	[sflag:s0] =	ssyncadd.s32 $0xFFFFCE00  }
0x3c: {  	_ =	swait.ge [sflag:s0], $0x3200  }
0x3d: {  	[sflag:s0] =	ssyncset.done $0x0  }
0x3e: {  	s3 =	simm.s32 $0x0;
	[sflag:s0] =	ssyncadd.s32 $0xFFFFCE00  }
0x3f: {  	v0 =	vld [tilespmem:s3+$0x130F0]  }
0x40: {  	v1 =	vld [tilespmem:s3+$0x12F00]  }
0x41: {  	v2 =	vld [tilespmem:s3+$0x12F10]  }
0x42: {  	v3 =	vld [tilespmem:s3+$0x12F20]  }
0x43: {  	v4 =	vld [tilespmem:s3+$0x12F30]  }
0x44: {  	v5 =	vld [tilespmem:s3+$0x12F40]  }
0x45: {  	v6 =	vld [tilespmem:s3+$0x12F50]  }
0x46: {  	v7 =	vld [tilespmem:s3+$0x12F60]  }
0x47: {  	v8 =	vld [tilespmem:s3+$0x12F70]  }
0x48: {  	v9 =	vld [tilespmem:s3+$0x12F80]  }
0x49: {  	v10 =	vld [tilespmem:s3+$0x12F90]  }
0x4a: {  	v11 =	vld [tilespmem:s3+$0x12FA0]  }
0x4b: {  	v12 =	vld [tilespmem:s3+$0x12FB0]  }
0x4c: {  	v13 =	vld [tilespmem:s3+$0x12FC0]  }
0x4d: {  	v14 =	vld [tilespmem:s3+$0x12FD0]  }
0x4e: {  	v15 =	vld [tilespmem:s3+$0x12FE0]  }
0x4f: {  	v16 =	vld [tilespmem:s3+$0x12FF0]  }
0x50: {  	v17 =	vld [tilespmem:s3+$0x13000]  }
0x51: {  	v18 =	vld [tilespmem:s3+$0x13010]  }
0x52: {  	v19 =	vld [tilespmem:s3+$0x13020]  }
0x53: {  	v20 =	vld [tilespmem:s3+$0x13030]  }
0x54: {  	v21 =	vld [tilespmem:s3+$0x13040]  }
0x55: {  	v22 =	vld [tilespmem:s3+$0x13050]  }
0x56: {  	v23 =	vld [tilespmem:s3+$0x13060]  }
0x57: {  	v24 =	vld [tilespmem:s3+$0x13070]  }
0x58: {  	v25 =	vld [tilespmem:s3+$0x13080]  }
0x59: {  	v26 =	vld [tilespmem:s3+$0x13090]  }
0x5a: {  	v27 =	vld [tilespmem:s3+$0x130A0]  }
0x5b: {  	v28 =	vld [tilespmem:s3+$0x130B0]  }
0x5c: {  	v29 =	vld [tilespmem:s3+$0x130C0]  }
0x5d: {  	v30 =	vld [tilespmem:s3+$0x130D0]  }
0x5e: {  	[tilespmem:s3+$0x4F0] =	vst.add.f32.msk $0xffff, v0  }
0x5f: {  	v0 =	vld [tilespmem:s3+$0x130E0]  }
0x60: {  	[tilespmem:s3+$0x300] =	vst.add.f32.msk $0xffff, v1  }
0x61: {  	[tilespmem:s3+$0x310] =	vst.add.f32.msk $0xffff, v2  }
0x62: {  	[tilespmem:s3+$0x320] =	vst.add.f32.msk $0xffff, v3  }
0x63: {  	[tilespmem:s3+$0x330] =	vst.add.f32.msk $0xffff, v4  }
0x64: {  	[tilespmem:s3+$0x340] =	vst.add.f32.msk $0xffff, v5  }
0x65: {  	[tilespmem:s3+$0x350] =	vst.add.f32.msk $0xffff, v6  }
0x66: {  	[tilespmem:s3+$0x360] =	vst.add.f32.msk $0xffff, v7  }
0x67: {  	[tilespmem:s3+$0x370] =	vst.add.f32.msk $0xffff, v8  }
0x68: {  	[tilespmem:s3+$0x380] =	vst.add.f32.msk $0xffff, v9  }
0x69: {  	[tilespmem:s3+$0x390] =	vst.add.f32.msk $0xffff, v10  }
0x6a: {  	[tilespmem:s3+$0x3A0] =	vst.add.f32.msk $0xffff, v11  }
0x6b: {  	[tilespmem:s3+$0x3B0] =	vst.add.f32.msk $0xffff, v12  }
0x6c: {  	[tilespmem:s3+$0x3C0] =	vst.add.f32.msk $0xffff, v13  }
0x6d: {  	[tilespmem:s3+$0x3D0] =	vst.add.f32.msk $0xffff, v14  }
0x6e: {  	[tilespmem:s3+$0x3E0] =	vst.add.f32.msk $0xffff, v15  }
0x6f: {  	[tilespmem:s3+$0x3F0] =	vst.add.f32.msk $0xffff, v16  }
0x70: {  	[tilespmem:s3+$0x400] =	vst.add.f32.msk $0xffff, v17  }
0x71: {  	[tilespmem:s3+$0x410] =	vst.add.f32.msk $0xffff, v18  }
0x72: {  	[tilespmem:s3+$0x420] =	vst.add.f32.msk $0xffff, v19  }
0x73: {  	[tilespmem:s3+$0x430] =	vst.add.f32.msk $0xffff, v20  }
0x74: {  	[tilespmem:s3+$0x440] =	vst.add.f32.msk $0xffff, v21  }
0x75: {  	[tilespmem:s3+$0x450] =	vst.add.f32.msk $0xffff, v22  }
0x76: {  	[tilespmem:s3+$0x460] =	vst.add.f32.msk $0xffff, v23  }
0x77: {  	[tilespmem:s3+$0x470] =	vst.add.f32.msk $0xffff, v24  }
0x78: {  	[tilespmem:s3+$0x480] =	vst.add.f32.msk $0xffff, v25  }
0x79: {  	[tilespmem:s3+$0x490] =	vst.add.f32.msk $0xffff, v26  }
0x7a: {  	[tilespmem:s3+$0x4A0] =	vst.add.f32.msk $0xffff, v27  }
0x7b: {  	[tilespmem:s3+$0x4B0] =	vst.add.f32.msk $0xffff, v28  }
0x7c: {  	[tilespmem:s3+$0x4C0] =	vst.add.f32.msk $0xffff, v29  }
0x7d: {  	s8 =	simm.s32 $0x0;
	s18 =	simm.s32 $0x800;
	[tilespmem:s3+$0x4D0] =	vst.add.f32.msk $0xffff, v30  }
.LBB2_3:
0x7e: {  	s8 =	sadd.s32 $0x4, s8;
	[tilespmem:s3+$0x4E0] =	vst.add.f32.msk $0xffff, v0;
	s3 =	sshra.s32 s18, $0x2  }
0x7f: {  	v0 =	vld [tilespmem:s3+$0x130F0];
	p0 =	slt.u32 s8, $0x5C  }
0x80: {  	v1 =	vld [tilespmem:s3+$0x12F00]  }
0x81: {  	v2 =	vld [tilespmem:s3+$0x12F10]  }
0x82: {  	v3 =	vld [tilespmem:s3+$0x12F20]  }
0x83: {  	v4 =	vld [tilespmem:s3+$0x12F30]  }
0x84: {  	[tilespmem:s3+$0x4F0] =	vst.add.f32.msk $0xffff, v0  }
0x85: {  	v5 =	vld [tilespmem:s3+$0x12F40]  }
0x86: {  	v6 =	vld [tilespmem:s3+$0x12F50]  }
0x87: {  	v7 =	vld [tilespmem:s3+$0x12F60]  }
0x88: {  	v8 =	vld [tilespmem:s3+$0x12F70]  }
0x89: {  	v9 =	vld [tilespmem:s3+$0x12F80]  }
0x8a: {  	v10 =	vld [tilespmem:s3+$0x12F90]  }
0x8b: {  	v11 =	vld [tilespmem:s3+$0x12FA0]  }
0x8c: {  	v12 =	vld [tilespmem:s3+$0x12FB0]  }
0x8d: {  	v13 =	vld [tilespmem:s3+$0x12FC0]  }
0x8e: {  	v14 =	vld [tilespmem:s3+$0x12FD0]  }
0x8f: {  	v15 =	vld [tilespmem:s3+$0x12FE0]  }
0x90: {  	v16 =	vld [tilespmem:s3+$0x12FF0]  }
0x91: {  	v17 =	vld [tilespmem:s3+$0x13000]  }
0x92: {  	v18 =	vld [tilespmem:s3+$0x13010]  }
0x93: {  	v19 =	vld [tilespmem:s3+$0x13020]  }
0x94: {  	v20 =	vld [tilespmem:s3+$0x13030]  }
0x95: {  	v21 =	vld [tilespmem:s3+$0x13040]  }
0x96: {  	v22 =	vld [tilespmem:s3+$0x13050]  }
0x97: {  	v23 =	vld [tilespmem:s3+$0x13060]  }
0x98: {  	v24 =	vld [tilespmem:s3+$0x13070]  }
0x99: {  	v25 =	vld [tilespmem:s3+$0x13080]  }
0x9a: {  	v26 =	vld [tilespmem:s3+$0x13090]  }
0x9b: {  	v27 =	vld [tilespmem:s3+$0x130A0]  }
0x9c: {  	v28 =	vld [tilespmem:s3+$0x130B0]  }
0x9d: {  	v29 =	vld [tilespmem:s3+$0x130C0]  }
0x9e: {  	v30 =	vld [tilespmem:s3+$0x130D0]  }
0x9f: {  	v0 =	vld [tilespmem:s3+$0x130E0]  }
0xa0: {  	[tilespmem:s3+$0x300] =	vst.add.f32.msk $0xffff, v1  }
0xa1: {  	[tilespmem:s3+$0x310] =	vst.add.f32.msk $0xffff, v2  }
0xa2: {  	[tilespmem:s3+$0x320] =	vst.add.f32.msk $0xffff, v3  }
0xa3: {  	[tilespmem:s3+$0x330] =	vst.add.f32.msk $0xffff, v4  }
0xa4: {  	[tilespmem:s3+$0x340] =	vst.add.f32.msk $0xffff, v5  }
0xa5: {  	[tilespmem:s3+$0x350] =	vst.add.f32.msk $0xffff, v6  }
0xa6: {  	[tilespmem:s3+$0x360] =	vst.add.f32.msk $0xffff, v7  }
0xa7: {  	[tilespmem:s3+$0x370] =	vst.add.f32.msk $0xffff, v8  }
0xa8: {  	[tilespmem:s3+$0x380] =	vst.add.f32.msk $0xffff, v9  }
0xa9: {  	[tilespmem:s3+$0x390] =	vst.add.f32.msk $0xffff, v10  }
0xaa: {  	[tilespmem:s3+$0x3A0] =	vst.add.f32.msk $0xffff, v11  }
0xab: {  	[tilespmem:s3+$0x3B0] =	vst.add.f32.msk $0xffff, v12  }
0xac: {  	[tilespmem:s3+$0x3C0] =	vst.add.f32.msk $0xffff, v13  }
0xad: {  	[tilespmem:s3+$0x3D0] =	vst.add.f32.msk $0xffff, v14  }
0xae: {  	[tilespmem:s3+$0x3E0] =	vst.add.f32.msk $0xffff, v15  }
0xaf: {  	[tilespmem:s3+$0x3F0] =	vst.add.f32.msk $0xffff, v16  }
0xb0: {  	[tilespmem:s3+$0x400] =	vst.add.f32.msk $0xffff, v17  }
0xb1: {  	[tilespmem:s3+$0x410] =	vst.add.f32.msk $0xffff, v18  }
0xb2: {  	[tilespmem:s3+$0x420] =	vst.add.f32.msk $0xffff, v19  }
0xb3: {  	[tilespmem:s3+$0x430] =	vst.add.f32.msk $0xffff, v20  }
0xb4: {  	[tilespmem:s3+$0x440] =	vst.add.f32.msk $0xffff, v21  }
0xb5: {  	[tilespmem:s3+$0x450] =	vst.add.f32.msk $0xffff, v22  }
0xb6: {  	[tilespmem:s3+$0x460] =	vst.add.f32.msk $0xffff, v23  }
0xb7: {  	[tilespmem:s3+$0x470] =	vst.add.f32.msk $0xffff, v24  }
0xb8: {  	[tilespmem:s3+$0x480] =	vst.add.f32.msk $0xffff, v25  }
.Ltmp2:
0xb9: {  	[tilespmem:s3+$0x490] =	vst.add.f32.msk $0xffff, v26;
	(pc) =	sbr.rel @p0 .LBB2_3-.Ltmp2, $4  }
0xba: {  	[tilespmem:s3+$0x4A0] =	vst.add.f32.msk $0xffff, v27  }
0xbb: {  	[tilespmem:s3+$0x4B0] =	vst.add.f32.msk $0xffff, v28  }
0xbc: {  	[tilespmem:s3+$0x4C0] =	vst.add.f32.msk $0xffff, v29  }
0xbd: {  	s18 =	sadd.s32 $0x800, s18;
	[tilespmem:s3+$0x4D0] =	vst.add.f32.msk $0xffff, v30  }
0xbe: {  	s8 =	smul.u32 $0x258, s21;
	_ =	sdelay $0x1  }
0xbf: {  	s18 =	sadd.s32 s7, s8  }
0xc0: {  	s19 =	sshll.u32 s18, $0x4  }
0xc1: {  	[tilespmem:s3+$0x4E0] =	vst.add.f32.msk $0xffff, v0;
	s25 =	simm.s32 $0x0;
	s3 =	simm.s32 $0x0;
	s18 =	sadd.s32 s4, s19  }
0xc2: {  	[hbm4b:s18+s25] =	stream.linear.scatter [tilespmem:s24], [sflag:$0x4], $0x3000, $0x38;
	[tilespmem:$0x19300] =	vst v63  }
0xc3: {  	v0 =	vld [tilespmem:s3+$0x160F0]  }
0xc4: {  	v1 =	vld [tilespmem:s3+$0x15F00]  }
0xc5: {  	v2 =	vld [tilespmem:s3+$0x15F10]  }
0xc6: {  	v3 =	vld [tilespmem:s3+$0x15F20]  }
0xc7: {  	v4 =	vld [tilespmem:s3+$0x15F30]  }
0xc8: {  	v5 =	vld [tilespmem:s3+$0x15F40]  }
0xc9: {  	v6 =	vld [tilespmem:s3+$0x15F50]  }
0xca: {  	v7 =	vld [tilespmem:s3+$0x15F60]  }
0xcb: {  	v8 =	vld [tilespmem:s3+$0x15F70]  }
0xcc: {  	v9 =	vld [tilespmem:s3+$0x15F80]  }
0xcd: {  	v10 =	vld [tilespmem:s3+$0x15F90]  }
0xce: {  	v11 =	vld [tilespmem:s3+$0x15FA0]  }
0xcf: {  	v12 =	vld [tilespmem:s3+$0x15FB0]  }
0xd0: {  	v13 =	vld [tilespmem:s3+$0x15FC0]  }
0xd1: {  	v14 =	vld [tilespmem:s3+$0x15FD0]  }
0xd2: {  	v15 =	vld [tilespmem:s3+$0x15FE0]  }
0xd3: {  	v16 =	vld [tilespmem:s3+$0x15FF0]  }
0xd4: {  	v17 =	vld [tilespmem:s3+$0x16000]  }
0xd5: {  	v18 =	vld [tilespmem:s3+$0x16010]  }
0xd6: {  	v19 =	vld [tilespmem:s3+$0x16020]  }
0xd7: {  	v20 =	vld [tilespmem:s3+$0x16030]  }
0xd8: {  	v21 =	vld [tilespmem:s3+$0x16040]  }
0xd9: {  	v22 =	vld [tilespmem:s3+$0x16050]  }
0xda: {  	v23 =	vld [tilespmem:s3+$0x16060]  }
0xdb: {  	v24 =	vld [tilespmem:s3+$0x16070]  }
0xdc: {  	v25 =	vld [tilespmem:s3+$0x16080]  }
0xdd: {  	v26 =	vld [tilespmem:s3+$0x16090]  }
0xde: {  	v27 =	vld [tilespmem:s3+$0x160A0]  }
0xdf: {  	v28 =	vld [tilespmem:s3+$0x160B0]  }
0xe0: {  	v29 =	vld [tilespmem:s3+$0x160C0]  }
0xe1: {  	v30 =	vld [tilespmem:s3+$0x160D0]  }
0xe2: {  	[tilespmem:s3+$0x34F0] =	vst.add.f32.msk $0xffff, v0  }
0xe3: {  	v0 =	vld [tilespmem:s3+$0x160E0]  }
0xe4: {  	[tilespmem:s3+$0x3300] =	vst.add.f32.msk $0xffff, v1  }
0xe5: {  	[tilespmem:s3+$0x3310] =	vst.add.f32.msk $0xffff, v2  }
0xe6: {  	[tilespmem:s3+$0x3320] =	vst.add.f32.msk $0xffff, v3  }
0xe7: {  	[tilespmem:s3+$0x3330] =	vst.add.f32.msk $0xffff, v4  }
0xe8: {  	[tilespmem:s3+$0x3340] =	vst.add.f32.msk $0xffff, v5  }
0xe9: {  	[tilespmem:s3+$0x3350] =	vst.add.f32.msk $0xffff, v6  }
0xea: {  	[tilespmem:s3+$0x3360] =	vst.add.f32.msk $0xffff, v7  }
0xeb: {  	[tilespmem:s3+$0x3370] =	vst.add.f32.msk $0xffff, v8  }
0xec: {  	[tilespmem:s3+$0x3380] =	vst.add.f32.msk $0xffff, v9  }
0xed: {  	[tilespmem:s3+$0x3390] =	vst.add.f32.msk $0xffff, v10  }
0xee: {  	[tilespmem:s3+$0x33A0] =	vst.add.f32.msk $0xffff, v11  }
0xef: {  	[tilespmem:s3+$0x33B0] =	vst.add.f32.msk $0xffff, v12  }
0xf0: {  	[tilespmem:s3+$0x33C0] =	vst.add.f32.msk $0xffff, v13  }
0xf1: {  	[tilespmem:s3+$0x33D0] =	vst.add.f32.msk $0xffff, v14  }
0xf2: {  	[tilespmem:s3+$0x33E0] =	vst.add.f32.msk $0xffff, v15  }
0xf3: {  	[tilespmem:s3+$0x33F0] =	vst.add.f32.msk $0xffff, v16  }
0xf4: {  	[tilespmem:s3+$0x3400] =	vst.add.f32.msk $0xffff, v17  }
0xf5: {  	[tilespmem:s3+$0x3410] =	vst.add.f32.msk $0xffff, v18  }
0xf6: {  	[tilespmem:s3+$0x3420] =	vst.add.f32.msk $0xffff, v19  }
0xf7: {  	[tilespmem:s3+$0x3430] =	vst.add.f32.msk $0xffff, v20  }
0xf8: {  	[tilespmem:s3+$0x3440] =	vst.add.f32.msk $0xffff, v21  }
0xf9: {  	[tilespmem:s3+$0x3450] =	vst.add.f32.msk $0xffff, v22  }
0xfa: {  	[tilespmem:s3+$0x3460] =	vst.add.f32.msk $0xffff, v23  }
0xfb: {  	[tilespmem:s3+$0x3470] =	vst.add.f32.msk $0xffff, v24  }
0xfc: {  	[tilespmem:s3+$0x3480] =	vst.add.f32.msk $0xffff, v25  }
0xfd: {  	[tilespmem:s3+$0x3490] =	vst.add.f32.msk $0xffff, v26  }
0xfe: {  	[tilespmem:s3+$0x34A0] =	vst.add.f32.msk $0xffff, v27  }
0xff: {  	[tilespmem:s3+$0x34B0] =	vst.add.f32.msk $0xffff, v28  }
0x100: {  	[tilespmem:s3+$0x34C0] =	vst.add.f32.msk $0xffff, v29  }
0x101: {  	s18 =	simm.s32 $0x60;
	s25 =	simm.s32 $0x800;
	[tilespmem:s3+$0x34D0] =	vst.add.f32.msk $0xffff, v30  }
.LBB2_5:
0x102: {  	s18 =	sadd.s32 $0x4, s18;
	[tilespmem:s3+$0x34E0] =	vst.add.f32.msk $0xffff, v0;
	s3 =	sshra.s32 s25, $0x2  }
0x103: {  	v0 =	vld [tilespmem:s3+$0x160F0];
	p0 =	slt.u32 s18, $0xC4  }
0x104: {  	v1 =	vld [tilespmem:s3+$0x15F00]  }
0x105: {  	v2 =	vld [tilespmem:s3+$0x15F10]  }
0x106: {  	v3 =	vld [tilespmem:s3+$0x15F20]  }
0x107: {  	v4 =	vld [tilespmem:s3+$0x15F30]  }
0x108: {  	[tilespmem:s3+$0x34F0] =	vst.add.f32.msk $0xffff, v0  }
0x109: {  	v5 =	vld [tilespmem:s3+$0x15F40]  }
0x10a: {  	v6 =	vld [tilespmem:s3+$0x15F50]  }
0x10b: {  	v7 =	vld [tilespmem:s3+$0x15F60]  }
0x10c: {  	v8 =	vld [tilespmem:s3+$0x15F70]  }
0x10d: {  	v9 =	vld [tilespmem:s3+$0x15F80]  }
0x10e: {  	v10 =	vld [tilespmem:s3+$0x15F90]  }
0x10f: {  	v11 =	vld [tilespmem:s3+$0x15FA0]  }
0x110: {  	v12 =	vld [tilespmem:s3+$0x15FB0]  }
0x111: {  	v13 =	vld [tilespmem:s3+$0x15FC0]  }
0x112: {  	v14 =	vld [tilespmem:s3+$0x15FD0]  }
0x113: {  	v15 =	vld [tilespmem:s3+$0x15FE0]  }
0x114: {  	v16 =	vld [tilespmem:s3+$0x15FF0]  }
0x115: {  	v17 =	vld [tilespmem:s3+$0x16000]  }
0x116: {  	v18 =	vld [tilespmem:s3+$0x16010]  }
0x117: {  	v19 =	vld [tilespmem:s3+$0x16020]  }
0x118: {  	v20 =	vld [tilespmem:s3+$0x16030]  }
0x119: {  	v21 =	vld [tilespmem:s3+$0x16040]  }
0x11a: {  	v22 =	vld [tilespmem:s3+$0x16050]  }
0x11b: {  	v23 =	vld [tilespmem:s3+$0x16060]  }
0x11c: {  	v24 =	vld [tilespmem:s3+$0x16070]  }
0x11d: {  	v25 =	vld [tilespmem:s3+$0x16080]  }
0x11e: {  	v26 =	vld [tilespmem:s3+$0x16090]  }
0x11f: {  	v27 =	vld [tilespmem:s3+$0x160A0]  }
0x120: {  	v28 =	vld [tilespmem:s3+$0x160B0]  }
0x121: {  	v29 =	vld [tilespmem:s3+$0x160C0]  }
0x122: {  	v30 =	vld [tilespmem:s3+$0x160D0]  }
0x123: {  	v0 =	vld [tilespmem:s3+$0x160E0]  }
0x124: {  	[tilespmem:s3+$0x3300] =	vst.add.f32.msk $0xffff, v1  }
0x125: {  	[tilespmem:s3+$0x3310] =	vst.add.f32.msk $0xffff, v2  }
0x126: {  	[tilespmem:s3+$0x3320] =	vst.add.f32.msk $0xffff, v3  }
0x127: {  	[tilespmem:s3+$0x3330] =	vst.add.f32.msk $0xffff, v4  }
0x128: {  	[tilespmem:s3+$0x3340] =	vst.add.f32.msk $0xffff, v5  }
0x129: {  	[tilespmem:s3+$0x3350] =	vst.add.f32.msk $0xffff, v6  }
0x12a: {  	[tilespmem:s3+$0x3360] =	vst.add.f32.msk $0xffff, v7  }
0x12b: {  	[tilespmem:s3+$0x3370] =	vst.add.f32.msk $0xffff, v8  }
0x12c: {  	[tilespmem:s3+$0x3380] =	vst.add.f32.msk $0xffff, v9  }
0x12d: {  	[tilespmem:s3+$0x3390] =	vst.add.f32.msk $0xffff, v10  }
0x12e: {  	[tilespmem:s3+$0x33A0] =	vst.add.f32.msk $0xffff, v11  }
0x12f: {  	[tilespmem:s3+$0x33B0] =	vst.add.f32.msk $0xffff, v12  }
0x130: {  	[tilespmem:s3+$0x33C0] =	vst.add.f32.msk $0xffff, v13  }
0x131: {  	[tilespmem:s3+$0x33D0] =	vst.add.f32.msk $0xffff, v14  }
0x132: {  	[tilespmem:s3+$0x33E0] =	vst.add.f32.msk $0xffff, v15  }
0x133: {  	[tilespmem:s3+$0x33F0] =	vst.add.f32.msk $0xffff, v16  }
0x134: {  	[tilespmem:s3+$0x3400] =	vst.add.f32.msk $0xffff, v17  }
0x135: {  	[tilespmem:s3+$0x3410] =	vst.add.f32.msk $0xffff, v18  }
0x136: {  	[tilespmem:s3+$0x3420] =	vst.add.f32.msk $0xffff, v19  }
0x137: {  	[tilespmem:s3+$0x3430] =	vst.add.f32.msk $0xffff, v20  }
0x138: {  	[tilespmem:s3+$0x3440] =	vst.add.f32.msk $0xffff, v21  }
0x139: {  	[tilespmem:s3+$0x3450] =	vst.add.f32.msk $0xffff, v22  }
0x13a: {  	[tilespmem:s3+$0x3460] =	vst.add.f32.msk $0xffff, v23  }
0x13b: {  	[tilespmem:s3+$0x3470] =	vst.add.f32.msk $0xffff, v24  }
0x13c: {  	[tilespmem:s3+$0x3480] =	vst.add.f32.msk $0xffff, v25  }
.Ltmp3:
0x13d: {  	[tilespmem:s3+$0x3490] =	vst.add.f32.msk $0xffff, v26;
	(pc) =	sbr.rel @p0 .LBB2_5-.Ltmp3, $4  }
0x13e: {  	[tilespmem:s3+$0x34A0] =	vst.add.f32.msk $0xffff, v27  }
0x13f: {  	[tilespmem:s3+$0x34B0] =	vst.add.f32.msk $0xffff, v28  }
0x140: {  	[tilespmem:s3+$0x34C0] =	vst.add.f32.msk $0xffff, v29  }
0x141: {  	s25 =	sadd.s32 $0x800, s25;
	[tilespmem:s3+$0x34D0] =	vst.add.f32.msk $0xffff, v30  }
0x142: {  	p0 =	seq.s32 s21, $0x2A  }
0x143: {  	[tilespmem:s3+$0x34E0] =	vst.add.f32.msk $0xffff, v0;
	s19 =	sadd.s32 s19, s11;
	s25 =	simm.s32 $0x3300;
	s18 =	smul.u32 @!p0 $0x300, s21  }
0x144: {  	[hbm4b:s19+s5] =	stream.linear.scatter [tilespmem:s25], [sflag:$0x4], $0x3400, $0x38;
	[tilespmem:$0x19300] =	vst v63  }
0x145: {  	s3 =	sadd.s32 @!p0 s18, s12  }
0x146: {  	p1 =	seq.s32 @!p0 s21, $0x0;
	s3 =	sshrl.u32 @!p0 s3, $0x3  }
0x147: {  	p1 =	por p1, p0;
	s18 =	simm.s32 @!p0 $0x0;
	s3 =	sadd.s32 @!p0 s6, s3  }
0x148: {  	[tilespmem:s18], [sflag:$0x7] =	stream.linear.gather @!p0 [hbm4b:s3+s18], $0x100, $0x38;
	[tilespmem:$0x19300] =	vst v63  }
0x149: {  	s3 =	simm.s32 @!p1 $0x6  }
0x14a: {  	_ =	swait.ge @!p1 [sflag:s3], $0x6400  }
0x14b: {  	[sflag:s3] =	ssyncset.done @!p1 $0x0  }
0x14c: {  	[sflag:s3] =	ssyncadd.s32 @!p1 $0xFFFF9C00;
	s3 =	simm.s32 @!p0 $0x9  }
0x14d: {  	_ =	swait.ge @!p0 [sflag:s3], $0x100  }
0x14e: {  	s19 =	simm.s32 @!p0 $0xCB00;
	[sflag:s3] =	ssyncset.done @!p0 $0x0  }
0x14f: {  	s18 =	simm.s32 @!p0 $0x200;
	[sflag:s3] =	ssyncadd.s32 @!p0 $0xFFFFFF00;
	s3 =	simm.s32 @!p0 $0x64  }
0x150: {  	[tilespmem:s19], [sflag:$0x3] =	stream.indirect.gather @!p0 [hbm4b:s1+s3], $0x80, s18, s3, $0xb8;
	[tilespmem:$0x19300] =	vst v63  }
0x151: {  	s18 =	simm.s32 @!p0 $0x280;
	s19 =	simm.s32 @!p0 $0xFD00  }
0x152: {  	[tilespmem:s19], [sflag:$0x3] =	stream.indirect.gather @!p0 [hbm4b:s1+s3], $0x80, s18, s3, $0xb8;
	[tilespmem:$0x19300] =	vst v63  }
0x153: {  	_ =	swait.ge [sflag:s2], $0x3200  }
0x154: {  	[sflag:s2] =	ssyncset.done $0x0  }
0x155: {  	[sflag:s2] =	ssyncadd.s32 $0xFFFFCE00  }
0x156: {  	_ =	swait.ge [sflag:s2], $0x3200  }
0x157: {  	[sflag:s2] =	ssyncset.done $0x0  }
0x158: {  	s3 =	simm.s32 $0x0;
	[sflag:s2] =	ssyncadd.s32 $0xFFFFCE00  }
0x159: {  	v0 =	vld [tilespmem:s3+$0x130F0]  }
0x15a: {  	v1 =	vld [tilespmem:s3+$0x12F00]  }
0x15b: {  	v2 =	vld [tilespmem:s3+$0x12F10]  }
0x15c: {  	v3 =	vld [tilespmem:s3+$0x12F20]  }
0x15d: {  	v4 =	vld [tilespmem:s3+$0x12F30]  }
0x15e: {  	v5 =	vld [tilespmem:s3+$0x12F40]  }
0x15f: {  	v6 =	vld [tilespmem:s3+$0x12F50]  }
0x160: {  	v7 =	vld [tilespmem:s3+$0x12F60]  }
0x161: {  	v8 =	vld [tilespmem:s3+$0x12F70]  }
0x162: {  	v9 =	vld [tilespmem:s3+$0x12F80]  }
0x163: {  	v10 =	vld [tilespmem:s3+$0x12F90]  }
0x164: {  	v11 =	vld [tilespmem:s3+$0x12FA0]  }
0x165: {  	v12 =	vld [tilespmem:s3+$0x12FB0]  }
0x166: {  	v13 =	vld [tilespmem:s3+$0x12FC0]  }
0x167: {  	v14 =	vld [tilespmem:s3+$0x12FD0]  }
0x168: {  	v15 =	vld [tilespmem:s3+$0x12FE0]  }
0x169: {  	v16 =	vld [tilespmem:s3+$0x12FF0]  }
0x16a: {  	v17 =	vld [tilespmem:s3+$0x13000]  }
0x16b: {  	v18 =	vld [tilespmem:s3+$0x13010]  }
0x16c: {  	v19 =	vld [tilespmem:s3+$0x13020]  }
0x16d: {  	v20 =	vld [tilespmem:s3+$0x13030]  }
0x16e: {  	v21 =	vld [tilespmem:s3+$0x13040]  }
0x16f: {  	v22 =	vld [tilespmem:s3+$0x13050]  }
0x170: {  	v23 =	vld [tilespmem:s3+$0x13060]  }
0x171: {  	v24 =	vld [tilespmem:s3+$0x13070]  }
0x172: {  	v25 =	vld [tilespmem:s3+$0x13080]  }
0x173: {  	v26 =	vld [tilespmem:s3+$0x13090]  }
0x174: {  	v27 =	vld [tilespmem:s3+$0x130A0]  }
0x175: {  	v28 =	vld [tilespmem:s3+$0x130B0]  }
0x176: {  	v29 =	vld [tilespmem:s3+$0x130C0]  }
0x177: {  	v30 =	vld [tilespmem:s3+$0x130D0]  }
0x178: {  	[tilespmem:s3+$0x68F0] =	vst.add.f32.msk $0xffff, v0  }
0x179: {  	v0 =	vld [tilespmem:s3+$0x130E0]  }
0x17a: {  	[tilespmem:s3+$0x6700] =	vst.add.f32.msk $0xffff, v1  }
0x17b: {  	[tilespmem:s3+$0x6710] =	vst.add.f32.msk $0xffff, v2  }
0x17c: {  	[tilespmem:s3+$0x6720] =	vst.add.f32.msk $0xffff, v3  }
0x17d: {  	[tilespmem:s3+$0x6730] =	vst.add.f32.msk $0xffff, v4  }
0x17e: {  	[tilespmem:s3+$0x6740] =	vst.add.f32.msk $0xffff, v5  }
0x17f: {  	[tilespmem:s3+$0x6750] =	vst.add.f32.msk $0xffff, v6  }
0x180: {  	[tilespmem:s3+$0x6760] =	vst.add.f32.msk $0xffff, v7  }
0x181: {  	[tilespmem:s3+$0x6770] =	vst.add.f32.msk $0xffff, v8  }
0x182: {  	[tilespmem:s3+$0x6780] =	vst.add.f32.msk $0xffff, v9  }
0x183: {  	[tilespmem:s3+$0x6790] =	vst.add.f32.msk $0xffff, v10  }
0x184: {  	[tilespmem:s3+$0x67A0] =	vst.add.f32.msk $0xffff, v11  }
0x185: {  	[tilespmem:s3+$0x67B0] =	vst.add.f32.msk $0xffff, v12  }
0x186: {  	[tilespmem:s3+$0x67C0] =	vst.add.f32.msk $0xffff, v13  }
0x187: {  	[tilespmem:s3+$0x67D0] =	vst.add.f32.msk $0xffff, v14  }
0x188: {  	[tilespmem:s3+$0x67E0] =	vst.add.f32.msk $0xffff, v15  }
0x189: {  	[tilespmem:s3+$0x67F0] =	vst.add.f32.msk $0xffff, v16  }
0x18a: {  	[tilespmem:s3+$0x6800] =	vst.add.f32.msk $0xffff, v17  }
0x18b: {  	[tilespmem:s3+$0x6810] =	vst.add.f32.msk $0xffff, v18  }
0x18c: {  	[tilespmem:s3+$0x6820] =	vst.add.f32.msk $0xffff, v19  }
0x18d: {  	[tilespmem:s3+$0x6830] =	vst.add.f32.msk $0xffff, v20  }
0x18e: {  	[tilespmem:s3+$0x6840] =	vst.add.f32.msk $0xffff, v21  }
0x18f: {  	[tilespmem:s3+$0x6850] =	vst.add.f32.msk $0xffff, v22  }
0x190: {  	[tilespmem:s3+$0x6860] =	vst.add.f32.msk $0xffff, v23  }
0x191: {  	[tilespmem:s3+$0x6870] =	vst.add.f32.msk $0xffff, v24  }
0x192: {  	[tilespmem:s3+$0x6880] =	vst.add.f32.msk $0xffff, v25  }
0x193: {  	[tilespmem:s3+$0x6890] =	vst.add.f32.msk $0xffff, v26  }
0x194: {  	[tilespmem:s3+$0x68A0] =	vst.add.f32.msk $0xffff, v27  }
0x195: {  	[tilespmem:s3+$0x68B0] =	vst.add.f32.msk $0xffff, v28  }
0x196: {  	[tilespmem:s3+$0x68C0] =	vst.add.f32.msk $0xffff, v29  }
0x197: {  	s18 =	simm.s32 $0x0;
	s19 =	simm.s32 $0x800;
	[tilespmem:s3+$0x68D0] =	vst.add.f32.msk $0xffff, v30  }
.LBB2_7:
0x198: {  	s18 =	sadd.s32 $0x4, s18;
	[tilespmem:s3+$0x68E0] =	vst.add.f32.msk $0xffff, v0;
	s3 =	sshra.s32 s19, $0x2  }
0x199: {  	v0 =	vld [tilespmem:s3+$0x130F0];
	p1 =	slt.u32 s18, $0x5C  }
0x19a: {  	v1 =	vld [tilespmem:s3+$0x12F00]  }
0x19b: {  	v2 =	vld [tilespmem:s3+$0x12F10]  }
0x19c: {  	v3 =	vld [tilespmem:s3+$0x12F20]  }
0x19d: {  	v4 =	vld [tilespmem:s3+$0x12F30]  }
0x19e: {  	[tilespmem:s3+$0x68F0] =	vst.add.f32.msk $0xffff, v0  }
0x19f: {  	v5 =	vld [tilespmem:s3+$0x12F40]  }
0x1a0: {  	v6 =	vld [tilespmem:s3+$0x12F50]  }
0x1a1: {  	v7 =	vld [tilespmem:s3+$0x12F60]  }
0x1a2: {  	v8 =	vld [tilespmem:s3+$0x12F70]  }
0x1a3: {  	v9 =	vld [tilespmem:s3+$0x12F80]  }
0x1a4: {  	v10 =	vld [tilespmem:s3+$0x12F90]  }
0x1a5: {  	v11 =	vld [tilespmem:s3+$0x12FA0]  }
0x1a6: {  	v12 =	vld [tilespmem:s3+$0x12FB0]  }
0x1a7: {  	v13 =	vld [tilespmem:s3+$0x12FC0]  }
0x1a8: {  	v14 =	vld [tilespmem:s3+$0x12FD0]  }
0x1a9: {  	v15 =	vld [tilespmem:s3+$0x12FE0]  }
0x1aa: {  	v16 =	vld [tilespmem:s3+$0x12FF0]  }
0x1ab: {  	v17 =	vld [tilespmem:s3+$0x13000]  }
0x1ac: {  	v18 =	vld [tilespmem:s3+$0x13010]  }
0x1ad: {  	v19 =	vld [tilespmem:s3+$0x13020]  }
0x1ae: {  	v20 =	vld [tilespmem:s3+$0x13030]  }
0x1af: {  	v21 =	vld [tilespmem:s3+$0x13040]  }
0x1b0: {  	v22 =	vld [tilespmem:s3+$0x13050]  }
0x1b1: {  	v23 =	vld [tilespmem:s3+$0x13060]  }
0x1b2: {  	v24 =	vld [tilespmem:s3+$0x13070]  }
0x1b3: {  	v25 =	vld [tilespmem:s3+$0x13080]  }
0x1b4: {  	v26 =	vld [tilespmem:s3+$0x13090]  }
0x1b5: {  	v27 =	vld [tilespmem:s3+$0x130A0]  }
0x1b6: {  	v28 =	vld [tilespmem:s3+$0x130B0]  }
0x1b7: {  	v29 =	vld [tilespmem:s3+$0x130C0]  }
0x1b8: {  	v30 =	vld [tilespmem:s3+$0x130D0]  }
0x1b9: {  	v0 =	vld [tilespmem:s3+$0x130E0]  }
0x1ba: {  	[tilespmem:s3+$0x6700] =	vst.add.f32.msk $0xffff, v1  }
0x1bb: {  	[tilespmem:s3+$0x6710] =	vst.add.f32.msk $0xffff, v2  }
0x1bc: {  	[tilespmem:s3+$0x6720] =	vst.add.f32.msk $0xffff, v3  }
0x1bd: {  	[tilespmem:s3+$0x6730] =	vst.add.f32.msk $0xffff, v4  }
0x1be: {  	[tilespmem:s3+$0x6740] =	vst.add.f32.msk $0xffff, v5  }
0x1bf: {  	[tilespmem:s3+$0x6750] =	vst.add.f32.msk $0xffff, v6  }
0x1c0: {  	[tilespmem:s3+$0x6760] =	vst.add.f32.msk $0xffff, v7  }
0x1c1: {  	[tilespmem:s3+$0x6770] =	vst.add.f32.msk $0xffff, v8  }
0x1c2: {  	[tilespmem:s3+$0x6780] =	vst.add.f32.msk $0xffff, v9  }
0x1c3: {  	[tilespmem:s3+$0x6790] =	vst.add.f32.msk $0xffff, v10  }
0x1c4: {  	[tilespmem:s3+$0x67A0] =	vst.add.f32.msk $0xffff, v11  }
0x1c5: {  	[tilespmem:s3+$0x67B0] =	vst.add.f32.msk $0xffff, v12  }
0x1c6: {  	[tilespmem:s3+$0x67C0] =	vst.add.f32.msk $0xffff, v13  }
0x1c7: {  	[tilespmem:s3+$0x67D0] =	vst.add.f32.msk $0xffff, v14  }
0x1c8: {  	[tilespmem:s3+$0x67E0] =	vst.add.f32.msk $0xffff, v15  }
0x1c9: {  	[tilespmem:s3+$0x67F0] =	vst.add.f32.msk $0xffff, v16  }
0x1ca: {  	[tilespmem:s3+$0x6800] =	vst.add.f32.msk $0xffff, v17  }
0x1cb: {  	[tilespmem:s3+$0x6810] =	vst.add.f32.msk $0xffff, v18  }
0x1cc: {  	[tilespmem:s3+$0x6820] =	vst.add.f32.msk $0xffff, v19  }
0x1cd: {  	[tilespmem:s3+$0x6830] =	vst.add.f32.msk $0xffff, v20  }
0x1ce: {  	[tilespmem:s3+$0x6840] =	vst.add.f32.msk $0xffff, v21  }
0x1cf: {  	[tilespmem:s3+$0x6850] =	vst.add.f32.msk $0xffff, v22  }
0x1d0: {  	[tilespmem:s3+$0x6860] =	vst.add.f32.msk $0xffff, v23  }
0x1d1: {  	[tilespmem:s3+$0x6870] =	vst.add.f32.msk $0xffff, v24  }
0x1d2: {  	[tilespmem:s3+$0x6880] =	vst.add.f32.msk $0xffff, v25  }
.Ltmp4:
0x1d3: {  	[tilespmem:s3+$0x6890] =	vst.add.f32.msk $0xffff, v26;
	(pc) =	sbr.rel @p1 .LBB2_7-.Ltmp4, $4  }
0x1d4: {  	[tilespmem:s3+$0x68A0] =	vst.add.f32.msk $0xffff, v27  }
0x1d5: {  	[tilespmem:s3+$0x68B0] =	vst.add.f32.msk $0xffff, v28  }
0x1d6: {  	[tilespmem:s3+$0x68C0] =	vst.add.f32.msk $0xffff, v29  }
0x1d7: {  	s19 =	sadd.s32 $0x800, s19;
	[tilespmem:s3+$0x68D0] =	vst.add.f32.msk $0xffff, v30  }
0x1d8: {  	s18 =	sadd.s32 s8, s13  }
0x1d9: {  	s19 =	sshll.u32 s18, $0x4  }
0x1da: {  	[tilespmem:s3+$0x68E0] =	vst.add.f32.msk $0xffff, v0;
	s25 =	simm.s32 $0x0;
	s3 =	simm.s32 $0x0;
	s18 =	sadd.s32 s4, s19  }
0x1db: {  	[hbm4b:s18+s25] =	stream.linear.scatter [tilespmem:s29], [sflag:$0x5], $0x3000, $0x38;
	[tilespmem:$0x19300] =	vst v63  }
0x1dc: {  	v0 =	vld [tilespmem:s3+$0x160F0]  }
0x1dd: {  	v1 =	vld [tilespmem:s3+$0x15F00]  }
0x1de: {  	v2 =	vld [tilespmem:s3+$0x15F10]  }
0x1df: {  	v3 =	vld [tilespmem:s3+$0x15F20]  }
0x1e0: {  	v4 =	vld [tilespmem:s3+$0x15F30]  }
0x1e1: {  	v5 =	vld [tilespmem:s3+$0x15F40]  }
0x1e2: {  	v6 =	vld [tilespmem:s3+$0x15F50]  }
0x1e3: {  	v7 =	vld [tilespmem:s3+$0x15F60]  }
0x1e4: {  	v8 =	vld [tilespmem:s3+$0x15F70]  }
0x1e5: {  	v9 =	vld [tilespmem:s3+$0x15F80]  }
0x1e6: {  	v10 =	vld [tilespmem:s3+$0x15F90]  }
0x1e7: {  	v11 =	vld [tilespmem:s3+$0x15FA0]  }
0x1e8: {  	v12 =	vld [tilespmem:s3+$0x15FB0]  }
0x1e9: {  	v13 =	vld [tilespmem:s3+$0x15FC0]  }
0x1ea: {  	v14 =	vld [tilespmem:s3+$0x15FD0]  }
0x1eb: {  	v15 =	vld [tilespmem:s3+$0x15FE0]  }
0x1ec: {  	v16 =	vld [tilespmem:s3+$0x15FF0]  }
0x1ed: {  	v17 =	vld [tilespmem:s3+$0x16000]  }
0x1ee: {  	v18 =	vld [tilespmem:s3+$0x16010]  }
0x1ef: {  	v19 =	vld [tilespmem:s3+$0x16020]  }
0x1f0: {  	v20 =	vld [tilespmem:s3+$0x16030]  }
0x1f1: {  	v21 =	vld [tilespmem:s3+$0x16040]  }
0x1f2: {  	v22 =	vld [tilespmem:s3+$0x16050]  }
0x1f3: {  	v23 =	vld [tilespmem:s3+$0x16060]  }
0x1f4: {  	v24 =	vld [tilespmem:s3+$0x16070]  }
0x1f5: {  	v25 =	vld [tilespmem:s3+$0x16080]  }
0x1f6: {  	v26 =	vld [tilespmem:s3+$0x16090]  }
0x1f7: {  	v27 =	vld [tilespmem:s3+$0x160A0]  }
0x1f8: {  	v28 =	vld [tilespmem:s3+$0x160B0]  }
0x1f9: {  	v29 =	vld [tilespmem:s3+$0x160C0]  }
0x1fa: {  	v30 =	vld [tilespmem:s3+$0x160D0]  }
0x1fb: {  	[tilespmem:s3+$0x98F0] =	vst.add.f32.msk $0xffff, v0  }
0x1fc: {  	v0 =	vld [tilespmem:s3+$0x160E0]  }
0x1fd: {  	[tilespmem:s3+$0x9700] =	vst.add.f32.msk $0xffff, v1  }
0x1fe: {  	[tilespmem:s3+$0x9710] =	vst.add.f32.msk $0xffff, v2  }
0x1ff: {  	[tilespmem:s3+$0x9720] =	vst.add.f32.msk $0xffff, v3  }
0x200: {  	[tilespmem:s3+$0x9730] =	vst.add.f32.msk $0xffff, v4  }
0x201: {  	[tilespmem:s3+$0x9740] =	vst.add.f32.msk $0xffff, v5  }
0x202: {  	[tilespmem:s3+$0x9750] =	vst.add.f32.msk $0xffff, v6  }
0x203: {  	[tilespmem:s3+$0x9760] =	vst.add.f32.msk $0xffff, v7  }
0x204: {  	[tilespmem:s3+$0x9770] =	vst.add.f32.msk $0xffff, v8  }
0x205: {  	[tilespmem:s3+$0x9780] =	vst.add.f32.msk $0xffff, v9  }
0x206: {  	[tilespmem:s3+$0x9790] =	vst.add.f32.msk $0xffff, v10  }
0x207: {  	[tilespmem:s3+$0x97A0] =	vst.add.f32.msk $0xffff, v11  }
0x208: {  	[tilespmem:s3+$0x97B0] =	vst.add.f32.msk $0xffff, v12  }
0x209: {  	[tilespmem:s3+$0x97C0] =	vst.add.f32.msk $0xffff, v13  }
0x20a: {  	[tilespmem:s3+$0x97D0] =	vst.add.f32.msk $0xffff, v14  }
0x20b: {  	[tilespmem:s3+$0x97E0] =	vst.add.f32.msk $0xffff, v15  }
0x20c: {  	[tilespmem:s3+$0x97F0] =	vst.add.f32.msk $0xffff, v16  }
0x20d: {  	[tilespmem:s3+$0x9800] =	vst.add.f32.msk $0xffff, v17  }
0x20e: {  	[tilespmem:s3+$0x9810] =	vst.add.f32.msk $0xffff, v18  }
0x20f: {  	[tilespmem:s3+$0x9820] =	vst.add.f32.msk $0xffff, v19  }
0x210: {  	[tilespmem:s3+$0x9830] =	vst.add.f32.msk $0xffff, v20  }
0x211: {  	[tilespmem:s3+$0x9840] =	vst.add.f32.msk $0xffff, v21  }
0x212: {  	[tilespmem:s3+$0x9850] =	vst.add.f32.msk $0xffff, v22  }
0x213: {  	[tilespmem:s3+$0x9860] =	vst.add.f32.msk $0xffff, v23  }
0x214: {  	[tilespmem:s3+$0x9870] =	vst.add.f32.msk $0xffff, v24  }
0x215: {  	[tilespmem:s3+$0x9880] =	vst.add.f32.msk $0xffff, v25  }
0x216: {  	[tilespmem:s3+$0x9890] =	vst.add.f32.msk $0xffff, v26  }
0x217: {  	[tilespmem:s3+$0x98A0] =	vst.add.f32.msk $0xffff, v27  }
0x218: {  	[tilespmem:s3+$0x98B0] =	vst.add.f32.msk $0xffff, v28  }
0x219: {  	[tilespmem:s3+$0x98C0] =	vst.add.f32.msk $0xffff, v29  }
0x21a: {  	s18 =	simm.s32 $0x60;
	s25 =	simm.s32 $0x800;
	[tilespmem:s3+$0x98D0] =	vst.add.f32.msk $0xffff, v30  }
.LBB2_9:
0x21b: {  	s18 =	sadd.s32 $0x4, s18;
	[tilespmem:s3+$0x98E0] =	vst.add.f32.msk $0xffff, v0;
	s3 =	sshra.s32 s25, $0x2  }
0x21c: {  	v0 =	vld [tilespmem:s3+$0x160F0];
	p1 =	slt.u32 s18, $0xC4  }
0x21d: {  	v1 =	vld [tilespmem:s3+$0x15F00]  }
0x21e: {  	v2 =	vld [tilespmem:s3+$0x15F10]  }
0x21f: {  	v3 =	vld [tilespmem:s3+$0x15F20]  }
0x220: {  	v4 =	vld [tilespmem:s3+$0x15F30]  }
0x221: {  	[tilespmem:s3+$0x98F0] =	vst.add.f32.msk $0xffff, v0  }
0x222: {  	v5 =	vld [tilespmem:s3+$0x15F40]  }
0x223: {  	v6 =	vld [tilespmem:s3+$0x15F50]  }
0x224: {  	v7 =	vld [tilespmem:s3+$0x15F60]  }
0x225: {  	v8 =	vld [tilespmem:s3+$0x15F70]  }
0x226: {  	v9 =	vld [tilespmem:s3+$0x15F80]  }
0x227: {  	v10 =	vld [tilespmem:s3+$0x15F90]  }
0x228: {  	v11 =	vld [tilespmem:s3+$0x15FA0]  }
0x229: {  	v12 =	vld [tilespmem:s3+$0x15FB0]  }
0x22a: {  	v13 =	vld [tilespmem:s3+$0x15FC0]  }
0x22b: {  	v14 =	vld [tilespmem:s3+$0x15FD0]  }
0x22c: {  	v15 =	vld [tilespmem:s3+$0x15FE0]  }
0x22d: {  	v16 =	vld [tilespmem:s3+$0x15FF0]  }
0x22e: {  	v17 =	vld [tilespmem:s3+$0x16000]  }
0x22f: {  	v18 =	vld [tilespmem:s3+$0x16010]  }
0x230: {  	v19 =	vld [tilespmem:s3+$0x16020]  }
0x231: {  	v20 =	vld [tilespmem:s3+$0x16030]  }
0x232: {  	v21 =	vld [tilespmem:s3+$0x16040]  }
0x233: {  	v22 =	vld [tilespmem:s3+$0x16050]  }
0x234: {  	v23 =	vld [tilespmem:s3+$0x16060]  }
0x235: {  	v24 =	vld [tilespmem:s3+$0x16070]  }
0x236: {  	v25 =	vld [tilespmem:s3+$0x16080]  }
0x237: {  	v26 =	vld [tilespmem:s3+$0x16090]  }
0x238: {  	v27 =	vld [tilespmem:s3+$0x160A0]  }
0x239: {  	v28 =	vld [tilespmem:s3+$0x160B0]  }
0x23a: {  	v29 =	vld [tilespmem:s3+$0x160C0]  }
0x23b: {  	v30 =	vld [tilespmem:s3+$0x160D0]  }
0x23c: {  	v0 =	vld [tilespmem:s3+$0x160E0]  }
0x23d: {  	[tilespmem:s3+$0x9700] =	vst.add.f32.msk $0xffff, v1  }
0x23e: {  	[tilespmem:s3+$0x9710] =	vst.add.f32.msk $0xffff, v2  }
0x23f: {  	[tilespmem:s3+$0x9720] =	vst.add.f32.msk $0xffff, v3  }
0x240: {  	[tilespmem:s3+$0x9730] =	vst.add.f32.msk $0xffff, v4  }
0x241: {  	[tilespmem:s3+$0x9740] =	vst.add.f32.msk $0xffff, v5  }
0x242: {  	[tilespmem:s3+$0x9750] =	vst.add.f32.msk $0xffff, v6  }
0x243: {  	[tilespmem:s3+$0x9760] =	vst.add.f32.msk $0xffff, v7  }
0x244: {  	[tilespmem:s3+$0x9770] =	vst.add.f32.msk $0xffff, v8  }
0x245: {  	[tilespmem:s3+$0x9780] =	vst.add.f32.msk $0xffff, v9  }
0x246: {  	[tilespmem:s3+$0x9790] =	vst.add.f32.msk $0xffff, v10  }
0x247: {  	[tilespmem:s3+$0x97A0] =	vst.add.f32.msk $0xffff, v11  }
0x248: {  	[tilespmem:s3+$0x97B0] =	vst.add.f32.msk $0xffff, v12  }
0x249: {  	[tilespmem:s3+$0x97C0] =	vst.add.f32.msk $0xffff, v13  }
0x24a: {  	[tilespmem:s3+$0x97D0] =	vst.add.f32.msk $0xffff, v14  }
0x24b: {  	[tilespmem:s3+$0x97E0] =	vst.add.f32.msk $0xffff, v15  }
0x24c: {  	[tilespmem:s3+$0x97F0] =	vst.add.f32.msk $0xffff, v16  }
0x24d: {  	[tilespmem:s3+$0x9800] =	vst.add.f32.msk $0xffff, v17  }
0x24e: {  	[tilespmem:s3+$0x9810] =	vst.add.f32.msk $0xffff, v18  }
0x24f: {  	[tilespmem:s3+$0x9820] =	vst.add.f32.msk $0xffff, v19  }
0x250: {  	[tilespmem:s3+$0x9830] =	vst.add.f32.msk $0xffff, v20  }
0x251: {  	[tilespmem:s3+$0x9840] =	vst.add.f32.msk $0xffff, v21  }
0x252: {  	[tilespmem:s3+$0x9850] =	vst.add.f32.msk $0xffff, v22  }
0x253: {  	[tilespmem:s3+$0x9860] =	vst.add.f32.msk $0xffff, v23  }
0x254: {  	[tilespmem:s3+$0x9870] =	vst.add.f32.msk $0xffff, v24  }
0x255: {  	[tilespmem:s3+$0x9880] =	vst.add.f32.msk $0xffff, v25  }
.Ltmp5:
0x256: {  	[tilespmem:s3+$0x9890] =	vst.add.f32.msk $0xffff, v26;
	(pc) =	sbr.rel @p1 .LBB2_9-.Ltmp5, $4  }
0x257: {  	[tilespmem:s3+$0x98A0] =	vst.add.f32.msk $0xffff, v27  }
0x258: {  	[tilespmem:s3+$0x98B0] =	vst.add.f32.msk $0xffff, v28  }
0x259: {  	[tilespmem:s3+$0x98C0] =	vst.add.f32.msk $0xffff, v29  }
0x25a: {  	s25 =	sadd.s32 $0x800, s25;
	[tilespmem:s3+$0x98D0] =	vst.add.f32.msk $0xffff, v30  }
.Ltmp6:
0x25b: {  	(pc) =	sbr.rel @p0 .LBB2_16-.Ltmp6, $3  }
0x25c: {  	_ =	sdelay $0x1  }
0x25d: {  	[tilespmem:s3+$0x98E0] =	vst.add.f32.msk $0xffff, v0;
	s25 =	sadd.s32 s19, s11;
	s18 =	simm.s32 $0x9700  }
0x25e: {  	[hbm4b:s25+s5] =	stream.linear.scatter [tilespmem:s18], [sflag:$0x5], $0x3400, $0x38;
	[tilespmem:$0x19300] =	vst v63  }
0x25f: {  	s19 =	smul.u32 $0x300, s21;
	_ =	sdelay $0x1  }
0x260: {  	s3 =	sadd.s32 s19, s14  }
0x261: {  	s3 =	sshrl.u32 s3, $0x3  }
0x262: {  	s18 =	simm.s32 $0x0;
	s3 =	sadd.s32 s6, s3  }
0x263: {  	[tilespmem:s20], [sflag:$0x8] =	stream.linear.gather [hbm4b:s3+s18], $0x100, $0x38;
	[tilespmem:$0x19300] =	vst v63  }
0x264: {  	_ =	swait.ge [sflag:s9], $0x6400  }
0x265: {  	[sflag:s9] =	ssyncset.done $0x0  }
0x266: {  	[sflag:s9] =	ssyncadd.s32 $0xFFFF9C00  }
0x267: {  	_ =	swait.ge [sflag:s22], $0x100  }
0x268: {  	[sflag:s22] =	ssyncset.done $0x0  }
0x269: {  	[sflag:s22] =	ssyncadd.s32 $0xFFFFFF00  }
0x26a: {  	[tilespmem:s24], [sflag:$0x1] =	stream.indirect.gather [hbm4b:s1+s23], $0x80, s18, s23, $0xb8;
	[tilespmem:$0x19300] =	vst v63  }
0x26b: {  	s25 =	simm.s32 $0x80  }
0x26c: {  	[tilespmem:s26], [sflag:$0x1] =	stream.indirect.gather [hbm4b:s1+s23], $0x80, s25, s23, $0xb8;
	[tilespmem:$0x19300] =	vst v63  }
0x26d: {  	_ =	swait.ge [sflag:s17], $0x3200  }
0x26e: {  	[sflag:s17] =	ssyncset.done $0x0  }
0x26f: {  	[sflag:s17] =	ssyncadd.s32 $0xFFFFCE00  }
0x270: {  	_ =	swait.ge [sflag:s17], $0x3200  }
0x271: {  	[sflag:s17] =	ssyncset.done $0x0  }
0x272: {  	s3 =	simm.s32 $0x0;
	[sflag:s17] =	ssyncadd.s32 $0xFFFFCE00  }
0x273: {  	v0 =	vld [tilespmem:s3+$0x130F0]  }
0x274: {  	v1 =	vld [tilespmem:s3+$0x12F00]  }
0x275: {  	v2 =	vld [tilespmem:s3+$0x12F10]  }
0x276: {  	v3 =	vld [tilespmem:s3+$0x12F20]  }
0x277: {  	v4 =	vld [tilespmem:s3+$0x12F30]  }
0x278: {  	v5 =	vld [tilespmem:s3+$0x12F40]  }
0x279: {  	v6 =	vld [tilespmem:s3+$0x12F50]  }
0x27a: {  	v7 =	vld [tilespmem:s3+$0x12F60]  }
0x27b: {  	v8 =	vld [tilespmem:s3+$0x12F70]  }
0x27c: {  	v9 =	vld [tilespmem:s3+$0x12F80]  }
0x27d: {  	v10 =	vld [tilespmem:s3+$0x12F90]  }
0x27e: {  	v11 =	vld [tilespmem:s3+$0x12FA0]  }
0x27f: {  	v12 =	vld [tilespmem:s3+$0x12FB0]  }
0x280: {  	v13 =	vld [tilespmem:s3+$0x12FC0]  }
0x281: {  	v14 =	vld [tilespmem:s3+$0x12FD0]  }
0x282: {  	v15 =	vld [tilespmem:s3+$0x12FE0]  }
0x283: {  	v16 =	vld [tilespmem:s3+$0x12FF0]  }
0x284: {  	v17 =	vld [tilespmem:s3+$0x13000]  }
0x285: {  	v18 =	vld [tilespmem:s3+$0x13010]  }
0x286: {  	v19 =	vld [tilespmem:s3+$0x13020]  }
0x287: {  	v20 =	vld [tilespmem:s3+$0x13030]  }
0x288: {  	v21 =	vld [tilespmem:s3+$0x13040]  }
0x289: {  	v22 =	vld [tilespmem:s3+$0x13050]  }
0x28a: {  	v23 =	vld [tilespmem:s3+$0x13060]  }
0x28b: {  	v24 =	vld [tilespmem:s3+$0x13070]  }
0x28c: {  	v25 =	vld [tilespmem:s3+$0x13080]  }
0x28d: {  	v26 =	vld [tilespmem:s3+$0x13090]  }
0x28e: {  	v27 =	vld [tilespmem:s3+$0x130A0]  }
0x28f: {  	v28 =	vld [tilespmem:s3+$0x130B0]  }
0x290: {  	v29 =	vld [tilespmem:s3+$0x130C0]  }
0x291: {  	v30 =	vld [tilespmem:s3+$0x130D0]  }
0x292: {  	[tilespmem:s3+$0xCCF0] =	vst.add.f32.msk $0xffff, v0  }
0x293: {  	v0 =	vld [tilespmem:s3+$0x130E0]  }
0x294: {  	[tilespmem:s3+$0xCB00] =	vst.add.f32.msk $0xffff, v1  }
0x295: {  	[tilespmem:s3+$0xCB10] =	vst.add.f32.msk $0xffff, v2  }
0x296: {  	[tilespmem:s3+$0xCB20] =	vst.add.f32.msk $0xffff, v3  }
0x297: {  	[tilespmem:s3+$0xCB30] =	vst.add.f32.msk $0xffff, v4  }
0x298: {  	[tilespmem:s3+$0xCB40] =	vst.add.f32.msk $0xffff, v5  }
0x299: {  	[tilespmem:s3+$0xCB50] =	vst.add.f32.msk $0xffff, v6  }
0x29a: {  	[tilespmem:s3+$0xCB60] =	vst.add.f32.msk $0xffff, v7  }
0x29b: {  	[tilespmem:s3+$0xCB70] =	vst.add.f32.msk $0xffff, v8  }
0x29c: {  	[tilespmem:s3+$0xCB80] =	vst.add.f32.msk $0xffff, v9  }
0x29d: {  	[tilespmem:s3+$0xCB90] =	vst.add.f32.msk $0xffff, v10  }
0x29e: {  	[tilespmem:s3+$0xCBA0] =	vst.add.f32.msk $0xffff, v11  }
0x29f: {  	[tilespmem:s3+$0xCBB0] =	vst.add.f32.msk $0xffff, v12  }
0x2a0: {  	[tilespmem:s3+$0xCBC0] =	vst.add.f32.msk $0xffff, v13  }
0x2a1: {  	[tilespmem:s3+$0xCBD0] =	vst.add.f32.msk $0xffff, v14  }
0x2a2: {  	[tilespmem:s3+$0xCBE0] =	vst.add.f32.msk $0xffff, v15  }
0x2a3: {  	[tilespmem:s3+$0xCBF0] =	vst.add.f32.msk $0xffff, v16  }
0x2a4: {  	[tilespmem:s3+$0xCC00] =	vst.add.f32.msk $0xffff, v17  }
0x2a5: {  	[tilespmem:s3+$0xCC10] =	vst.add.f32.msk $0xffff, v18  }
0x2a6: {  	[tilespmem:s3+$0xCC20] =	vst.add.f32.msk $0xffff, v19  }
0x2a7: {  	[tilespmem:s3+$0xCC30] =	vst.add.f32.msk $0xffff, v20  }
0x2a8: {  	[tilespmem:s3+$0xCC40] =	vst.add.f32.msk $0xffff, v21  }
0x2a9: {  	[tilespmem:s3+$0xCC50] =	vst.add.f32.msk $0xffff, v22  }
0x2aa: {  	[tilespmem:s3+$0xCC60] =	vst.add.f32.msk $0xffff, v23  }
0x2ab: {  	[tilespmem:s3+$0xCC70] =	vst.add.f32.msk $0xffff, v24  }
0x2ac: {  	[tilespmem:s3+$0xCC80] =	vst.add.f32.msk $0xffff, v25  }
0x2ad: {  	[tilespmem:s3+$0xCC90] =	vst.add.f32.msk $0xffff, v26  }
0x2ae: {  	[tilespmem:s3+$0xCCA0] =	vst.add.f32.msk $0xffff, v27  }
0x2af: {  	[tilespmem:s3+$0xCCB0] =	vst.add.f32.msk $0xffff, v28  }
0x2b0: {  	[tilespmem:s3+$0xCCC0] =	vst.add.f32.msk $0xffff, v29  }
0x2b1: {  	s18 =	simm.s32 $0x0;
	s25 =	simm.s32 $0x800;
	[tilespmem:s3+$0xCCD0] =	vst.add.f32.msk $0xffff, v30  }
.LBB2_12:
0x2b2: {  	s18 =	sadd.s32 $0x4, s18;
	[tilespmem:s3+$0xCCE0] =	vst.add.f32.msk $0xffff, v0;
	s3 =	sshra.s32 s25, $0x2  }
0x2b3: {  	v0 =	vld [tilespmem:s3+$0x130F0];
	p0 =	slt.u32 s18, $0x5C  }
0x2b4: {  	v1 =	vld [tilespmem:s3+$0x12F00]  }
0x2b5: {  	v2 =	vld [tilespmem:s3+$0x12F10]  }
0x2b6: {  	v3 =	vld [tilespmem:s3+$0x12F20]  }
0x2b7: {  	v4 =	vld [tilespmem:s3+$0x12F30]  }
0x2b8: {  	[tilespmem:s3+$0xCCF0] =	vst.add.f32.msk $0xffff, v0  }
0x2b9: {  	v5 =	vld [tilespmem:s3+$0x12F40]  }
0x2ba: {  	v6 =	vld [tilespmem:s3+$0x12F50]  }
0x2bb: {  	v7 =	vld [tilespmem:s3+$0x12F60]  }
0x2bc: {  	v8 =	vld [tilespmem:s3+$0x12F70]  }
0x2bd: {  	v9 =	vld [tilespmem:s3+$0x12F80]  }
0x2be: {  	v10 =	vld [tilespmem:s3+$0x12F90]  }
0x2bf: {  	v11 =	vld [tilespmem:s3+$0x12FA0]  }
0x2c0: {  	v12 =	vld [tilespmem:s3+$0x12FB0]  }
0x2c1: {  	v13 =	vld [tilespmem:s3+$0x12FC0]  }
0x2c2: {  	v14 =	vld [tilespmem:s3+$0x12FD0]  }
0x2c3: {  	v15 =	vld [tilespmem:s3+$0x12FE0]  }
0x2c4: {  	v16 =	vld [tilespmem:s3+$0x12FF0]  }
0x2c5: {  	v17 =	vld [tilespmem:s3+$0x13000]  }
0x2c6: {  	v18 =	vld [tilespmem:s3+$0x13010]  }
0x2c7: {  	v19 =	vld [tilespmem:s3+$0x13020]  }
0x2c8: {  	v20 =	vld [tilespmem:s3+$0x13030]  }
0x2c9: {  	v21 =	vld [tilespmem:s3+$0x13040]  }
0x2ca: {  	v22 =	vld [tilespmem:s3+$0x13050]  }
0x2cb: {  	v23 =	vld [tilespmem:s3+$0x13060]  }
0x2cc: {  	v24 =	vld [tilespmem:s3+$0x13070]  }
0x2cd: {  	v25 =	vld [tilespmem:s3+$0x13080]  }
0x2ce: {  	v26 =	vld [tilespmem:s3+$0x13090]  }
0x2cf: {  	v27 =	vld [tilespmem:s3+$0x130A0]  }
0x2d0: {  	v28 =	vld [tilespmem:s3+$0x130B0]  }
0x2d1: {  	v29 =	vld [tilespmem:s3+$0x130C0]  }
0x2d2: {  	v30 =	vld [tilespmem:s3+$0x130D0]  }
0x2d3: {  	v0 =	vld [tilespmem:s3+$0x130E0]  }
0x2d4: {  	[tilespmem:s3+$0xCB00] =	vst.add.f32.msk $0xffff, v1  }
0x2d5: {  	[tilespmem:s3+$0xCB10] =	vst.add.f32.msk $0xffff, v2  }
0x2d6: {  	[tilespmem:s3+$0xCB20] =	vst.add.f32.msk $0xffff, v3  }
0x2d7: {  	[tilespmem:s3+$0xCB30] =	vst.add.f32.msk $0xffff, v4  }
0x2d8: {  	[tilespmem:s3+$0xCB40] =	vst.add.f32.msk $0xffff, v5  }
0x2d9: {  	[tilespmem:s3+$0xCB50] =	vst.add.f32.msk $0xffff, v6  }
0x2da: {  	[tilespmem:s3+$0xCB60] =	vst.add.f32.msk $0xffff, v7  }
0x2db: {  	[tilespmem:s3+$0xCB70] =	vst.add.f32.msk $0xffff, v8  }
0x2dc: {  	[tilespmem:s3+$0xCB80] =	vst.add.f32.msk $0xffff, v9  }
0x2dd: {  	[tilespmem:s3+$0xCB90] =	vst.add.f32.msk $0xffff, v10  }
0x2de: {  	[tilespmem:s3+$0xCBA0] =	vst.add.f32.msk $0xffff, v11  }
0x2df: {  	[tilespmem:s3+$0xCBB0] =	vst.add.f32.msk $0xffff, v12  }
0x2e0: {  	[tilespmem:s3+$0xCBC0] =	vst.add.f32.msk $0xffff, v13  }
0x2e1: {  	[tilespmem:s3+$0xCBD0] =	vst.add.f32.msk $0xffff, v14  }
0x2e2: {  	[tilespmem:s3+$0xCBE0] =	vst.add.f32.msk $0xffff, v15  }
0x2e3: {  	[tilespmem:s3+$0xCBF0] =	vst.add.f32.msk $0xffff, v16  }
0x2e4: {  	[tilespmem:s3+$0xCC00] =	vst.add.f32.msk $0xffff, v17  }
0x2e5: {  	[tilespmem:s3+$0xCC10] =	vst.add.f32.msk $0xffff, v18  }
0x2e6: {  	[tilespmem:s3+$0xCC20] =	vst.add.f32.msk $0xffff, v19  }
0x2e7: {  	[tilespmem:s3+$0xCC30] =	vst.add.f32.msk $0xffff, v20  }
0x2e8: {  	[tilespmem:s3+$0xCC40] =	vst.add.f32.msk $0xffff, v21  }
0x2e9: {  	[tilespmem:s3+$0xCC50] =	vst.add.f32.msk $0xffff, v22  }
0x2ea: {  	[tilespmem:s3+$0xCC60] =	vst.add.f32.msk $0xffff, v23  }
0x2eb: {  	[tilespmem:s3+$0xCC70] =	vst.add.f32.msk $0xffff, v24  }
0x2ec: {  	[tilespmem:s3+$0xCC80] =	vst.add.f32.msk $0xffff, v25  }
.Ltmp7:
0x2ed: {  	[tilespmem:s3+$0xCC90] =	vst.add.f32.msk $0xffff, v26;
	(pc) =	sbr.rel @p0 .LBB2_12-.Ltmp7, $4  }
0x2ee: {  	[tilespmem:s3+$0xCCA0] =	vst.add.f32.msk $0xffff, v27  }
0x2ef: {  	[tilespmem:s3+$0xCCB0] =	vst.add.f32.msk $0xffff, v28  }
0x2f0: {  	[tilespmem:s3+$0xCCC0] =	vst.add.f32.msk $0xffff, v29  }
0x2f1: {  	s25 =	sadd.s32 $0x800, s25;
	[tilespmem:s3+$0xCCD0] =	vst.add.f32.msk $0xffff, v30  }
0x2f2: {  	s8 =	sadd.s32 s8, s15  }
0x2f3: {  	s8 =	sshll.u32 s8, $0x4  }
0x2f4: {  	[tilespmem:s3+$0xCCE0] =	vst.add.f32.msk $0xffff, v0;
	s18 =	simm.s32 $0x0;
	s25 =	simm.s32 $0xCB00;
	s3 =	sadd.s32 s4, s8  }
0x2f5: {  	[hbm4b:s3+s18] =	stream.linear.scatter [tilespmem:s25], [sflag:$0x6], $0x3000, $0x38;
	[tilespmem:$0x19300] =	vst v63  }
0x2f6: {  	s3 =	simm.s32 $0x0  }
0x2f7: {  	v0 =	vld [tilespmem:s3+$0x160F0]  }
0x2f8: {  	v1 =	vld [tilespmem:s3+$0x15F00]  }
0x2f9: {  	v2 =	vld [tilespmem:s3+$0x15F10]  }
0x2fa: {  	v3 =	vld [tilespmem:s3+$0x15F20]  }
0x2fb: {  	v4 =	vld [tilespmem:s3+$0x15F30]  }
0x2fc: {  	v5 =	vld [tilespmem:s3+$0x15F40]  }
0x2fd: {  	v6 =	vld [tilespmem:s3+$0x15F50]  }
0x2fe: {  	v7 =	vld [tilespmem:s3+$0x15F60]  }
0x2ff: {  	v8 =	vld [tilespmem:s3+$0x15F70]  }
0x300: {  	v9 =	vld [tilespmem:s3+$0x15F80]  }
0x301: {  	v10 =	vld [tilespmem:s3+$0x15F90]  }
0x302: {  	v11 =	vld [tilespmem:s3+$0x15FA0]  }
0x303: {  	v12 =	vld [tilespmem:s3+$0x15FB0]  }
0x304: {  	v13 =	vld [tilespmem:s3+$0x15FC0]  }
0x305: {  	v14 =	vld [tilespmem:s3+$0x15FD0]  }
0x306: {  	v15 =	vld [tilespmem:s3+$0x15FE0]  }
0x307: {  	v16 =	vld [tilespmem:s3+$0x15FF0]  }
0x308: {  	v17 =	vld [tilespmem:s3+$0x16000]  }
0x309: {  	v18 =	vld [tilespmem:s3+$0x16010]  }
0x30a: {  	v19 =	vld [tilespmem:s3+$0x16020]  }
0x30b: {  	v20 =	vld [tilespmem:s3+$0x16030]  }
0x30c: {  	v21 =	vld [tilespmem:s3+$0x16040]  }
0x30d: {  	v22 =	vld [tilespmem:s3+$0x16050]  }
0x30e: {  	v23 =	vld [tilespmem:s3+$0x16060]  }
0x30f: {  	v24 =	vld [tilespmem:s3+$0x16070]  }
0x310: {  	v25 =	vld [tilespmem:s3+$0x16080]  }
0x311: {  	v26 =	vld [tilespmem:s3+$0x16090]  }
0x312: {  	v27 =	vld [tilespmem:s3+$0x160A0]  }
0x313: {  	v28 =	vld [tilespmem:s3+$0x160B0]  }
0x314: {  	v29 =	vld [tilespmem:s3+$0x160C0]  }
0x315: {  	v30 =	vld [tilespmem:s3+$0x160D0]  }
0x316: {  	[tilespmem:s3+$0xFCF0] =	vst.add.f32.msk $0xffff, v0  }
0x317: {  	v0 =	vld [tilespmem:s3+$0x160E0]  }
0x318: {  	[tilespmem:s3+$0xFB00] =	vst.add.f32.msk $0xffff, v1  }
0x319: {  	[tilespmem:s3+$0xFB10] =	vst.add.f32.msk $0xffff, v2  }
0x31a: {  	[tilespmem:s3+$0xFB20] =	vst.add.f32.msk $0xffff, v3  }
0x31b: {  	[tilespmem:s3+$0xFB30] =	vst.add.f32.msk $0xffff, v4  }
0x31c: {  	[tilespmem:s3+$0xFB40] =	vst.add.f32.msk $0xffff, v5  }
0x31d: {  	[tilespmem:s3+$0xFB50] =	vst.add.f32.msk $0xffff, v6  }
0x31e: {  	[tilespmem:s3+$0xFB60] =	vst.add.f32.msk $0xffff, v7  }
0x31f: {  	[tilespmem:s3+$0xFB70] =	vst.add.f32.msk $0xffff, v8  }
0x320: {  	[tilespmem:s3+$0xFB80] =	vst.add.f32.msk $0xffff, v9  }
0x321: {  	[tilespmem:s3+$0xFB90] =	vst.add.f32.msk $0xffff, v10  }
0x322: {  	[tilespmem:s3+$0xFBA0] =	vst.add.f32.msk $0xffff, v11  }
0x323: {  	[tilespmem:s3+$0xFBB0] =	vst.add.f32.msk $0xffff, v12  }
0x324: {  	[tilespmem:s3+$0xFBC0] =	vst.add.f32.msk $0xffff, v13  }
0x325: {  	[tilespmem:s3+$0xFBD0] =	vst.add.f32.msk $0xffff, v14  }
0x326: {  	[tilespmem:s3+$0xFBE0] =	vst.add.f32.msk $0xffff, v15  }
0x327: {  	[tilespmem:s3+$0xFBF0] =	vst.add.f32.msk $0xffff, v16  }
0x328: {  	[tilespmem:s3+$0xFC00] =	vst.add.f32.msk $0xffff, v17  }
0x329: {  	[tilespmem:s3+$0xFC10] =	vst.add.f32.msk $0xffff, v18  }
0x32a: {  	[tilespmem:s3+$0xFC20] =	vst.add.f32.msk $0xffff, v19  }
0x32b: {  	[tilespmem:s3+$0xFC30] =	vst.add.f32.msk $0xffff, v20  }
0x32c: {  	[tilespmem:s3+$0xFC40] =	vst.add.f32.msk $0xffff, v21  }
0x32d: {  	[tilespmem:s3+$0xFC50] =	vst.add.f32.msk $0xffff, v22  }
0x32e: {  	[tilespmem:s3+$0xFC60] =	vst.add.f32.msk $0xffff, v23  }
0x32f: {  	[tilespmem:s3+$0xFC70] =	vst.add.f32.msk $0xffff, v24  }
0x330: {  	[tilespmem:s3+$0xFC80] =	vst.add.f32.msk $0xffff, v25  }
0x331: {  	[tilespmem:s3+$0xFC90] =	vst.add.f32.msk $0xffff, v26  }
0x332: {  	[tilespmem:s3+$0xFCA0] =	vst.add.f32.msk $0xffff, v27  }
0x333: {  	[tilespmem:s3+$0xFCB0] =	vst.add.f32.msk $0xffff, v28  }
0x334: {  	[tilespmem:s3+$0xFCC0] =	vst.add.f32.msk $0xffff, v29  }
0x335: {  	s18 =	simm.s32 $0x60;
	s25 =	simm.s32 $0x800;
	[tilespmem:s3+$0xFCD0] =	vst.add.f32.msk $0xffff, v30  }
.LBB2_14:
0x336: {  	s18 =	sadd.s32 $0x4, s18;
	[tilespmem:s3+$0xFCE0] =	vst.add.f32.msk $0xffff, v0;
	s3 =	sshra.s32 s25, $0x2  }
0x337: {  	v0 =	vld [tilespmem:s3+$0x160F0];
	p0 =	slt.u32 s18, $0xC4  }
0x338: {  	v1 =	vld [tilespmem:s3+$0x15F00]  }
0x339: {  	v2 =	vld [tilespmem:s3+$0x15F10]  }
0x33a: {  	v3 =	vld [tilespmem:s3+$0x15F20]  }
0x33b: {  	v4 =	vld [tilespmem:s3+$0x15F30]  }
0x33c: {  	[tilespmem:s3+$0xFCF0] =	vst.add.f32.msk $0xffff, v0  }
0x33d: {  	v5 =	vld [tilespmem:s3+$0x15F40]  }
0x33e: {  	v6 =	vld [tilespmem:s3+$0x15F50]  }
0x33f: {  	v7 =	vld [tilespmem:s3+$0x15F60]  }
0x340: {  	v8 =	vld [tilespmem:s3+$0x15F70]  }
0x341: {  	v9 =	vld [tilespmem:s3+$0x15F80]  }
0x342: {  	v10 =	vld [tilespmem:s3+$0x15F90]  }
0x343: {  	v11 =	vld [tilespmem:s3+$0x15FA0]  }
0x344: {  	v12 =	vld [tilespmem:s3+$0x15FB0]  }
0x345: {  	v13 =	vld [tilespmem:s3+$0x15FC0]  }
0x346: {  	v14 =	vld [tilespmem:s3+$0x15FD0]  }
0x347: {  	v15 =	vld [tilespmem:s3+$0x15FE0]  }
0x348: {  	v16 =	vld [tilespmem:s3+$0x15FF0]  }
0x349: {  	v17 =	vld [tilespmem:s3+$0x16000]  }
0x34a: {  	v18 =	vld [tilespmem:s3+$0x16010]  }
0x34b: {  	v19 =	vld [tilespmem:s3+$0x16020]  }
0x34c: {  	v20 =	vld [tilespmem:s3+$0x16030]  }
0x34d: {  	v21 =	vld [tilespmem:s3+$0x16040]  }
0x34e: {  	v22 =	vld [tilespmem:s3+$0x16050]  }
0x34f: {  	v23 =	vld [tilespmem:s3+$0x16060]  }
0x350: {  	v24 =	vld [tilespmem:s3+$0x16070]  }
0x351: {  	v25 =	vld [tilespmem:s3+$0x16080]  }
0x352: {  	v26 =	vld [tilespmem:s3+$0x16090]  }
0x353: {  	v27 =	vld [tilespmem:s3+$0x160A0]  }
0x354: {  	v28 =	vld [tilespmem:s3+$0x160B0]  }
0x355: {  	v29 =	vld [tilespmem:s3+$0x160C0]  }
0x356: {  	v30 =	vld [tilespmem:s3+$0x160D0]  }
0x357: {  	v0 =	vld [tilespmem:s3+$0x160E0]  }
0x358: {  	[tilespmem:s3+$0xFB00] =	vst.add.f32.msk $0xffff, v1  }
0x359: {  	[tilespmem:s3+$0xFB10] =	vst.add.f32.msk $0xffff, v2  }
0x35a: {  	[tilespmem:s3+$0xFB20] =	vst.add.f32.msk $0xffff, v3  }
0x35b: {  	[tilespmem:s3+$0xFB30] =	vst.add.f32.msk $0xffff, v4  }
0x35c: {  	[tilespmem:s3+$0xFB40] =	vst.add.f32.msk $0xffff, v5  }
0x35d: {  	[tilespmem:s3+$0xFB50] =	vst.add.f32.msk $0xffff, v6  }
0x35e: {  	[tilespmem:s3+$0xFB60] =	vst.add.f32.msk $0xffff, v7  }
0x35f: {  	[tilespmem:s3+$0xFB70] =	vst.add.f32.msk $0xffff, v8  }
0x360: {  	[tilespmem:s3+$0xFB80] =	vst.add.f32.msk $0xffff, v9  }
0x361: {  	[tilespmem:s3+$0xFB90] =	vst.add.f32.msk $0xffff, v10  }
0x362: {  	[tilespmem:s3+$0xFBA0] =	vst.add.f32.msk $0xffff, v11  }
0x363: {  	[tilespmem:s3+$0xFBB0] =	vst.add.f32.msk $0xffff, v12  }
0x364: {  	[tilespmem:s3+$0xFBC0] =	vst.add.f32.msk $0xffff, v13  }
0x365: {  	[tilespmem:s3+$0xFBD0] =	vst.add.f32.msk $0xffff, v14  }
0x366: {  	[tilespmem:s3+$0xFBE0] =	vst.add.f32.msk $0xffff, v15  }
0x367: {  	[tilespmem:s3+$0xFBF0] =	vst.add.f32.msk $0xffff, v16  }
0x368: {  	[tilespmem:s3+$0xFC00] =	vst.add.f32.msk $0xffff, v17  }
0x369: {  	[tilespmem:s3+$0xFC10] =	vst.add.f32.msk $0xffff, v18  }
0x36a: {  	[tilespmem:s3+$0xFC20] =	vst.add.f32.msk $0xffff, v19  }
0x36b: {  	[tilespmem:s3+$0xFC30] =	vst.add.f32.msk $0xffff, v20  }
0x36c: {  	[tilespmem:s3+$0xFC40] =	vst.add.f32.msk $0xffff, v21  }
0x36d: {  	[tilespmem:s3+$0xFC50] =	vst.add.f32.msk $0xffff, v22  }
0x36e: {  	[tilespmem:s3+$0xFC60] =	vst.add.f32.msk $0xffff, v23  }
0x36f: {  	[tilespmem:s3+$0xFC70] =	vst.add.f32.msk $0xffff, v24  }
0x370: {  	[tilespmem:s3+$0xFC80] =	vst.add.f32.msk $0xffff, v25  }
.Ltmp8:
0x371: {  	[tilespmem:s3+$0xFC90] =	vst.add.f32.msk $0xffff, v26;
	(pc) =	sbr.rel @p0 .LBB2_14-.Ltmp8, $4  }
0x372: {  	[tilespmem:s3+$0xFCA0] =	vst.add.f32.msk $0xffff, v27  }
0x373: {  	[tilespmem:s3+$0xFCB0] =	vst.add.f32.msk $0xffff, v28  }
0x374: {  	[tilespmem:s3+$0xFCC0] =	vst.add.f32.msk $0xffff, v29  }
0x375: {  	s25 =	sadd.s32 $0x800, s25;
	[tilespmem:s3+$0xFCD0] =	vst.add.f32.msk $0xffff, v30  }
0x376: {  	[tilespmem:s3+$0xFCE0] =	vst.add.f32.msk $0xffff, v0;
	s18 =	sadd.s32 s8, s11;
	s25 =	simm.s32 $0xFB00;
	p0 =	sgt.u32 s21, $0x28  }
0x377: {  	[hbm4b:s18+s5] =	stream.linear.scatter [tilespmem:s25], [sflag:$0x6], $0x3400, $0x38;
	[tilespmem:$0x19300] =	vst v63  }
0x378: {  	s3 =	sadd.s32 @!p0 s19, s16  }
0x379: {  	s3 =	sshrl.u32 @!p0 s3, $0x3  }
0x37a: {  	s8 =	simm.s32 @!p0 $0x0;
	s18 =	simm.s32 @!p0 $0x200;
	s3 =	sadd.s32 @!p0 s6, s3  }
0x37b: {  	[tilespmem:s18], [sflag:$0x9] =	stream.linear.gather @!p0 [hbm4b:s3+s8], $0x100, $0x38;
	[tilespmem:$0x19300] =	vst v63  }
0x37c: {  	_ =	swait.ge [sflag:s10], $0x6400  }
0x37d: {  	[sflag:s10] =	ssyncset.done $0x0  }
0x37e: {  	s21 =	sadd.s32 $0x1, s21;
	[sflag:s10] =	ssyncadd.s32 $0xFFFF9C00  }
0x37f: {  	p0 =	sne.s32 s21, $0x2B;
	_ =	swait.ge [sflag:s28], $0x100  }
.Ltmp9:
0x380: {  	[sflag:s28] =	ssyncset.done $0x0;
	(pc) =	sbr.rel @p0 .LBB2_2-.Ltmp9, $4  }
.Ltmp10:
0x381: {  	[sflag:s28] =	ssyncadd.s32 $0xFFFFFF00;
	(pc) =	sbr.rel @!p0 .LBB2_16-.Ltmp10, $4  }
0x382: {  	[tilespmem:s29], [sflag:$0x2] =	stream.indirect.gather [hbm4b:s1+s23], $0x80, s20, s23, $0xb8;
	[tilespmem:$0x19300] =	vst v63  }
0x383: {  	_ = 	snop  }
0x384: {  	[tilespmem:s31], [sflag:$0x2] =	stream.indirect.gather [hbm4b:s1+s23], $0x80, s30, s23, $0xb8;
	[tilespmem:$0x19300] =	vst v63  }
0x385: {  	_ = 	snop  }
.LBB2_17:
0x386: {  	_ =	sfence.sel $0x180000  }
0x387: {  	[bflag:$0x0] =	sbarrier.arrive $0xFFFF  }
0x388: {  	_ =	strace $0x90000047  }
0x389: {  	s0 =	stileid.u32;
	[bflag:$0x2] =	sbarrier.arrive $0xFFFF  }
0x38a: {  	p0 =	sne.s32 s0, $0x0;
	s0 =	rddreg [dreg:$0x4]  }
0x38b: {  	s0 =	sadd.s32 @!p0 $0x100000, s0  }
0x38c: {  	[sflag:s0] =	ssyncadd.tile.s32 @!p0 $0x1;
	_ =	shalt  }
.Lfunc_end2:
_tile_overlayer_lowered:
.L_overlay_start_2:
0x38d: {  	(tag) =	ssettag $0x2  }
0x38e: {  	s0 =	rddreg [dreg:$0x0];
	s2 =	stileid.u32  }
0x38f: {  	s1 =	rddreg [dreg:$0x1];
	p0 =	sne.s32 s2, $0x0  }
0x390: {  	s3 =	rddreg [dreg:$0x2];
	[bflag:$0x3] =	sbarrier.arrive $0xFFFF;
	s2 =	simm.s32 @!p0 $0x1C0A  }
0x391: {  	[timem:s3], [sflag:s2] =	dma.local @!p0 [hbm:s0], s1  }
0x392: {  	s0 =	simm.s32 @!p0 $0xA  }
0x393: {  	_ =	swait.ge @!p0 [sflag:s0], s1  }
0x394: {  	s1 =	ssub.s32 @!p0 $0x0, s1;
	[sflag:s0] =	ssyncset.done @!p0 $0x0  }
0x395: {  	[sflag:s0] =	ssyncadd.s32 @!p0 s1  }
0x396: {  	[bflag:$0x3] =	sbarrier.arrive $0xFFFF  }
0x397: {  	_ =	shalt  }

</sc_bundles>
